<compile_context>
chip_gen: v7x
topology: tpu7x:2x2x1
jax: 0.10.2.dev20260603
libtpu: 0.0.44.dev20260713+nightly
codegen_flags: <defaults>
</compile_context>

<pallas_src>
import functools
import jax
import jax.numpy as jnp
from jax import lax
from jax.experimental import pallas as pl
from jax.experimental.pallas import tpu as pltpu
from jax.experimental.pallas import tpu_sc as plsc

N_NODES = 10000
N_EDGES = 320000
D = 128
HEADS = 8
OUT_CH = 16

NB = 2000
EB = 2560


def _mm2_kernel(x_ref, wl_ref, bl_ref, wr_ref, br_ref, xl_ref, xr_ref):
    x = x_ref[...]
    xl_ref[...] = jnp.dot(x, wl_ref[...], preferred_element_type=jnp.float32) + bl_ref[...]
    xr_ref[...] = jnp.dot(x, wr_ref[...], preferred_element_type=jnp.float32) + br_ref[...]


def _node_pre(x, wl, bl, wr, br):
    grid = (N_NODES // NB,)
    bs_x = pl.BlockSpec((NB, D), lambda i: (i, 0))
    bs_w = pl.BlockSpec((D, D), lambda i: (0, 0))
    bs_b = pl.BlockSpec((1, D), lambda i: (0, 0))
    return pl.pallas_call(
        _mm2_kernel,
        grid=grid,
        in_specs=[bs_x, bs_w, bs_b, bs_w, bs_b],
        out_specs=[bs_x, bs_x],
        out_shape=[jax.ShapeDtypeStruct((N_NODES, D), jnp.float32)] * 2,
    )(x, wl, bl, wr, br)


def _edge_kernel(ef_ref, gl_ref, gr_ref, oh_ref, wue_ref, bue_ref, att_ref,
                 contrib_ref, exw_ref):
    e = jnp.dot(ef_ref[...], wue_ref[...], preferred_element_type=jnp.float32)
    m = gl_ref[...] + gr_ref[...] + e + bue_ref[...]
    m = jnp.maximum(m, 0.2 * m)
    t = m * att_ref[...]
    gl = gl_ref[...]
    cols = []
    exs = []
    for h in range(HEADS):
        s = jnp.sum(t[:, h * OUT_CH:(h + 1) * OUT_CH], axis=1, keepdims=True)
        ex = jnp.exp(s)
        exs.append(ex)
        cols.append(gl[:, h * OUT_CH:(h + 1) * OUT_CH] * ex)
    contrib_ref[...] = jnp.concatenate(cols, axis=1)
    z = jnp.zeros((ef_ref.shape[0], 1), jnp.float32)
    slot = jnp.concatenate(exs + [z] * 8, axis=1)
    oh = oh_ref[...]
    exw_ref[...] = jnp.concatenate(
        [slot * oh[:, r:r + 1] for r in range(8)], axis=1)


def _edge_pass(ef, gl, gr, oh8, wue, bue, att_flat):
    grid = (N_EDGES // EB,)
    bs_e = pl.BlockSpec((EB, D), lambda i: (i, 0))
    bs_w = pl.BlockSpec((D, D), lambda i: (0, 0))
    bs_b = pl.BlockSpec((1, D), lambda i: (0, 0))
    bs_o = pl.BlockSpec((EB, 8), lambda i: (i, 0))
    return pl.pallas_call(
        _edge_kernel,
        grid=grid,
        in_specs=[bs_e, bs_e, bs_e, bs_o, bs_w, bs_b, bs_b],
        out_specs=[bs_e, bs_e],
        out_shape=[jax.ShapeDtypeStruct((N_EDGES, D), jnp.float32),
                   jax.ShapeDtypeStruct((N_EDGES, D), jnp.float32)],
    )(ef, gl, gr, oh8, wue, bue, att_flat)


def _norm_block(unorm, den, bias, g, b):
    denb = jnp.concatenate(
        [jnp.broadcast_to(den[:, h:h + 1], (den.shape[0], OUT_CH))
         for h in range(HEADS)], axis=1)
    out = unorm / (denb + 1e-16) + bias
    mu = jnp.mean(out, axis=1, keepdims=True)
    var = jnp.mean((out - mu) ** 2, axis=1, keepdims=True)
    h1 = (out - mu) * jax.lax.rsqrt(var + 1e-5) * g + b
    return jnp.maximum(h1, 0.0)


def _mid_kernel(u_ref, d_ref, bias_ref, g_ref, b_ref,
                wl_ref, bl_ref, wr_ref, br_ref, xl_ref, xr_ref):
    u = u_ref[0] + u_ref[1]
    den = d_ref[0] + d_ref[1]
    h1 = _norm_block(u, den, bias_ref[...], g_ref[...], b_ref[...])
    xl_ref[...] = jnp.dot(h1, wl_ref[...], preferred_element_type=jnp.float32) + bl_ref[...]
    xr_ref[...] = jnp.dot(h1, wr_ref[...], preferred_element_type=jnp.float32) + br_ref[...]


def _node_mid(accu, accd, bias, g, b, wl, bl, wr, br):
    grid = (N_NODES // NB,)
    bs_u = pl.BlockSpec((2, NB, D), lambda i: (0, i, 0))
    bs_d = pl.BlockSpec((2, NB, 16), lambda i: (0, i, 0))
    bs_n = pl.BlockSpec((NB, D), lambda i: (i, 0))
    bs_w = pl.BlockSpec((D, D), lambda i: (0, 0))
    bs_b = pl.BlockSpec((1, D), lambda i: (0, 0))
    return pl.pallas_call(
        _mid_kernel,
        grid=grid,
        in_specs=[bs_u, bs_d, bs_b, bs_b, bs_b, bs_w, bs_b, bs_w, bs_b],
        out_specs=[bs_n, bs_n],
        out_shape=[jax.ShapeDtypeStruct((N_NODES, D), jnp.float32)] * 2,
    )(accu, accd, bias, g, b, wl, bl, wr, br)


def _post_kernel(u_ref, d_ref, bias_ref, g_ref, b_ref,
                 wn_ref, bn_ref, nt_ref, h2_ref):
    u = u_ref[0] + u_ref[1]
    den = d_ref[0] + d_ref[1]
    h2 = _norm_block(u, den, bias_ref[...], g_ref[...], b_ref[...])
    h2_ref[...] = h2

    zn = jnp.dot(h2, wn_ref[...], preferred_element_type=jnp.float32) + bn_ref[...]
    zn = zn - jnp.max(zn, axis=1, keepdims=True)
    en = jnp.exp(zn)
    nt_ref[...] = en / jnp.sum(en, axis=1, keepdims=True)


def _node_post(accu, accd, bias, g, b, wn, bn):
    grid = (N_NODES // NB,)
    bs_u = pl.BlockSpec((2, NB, D), lambda i: (0, i, 0))
    bs_d = pl.BlockSpec((2, NB, 16), lambda i: (0, i, 0))
    bs_n = pl.BlockSpec((NB, D), lambda i: (i, 0))
    bs_b = pl.BlockSpec((1, D), lambda i: (0, 0))
    bs_wn = pl.BlockSpec((D, 8), lambda i: (0, 0))
    bs_bn = pl.BlockSpec((1, 8), lambda i: (0, 0))
    bs_n8 = pl.BlockSpec((NB, 8), lambda i: (i, 0))
    return pl.pallas_call(
        _post_kernel,
        grid=grid,
        in_specs=[bs_u, bs_d, bs_b, bs_b, bs_b, bs_wn, bs_bn],
        out_specs=[bs_n8, bs_n],
        out_shape=[jax.ShapeDtypeStruct((N_NODES, 8), jnp.float32),
                   jax.ShapeDtypeStruct((N_NODES, D), jnp.float32)],
    )(accu, accd, bias, g, b, wn, bn)


def _final_edge_kernel(gh_ref, we_ref, be_ref, wr_ref, br_ref, et_ref, er_ref):
    gh = gh_ref[...]
    ze = jnp.dot(gh, we_ref[...], preferred_element_type=jnp.float32) + be_ref[...]
    z6 = ze[:, :6]
    z6 = z6 - jnp.max(z6, axis=1, keepdims=True)
    e6 = jnp.exp(z6)
    et_ref[...] = e6 / jnp.sum(e6, axis=1, keepdims=True)
    er_ref[...] = jnp.dot(gh, wr_ref[...], preferred_element_type=jnp.float32) + br_ref[...]


def _final_edge_pass(gh2, we8, be8, wr, br):
    grid = (N_EDGES // EB,)
    bs_e = pl.BlockSpec((EB, D), lambda i: (i, 0))
    bs_we = pl.BlockSpec((D, 8), lambda i: (0, 0))
    bs_be = pl.BlockSpec((1, 8), lambda i: (0, 0))
    bs_w = pl.BlockSpec((D, D), lambda i: (0, 0))
    bs_b = pl.BlockSpec((1, D), lambda i: (0, 0))
    bs_e6 = pl.BlockSpec((EB, 6), lambda i: (i, 0))
    return pl.pallas_call(
        _final_edge_kernel,
        grid=grid,
        in_specs=[bs_e, bs_we, bs_be, bs_w, bs_b],
        out_specs=[bs_e6, bs_e],
        out_shape=[jax.ShapeDtypeStruct((N_EDGES, 6), jnp.float32),
                   jax.ShapeDtypeStruct((N_EDGES, D), jnp.float32)],
    )(gh2, we8, be8, wr, br)


def _gather_rows(table, idx):
    return jnp.take(table, idx, axis=0)


NC = 2
NS = 16
NW = NC * NS
PER_TILE = N_EDGES // NW
W = 80
N_PAD = 10240
NPS = N_PAD // NS

def _sc_mesh():
    return plsc.VectorSubcoreMesh(core_axis_name="c", subcore_axis_name="s")


def _sc_gather2(xl, xr, src, dst):
    @functools.partial(
        pl.kernel, mesh=_sc_mesh(),
        out_type=[jax.ShapeDtypeStruct((N_EDGES, D), jnp.float32)] * 2,
        scratch_types=[
            pltpu.VMEM((W,), jnp.int32),
            pltpu.VMEM((W,), jnp.int32),
            pltpu.VMEM((W, D), jnp.float32),
            pltpu.VMEM((W, D), jnp.float32),
            pltpu.SemaphoreType.DMA,
            pltpu.SemaphoreType.DMA,
        ],
    )
    def k(xl_hbm, xr_hbm, src_hbm, dst_hbm, gl_hbm, gr_hbm,
          si_v, di_v, glv, grv, sem1, sem2):
        wid = lax.axis_index("s") * NC + lax.axis_index("c")
        base = wid * PER_TILE

        @pl.loop(0, PER_TILE, step=W)
        def _(off):
            b = base + off
            pltpu.sync_copy(src_hbm.at[pl.ds(b, W)], si_v)
            pltpu.sync_copy(dst_hbm.at[pl.ds(b, W)], di_v)
            c1 = pltpu.async_copy(xl_hbm.at[si_v], glv, sem1)
            c2 = pltpu.async_copy(xr_hbm.at[di_v], grv, sem2)
            c1.wait()
            c2.wait()
            pltpu.sync_copy(glv, gl_hbm.at[pl.ds(b, W)])
            pltpu.sync_copy(grv, gr_hbm.at[pl.ds(b, W)])

    return k(xl, xr, src, dst)


def _sc_scatter(contrib, exw, dst, dst8, zero_u, zero_d):
    @functools.partial(
        pl.kernel, mesh=_sc_mesh(),
        out_type=[jax.ShapeDtypeStruct((2, N_PAD, D), jnp.float32),
                  jax.ShapeDtypeStruct((2, N_PAD // 8, D), jnp.float32)],
        scratch_types=[
            pltpu.VMEM((W,), jnp.int32),
            pltpu.VMEM((W,), jnp.int32),
            pltpu.VMEM((W, D), jnp.float32),
            pltpu.VMEM((W, D), jnp.float32),
            pltpu.VMEM_SHARED((N_PAD, D), jnp.float32),
            pltpu.VMEM_SHARED((N_PAD // 8, D), jnp.float32),
        ],
    )
    def k(contrib_hbm, exw_hbm, dst_hbm, dst8_hbm, zu_hbm, zd_hbm,
          accu_hbm, accd_hbm, idx_v, idx8_v, cv, ev, accu_sh, accd_sh):
        cid = lax.axis_index("c")
        sid = lax.axis_index("s")
        wid = sid * NC + cid
        base = wid * PER_TILE

        pltpu.sync_copy(zu_hbm, accu_sh.at[pl.ds(sid * NPS, NPS)])
        pltpu.sync_copy(zd_hbm, accd_sh.at[pl.ds(sid * (NPS // 8), NPS // 8)])
        plsc.subcore_barrier()

        @pl.loop(0, PER_TILE, step=W)
        def _(off):
            b = base + off
            pltpu.sync_copy(dst_hbm.at[pl.ds(b, W)], idx_v)
            pltpu.sync_copy(dst8_hbm.at[pl.ds(b, W)], idx8_v)
            pltpu.sync_copy(contrib_hbm.at[pl.ds(b, W)], cv)
            pltpu.sync_copy(exw_hbm.at[pl.ds(b, W)], ev)
            pltpu.sync_copy(cv, accu_sh.at[idx_v], add=True)
            pltpu.sync_copy(ev, accd_sh.at[idx8_v], add=True)

        plsc.subcore_barrier()
        pltpu.sync_copy(accu_sh.at[pl.ds(sid * NPS, NPS)],
                        accu_hbm.at[cid, pl.ds(sid * NPS, NPS)])
        pltpu.sync_copy(accd_sh.at[pl.ds(sid * (NPS // 8), NPS // 8)],
                        accd_hbm.at[cid, pl.ds(sid * (NPS // 8), NPS // 8)])

    return k(contrib, exw, dst, dst8, zero_u, zero_d)


def _sc_gather1(table, idx):
    @functools.partial(
        pl.kernel, mesh=_sc_mesh(),
        out_type=jax.ShapeDtypeStruct((N_EDGES, D), jnp.float32),
        scratch_types=[
            pltpu.VMEM((W,), jnp.int32),
            pltpu.VMEM((W, D), jnp.float32),
            pltpu.SemaphoreType.DMA,
        ],
    )
    def k(t_hbm, i_hbm, o_hbm, iv, rv, sem):
        wid = lax.axis_index("s") * NC + lax.axis_index("c")
        base = wid * PER_TILE

        @pl.loop(0, PER_TILE, step=W)
        def _(off):
            b = base + off
            pltpu.sync_copy(i_hbm.at[pl.ds(b, W)], iv)
            pltpu.async_copy(t_hbm.at[iv], rv, sem).wait()
            pltpu.sync_copy(rv, o_hbm.at[pl.ds(b, W)])

    return k(table, idx)


def kernel(x, edge_features, edge_index, params):
    src = edge_index[0].astype(jnp.int32)
    dst = edge_index[1].astype(jnp.int32)
    p = params
    wup, bup = p['W_up'], p['b_up']
    b1, b2 = p['blocks'][0], p['blocks'][1]

    def row(v):
        return v.reshape(1, -1)

    wl1 = wup @ b1['W_l']
    bl1 = row(bup @ b1['W_l'] + b1['b_l'])
    wr1 = wup @ b1['W_r']
    br1 = row(bup @ b1['W_r'] + b1['b_r'])
    wue1 = wup @ b1['W_e']
    bue1 = row(bup @ b1['W_e'])
    att1 = row(b1['att'].reshape(-1))
    wue2 = wup @ b2['W_e']
    bue2 = row(bup @ b2['W_e'])
    att2 = row(b2['att'].reshape(-1))

    xl1, xr1 = _node_pre(x, wl1, bl1, wr1, br1)
    zero_u = jnp.zeros((NPS, D), jnp.float32)
    zero_d = jnp.zeros((NPS // 8, D), jnp.float32)
    dst8 = dst // 8
    oh8 = (dst % 8)[:, None] == jnp.arange(8, dtype=jnp.int32)[None, :]
    oh8 = oh8.astype(jnp.float32)

    gl, gr = _sc_gather2(xl1, xr1, src, dst)
    contrib, exw = _edge_pass(edge_features, gl, gr, oh8, wue1, bue1, att1)
    accu, accd = _sc_scatter(contrib, exw, dst, dst8, zero_u, zero_d)
    accd = accd.reshape(2, N_PAD, 16)

    xl2, xr2 = _node_mid(accu, accd, row(b1['bias']), row(b1['ln_g']),
                         row(b1['ln_b']), b2['W_l'], row(b2['b_l']),
                         b2['W_r'], row(b2['b_r']))

    gl, gr = _sc_gather2(xl2, xr2, src, dst)
    contrib, exw = _edge_pass(edge_features, gl, gr, oh8, wue2, bue2, att2)
    accu, accd = _sc_scatter(contrib, exw, dst, dst8, zero_u, zero_d)
    accd = accd.reshape(2, N_PAD, 16)

    node_type, h2 = _node_post(
        accu, accd, row(b2['bias']), row(b2['ln_g']), row(b2['ln_b']),
        p['W_node'], row(p['b_node']))

    gh2 = _sc_gather1(h2, src)
    we8 = jnp.pad(p['W_edge'], ((0, 0), (0, 2)))
    be8 = row(jnp.pad(p['b_edge'], (0, 2)))
    edge_type, edge_rec = _final_edge_pass(gh2, we8, be8,
                                           p['W_rec'], row(p['b_rec']))
    return (node_type, edge_type, edge_rec)

# --- scband reference (transcript-rebuilt; emitter-appended) ---
"""Pipeline reference for scband-multi-task-gat-592705487421 (READ-ONLY COPY).

The authoritative reference and input builder live on the scoring server;
editing this copy changes nothing except your own understanding.
"""

import jax, jax.numpy as jnp
import numpy as np

N_NODES = 10000
N_EDGES = 320000
D_EMBED = 128
HIDDEN = 128
HEADS = 8
OUT_CH = HIDDEN // HEADS
N_BLOCKS = 2
NODE_CLASSES = 8
EDGE_CLASSES = 6


def setup_inputs(seed: int = 0) -> dict:
    key = jax.random.key(seed)
    ks = jax.random.split(key, 64)
    ki = iter(range(64))
    x = jax.random.normal(ks[next(ki)], (N_NODES, D_EMBED), dtype=jnp.float32)
    edge_features = jax.random.normal(ks[next(ki)], (N_EDGES, D_EMBED), dtype=jnp.float32)
    edge_index = jax.random.randint(ks[next(ki)], (2, N_EDGES), 0, N_NODES, dtype=jnp.int64)

    def lin(k, fan_in, fan_out):
        return 0.05 * jax.random.normal(k, (fan_in, fan_out), dtype=jnp.float32)

    params = {
        'W_up': lin(ks[next(ki)], D_EMBED, HIDDEN),
        'b_up': jnp.zeros((HIDDEN,), jnp.float32),
        'blocks': [],
        'W_node': lin(ks[next(ki)], HIDDEN, NODE_CLASSES),
        'b_node': jnp.zeros((NODE_CLASSES,), jnp.float32),
        'W_edge': lin(ks[next(ki)], HIDDEN, EDGE_CLASSES),
        'b_edge': jnp.zeros((EDGE_CLASSES,), jnp.float32),
        'W_rec': lin(ks[next(ki)], HIDDEN, D_EMBED),
        'b_rec': jnp.zeros((D_EMBED,), jnp.float32),
    }
    for _ in range(N_BLOCKS):
        blk = {
            'W_l': lin(ks[next(ki)], HIDDEN, HEADS * OUT_CH),
            'b_l': jnp.zeros((HEADS * OUT_CH,), jnp.float32),
            'W_r': lin(ks[next(ki)], HIDDEN, HEADS * OUT_CH),
            'b_r': jnp.zeros((HEADS * OUT_CH,), jnp.float32),
            'W_e': lin(ks[next(ki)], HIDDEN, HEADS * OUT_CH),
            'att': 0.05 * jax.random.normal(ks[next(ki)], (HEADS, OUT_CH), dtype=jnp.float32),
            'bias': jnp.zeros((HEADS * OUT_CH,), jnp.float32),
            'ln_g': jnp.ones((HIDDEN,), jnp.float32),
            'ln_b': jnp.zeros((HIDDEN,), jnp.float32),
        }
        params['blocks'].append(blk)
    return {'x': x, 'edge_features': edge_features, 'edge_index': edge_index, 'params': params}


def _gatv2_conv(x, edge_index, edge_attr, p):
    src, dst = edge_index[0], edge_index[1]
    n = x.shape[0]
    x_l = (x @ p['W_l'] + p['b_l']).reshape(n, HEADS, OUT_CH)
    x_r = (x @ p['W_r'] + p['b_r']).reshape(n, HEADS, OUT_CH)
    e = (edge_attr @ p['W_e']).reshape(-1, HEADS, OUT_CH)
    m = x_l[src] + x_r[dst] + e
    m = jax.nn.leaky_relu(m, negative_slope=0.2)
    alpha = (m * p['att'][None, :, :]).sum(-1)  # [E, H]
    amax = jax.ops.segment_max(alpha, dst, num_segments=n)
    amax = jnp.where(jnp.isfinite(amax), amax, 0.0)
    amax = jax.lax.stop_gradient(amax)
    ex = jnp.exp(alpha - amax[dst])
    denom = jax.ops.segment_sum(ex, dst, num_segments=n)
    w = ex / (denom[dst] + 1e-16)
    out = jax.ops.segment_sum(w[:, :, None] * x_l[src], dst, num_segments=n)
    return out.reshape(n, HEADS * OUT_CH) + p['bias']


def _layernorm(x, g, b, eps=1e-5):
    mu = x.mean(-1, keepdims=True)
    var = ((x - mu) ** 2).mean(-1, keepdims=True)
    return (x - mu) / jnp.sqrt(var + eps) * g + b


def reference(x, edge_features, edge_index, params):
    h = x @ params['W_up'] + params['b_up']
    ee = edge_features @ params['W_up'] + params['b_up']
    for blk in params['blocks']:
        h = _gatv2_conv(h, edge_index, ee, blk)
        h = _layernorm(h, blk['ln_g'], blk['ln_b'])
        h = jax.nn.relu(h)
        # dropout is identity in eval mode
    node_type_preds = jax.nn.softmax(h @ params['W_node'] + params['b_node'], axis=-1)
    ef = h[edge_index[0]]
    edge_type_preds = jax.nn.softmax(ef @ params['W_edge'] + params['b_edge'], axis=-1)
    edge_reconstruction = ef @ params['W_rec'] + params['b_rec']
    return (node_type_preds, edge_type_preds, edge_reconstruction)

if __name__ == "__main__":
    import jax
    _d = setup_inputs()
    print(jax.jit(kernel)(*tuple(_d.values())))

</pallas_src>

<mosaic_0001>
#map = affine_map<(d0, d1) -> (0, 0)>
#map1 = affine_map<(d0, d1) -> (0)>
module attributes {stable_mosaic.version = 14 : i64} {
  func.func @k(%arg0: i32, %arg1: i32, %arg2: memref<10000x128xf32, #tpu.memory_space<hbm>>, %arg3: memref<10000x128xf32, #tpu.memory_space<hbm>>, %arg4: memref<320000xi32, #tpu.memory_space<hbm>>, %arg5: memref<320000xi32, #tpu.memory_space<hbm>>, %arg6: memref<320000x128xf32, #tpu.memory_space<hbm>>, %arg7: memref<320000x128xf32, #tpu.memory_space<hbm>>, %arg8: memref<80xi32, #tpu.memory_space<vmem>>, %arg9: memref<80xi32, #tpu.memory_space<vmem>>, %arg10: memref<80x128xf32, #tpu.memory_space<vmem>>, %arg11: memref<80x128xf32, #tpu.memory_space<vmem>>, %arg12: memref<!tpu.dma_semaphore, #tpu.memory_space<semaphore_mem>>, %arg13: memref<!tpu.dma_semaphore, #tpu.memory_space<semaphore_mem>>) attributes {dimension_semantics = [#tpu.dimension_semantics<core_parallel>, #tpu.dimension_semantics<subcore_parallel>], iteration_bounds = array<i64: 2, 16>, scalar_prefetch = 0 : i64, scratch_operands = 6 : i64, tpu.core_type = #tpu.core_type<sc_vector_subcore>, window_params = [{transform_indices = #map}, {transform_indices = #map}, {transform_indices = #map1}, {transform_indices = #map1}, {transform_indices = #map}, {transform_indices = #map}]} {
    %mul3A = arith.constant 2 : i32
    %mul3A_0 = arith.muli %arg1, %mul3A : i32
    %add3A = arith.addi %mul3A_0, %arg0 : i32
    %mul3A_1 = arith.constant 10000 : i32
    %mul3A_2 = arith.muli %add3A, %mul3A_1 : i32
    %scan3A = arith.constant 0 : i32
    %scan3A_3 = arith.constant 125 : i32
    %scan3A_4 = arith.addi %scan3A, %scan3A_3 : i32
    %scan3A_5 = arith.constant 1 : i32
    scf.for %scan3A_7 = %scan3A to %scan3A_4 step %scan3A_5  : i32 {
      %mul3A_8 = arith.constant 80 : i32
      %mul3A_9 = arith.muli %scan3A_7, %mul3A_8 : i32
      %add3A_10 = arith.constant 0 : i32
      %add3A_11 = arith.addi %add3A_10, %mul3A_9 : i32
      %add3A_12 = arith.addi %mul3A_2, %add3A_11 : i32
      "tpu.region"() ({
        %run_scoped3A = tpu.sem_alloc : memref<!tpu.dma_semaphore, #tpu.memory_space<semaphore_mem>>
        %dma_start3A_23 = tpu.memref_slice %arg4[%add3A_12] : memref<320000xi32, #tpu.memory_space<hbm>> -> memref<80xi32, #tpu.memory_space<hbm>>
        %dma_start3A_24 = tpu.memref_slice %arg4[%add3A_12] : memref<320000xi32, #tpu.memory_space<hbm>> -> memref<80xi32, #tpu.memory_space<hbm>>
        tpu.enqueue_dma source(%dma_start3A_24 : memref<80xi32, #tpu.memory_space<hbm>>) target(%arg8 : memref<80xi32, #tpu.memory_space<vmem>>) target_semaphore(%run_scoped3A : memref<!tpu.dma_semaphore, #tpu.memory_space<semaphore_mem>>)
        %dma_wait3A_25 = tpu.memref_slice %arg4[%add3A_12] : memref<320000xi32, #tpu.memory_space<hbm>> -> memref<80xi32, #tpu.memory_space<hbm>>
        %dma_wait3A_26 = tpu.memref_slice %arg4[%add3A_12] : memref<320000xi32, #tpu.memory_space<hbm>> -> memref<80xi32, #tpu.memory_space<hbm>>
        tpu.wait_dma2 semaphore(%run_scoped3A : memref<!tpu.dma_semaphore, #tpu.memory_space<semaphore_mem>>) src(%dma_wait3A_26 : memref<80xi32, #tpu.memory_space<hbm>>) dst(%arg8 : memref<80xi32, #tpu.memory_space<vmem>>)
        tpu.yield
      }) : () -> ()
      "tpu.region"() ({
        %run_scoped3A = tpu.sem_alloc : memref<!tpu.dma_semaphore, #tpu.memory_space<semaphore_mem>>
        %dma_start3A_23 = tpu.memref_slice %arg5[%add3A_12] : memref<320000xi32, #tpu.memory_space<hbm>> -> memref<80xi32, #tpu.memory_space<hbm>>
        %dma_start3A_24 = tpu.memref_slice %arg5[%add3A_12] : memref<320000xi32, #tpu.memory_space<hbm>> -> memref<80xi32, #tpu.memory_space<hbm>>
        tpu.enqueue_dma source(%dma_start3A_24 : memref<80xi32, #tpu.memory_space<hbm>>) target(%arg9 : memref<80xi32, #tpu.memory_space<vmem>>) target_semaphore(%run_scoped3A : memref<!tpu.dma_semaphore, #tpu.memory_space<semaphore_mem>>)
        %dma_wait3A_25 = tpu.memref_slice %arg5[%add3A_12] : memref<320000xi32, #tpu.memory_space<hbm>> -> memref<80xi32, #tpu.memory_space<hbm>>
        %dma_wait3A_26 = tpu.memref_slice %arg5[%add3A_12] : memref<320000xi32, #tpu.memory_space<hbm>> -> memref<80xi32, #tpu.memory_space<hbm>>
        tpu.wait_dma2 semaphore(%run_scoped3A : memref<!tpu.dma_semaphore, #tpu.memory_space<semaphore_mem>>) src(%dma_wait3A_26 : memref<80xi32, #tpu.memory_space<hbm>>) dst(%arg9 : memref<80xi32, #tpu.memory_space<vmem>>)
        tpu.yield
      }) : () -> ()
      %dma_start3A = arith.constant 0 : i32
      %dma_start3A_13 = arith.constant 0 : i32
      %dma_start3A_14 = tpu.memref_slice %arg2[%dma_start3A, %dma_start3A_13] : memref<10000x128xf32, #tpu.memory_space<hbm>> -> memref<10000x128xf32, #tpu.memory_space<hbm>>
      tpu.enqueue_indirect_dma source(%dma_start3A_14 : memref<10000x128xf32, #tpu.memory_space<hbm>>) target(%arg10 : memref<80x128xf32, #tpu.memory_space<vmem>>) offsets(%arg8 : memref<80xi32, #tpu.memory_space<vmem>>) semaphore(%arg12 : memref<!tpu.dma_semaphore, #tpu.memory_space<semaphore_mem>>)
      %dma_start3A_15 = arith.constant 0 : i32
      %dma_start3A_16 = arith.constant 0 : i32
      %dma_start3A_17 = tpu.memref_slice %arg3[%dma_start3A_15, %dma_start3A_16] : memref<10000x128xf32, #tpu.memory_space<hbm>> -> memref<10000x128xf32, #tpu.memory_space<hbm>>
      tpu.enqueue_indirect_dma source(%dma_start3A_17 : memref<10000x128xf32, #tpu.memory_space<hbm>>) target(%arg11 : memref<80x128xf32, #tpu.memory_space<vmem>>) offsets(%arg9 : memref<80xi32, #tpu.memory_space<vmem>>) semaphore(%arg13 : memref<!tpu.dma_semaphore, #tpu.memory_space<semaphore_mem>>)
      %dma_wait3A = arith.constant 0 : i32
      %dma_wait3A_18 = arith.constant 0 : i32
      %dma_wait3A_19 = tpu.memref_slice %arg2[%dma_wait3A, %dma_wait3A_18] : memref<10000x128xf32, #tpu.memory_space<hbm>> -> memref<10000x128xf32, #tpu.memory_space<hbm>>
      tpu.wait_indirect_dma semaphore(%arg12 : memref<!tpu.dma_semaphore, #tpu.memory_space<semaphore_mem>>) src(%dma_wait3A_19 : memref<10000x128xf32, #tpu.memory_space<hbm>>) dst(%arg10 : memref<80x128xf32, #tpu.memory_space<vmem>>)
      %dma_wait3A_20 = arith.constant 0 : i32
      %dma_wait3A_21 = arith.constant 0 : i32
      %dma_wait3A_22 = tpu.memref_slice %arg3[%dma_wait3A_20, %dma_wait3A_21] : memref<10000x128xf32, #tpu.memory_space<hbm>> -> memref<10000x128xf32, #tpu.memory_space<hbm>>
      tpu.wait_indirect_dma semaphore(%arg13 : memref<!tpu.dma_semaphore, #tpu.memory_space<semaphore_mem>>) src(%dma_wait3A_22 : memref<10000x128xf32, #tpu.memory_space<hbm>>) dst(%arg11 : memref<80x128xf32, #tpu.memory_space<vmem>>)
      "tpu.region"() ({
        %run_scoped3A = tpu.sem_alloc : memref<!tpu.dma_semaphore, #tpu.memory_space<semaphore_mem>>
        %dma_start3A_23 = arith.constant 0 : i32
        %dma_start3A_24 = tpu.memref_slice %arg6[%add3A_12, %dma_start3A_23] : memref<320000x128xf32, #tpu.memory_space<hbm>> -> memref<80x128xf32, #tpu.memory_space<hbm>>
        %dma_start3A_25 = arith.constant 0 : i32
        %dma_start3A_26 = tpu.memref_slice %arg6[%add3A_12, %dma_start3A_25] : memref<320000x128xf32, #tpu.memory_space<hbm>> -> memref<80x128xf32, #tpu.memory_space<hbm>>
        tpu.enqueue_dma source(%arg10 : memref<80x128xf32, #tpu.memory_space<vmem>>) target(%dma_start3A_26 : memref<80x128xf32, #tpu.memory_space<hbm>>) target_semaphore(%run_scoped3A : memref<!tpu.dma_semaphore, #tpu.memory_space<semaphore_mem>>)
        %dma_wait3A_27 = arith.constant 0 : i32
        %dma_wait3A_28 = tpu.memref_slice %arg6[%add3A_12, %dma_wait3A_27] : memref<320000x128xf32, #tpu.memory_space<hbm>> -> memref<80x128xf32, #tpu.memory_space<hbm>>
        %dma_wait3A_29 = arith.constant 0 : i32
        %dma_wait3A_30 = tpu.memref_slice %arg6[%add3A_12, %dma_wait3A_29] : memref<320000x128xf32, #tpu.memory_space<hbm>> -> memref<80x128xf32, #tpu.memory_space<hbm>>
        tpu.wait_dma2 semaphore(%run_scoped3A : memref<!tpu.dma_semaphore, #tpu.memory_space<semaphore_mem>>) src(%arg10 : memref<80x128xf32, #tpu.memory_space<vmem>>) dst(%dma_wait3A_30 : memref<80x128xf32, #tpu.memory_space<hbm>>)
        tpu.yield
      }) : () -> ()
      "tpu.region"() ({
        %run_scoped3A = tpu.sem_alloc : memref<!tpu.dma_semaphore, #tpu.memory_space<semaphore_mem>>
        %dma_start3A_23 = arith.constant 0 : i32
        %dma_start3A_24 = tpu.memref_slice %arg7[%add3A_12, %dma_start3A_23] : memref<320000x128xf32, #tpu.memory_space<hbm>> -> memref<80x128xf32, #tpu.memory_space<hbm>>
        %dma_start3A_25 = arith.constant 0 : i32
        %dma_start3A_26 = tpu.memref_slice %arg7[%add3A_12, %dma_start3A_25] : memref<320000x128xf32, #tpu.memory_space<hbm>> -> memref<80x128xf32, #tpu.memory_space<hbm>>
        tpu.enqueue_dma source(%arg11 : memref<80x128xf32, #tpu.memory_space<vmem>>) target(%dma_start3A_26 : memref<80x128xf32, #tpu.memory_space<hbm>>) target_semaphore(%run_scoped3A : memref<!tpu.dma_semaphore, #tpu.memory_space<semaphore_mem>>)
        %dma_wait3A_27 = arith.constant 0 : i32
        %dma_wait3A_28 = tpu.memref_slice %arg7[%add3A_12, %dma_wait3A_27] : memref<320000x128xf32, #tpu.memory_space<hbm>> -> memref<80x128xf32, #tpu.memory_space<hbm>>
        %dma_wait3A_29 = arith.constant 0 : i32
        %dma_wait3A_30 = tpu.memref_slice %arg7[%add3A_12, %dma_wait3A_29] : memref<320000x128xf32, #tpu.memory_space<hbm>> -> memref<80x128xf32, #tpu.memory_space<hbm>>
        tpu.wait_dma2 semaphore(%run_scoped3A : memref<!tpu.dma_semaphore, #tpu.memory_space<semaphore_mem>>) src(%arg11 : memref<80x128xf32, #tpu.memory_space<vmem>>) dst(%dma_wait3A_30 : memref<80x128xf32, #tpu.memory_space<hbm>>)
        tpu.yield
      }) : () -> ()
    }
    %scan3A_6 = arith.constant 125 : i32
    return
  }
}

#map = affine_map<(d0, d1) -> (0, 0)>
#map1 = affine_map<(d0, d1) -> (0)>
#map2 = affine_map<(d0, d1) -> (0, 0, 0)>
module attributes {stable_mosaic.version = 14 : i64} {
  func.func @k(%arg0: i32, %arg1: i32, %arg2: memref<320000x128xf32, #tpu.memory_space<hbm>>, %arg3: memref<320000x128xf32, #tpu.memory_space<hbm>>, %arg4: memref<320000xi32, #tpu.memory_space<hbm>>, %arg5: memref<320000xi32, #tpu.memory_space<hbm>>, %arg6: memref<640x128xf32, #tpu.memory_space<hbm>>, %arg7: memref<80x128xf32, #tpu.memory_space<hbm>>, %arg8: memref<2x10240x128xf32, #tpu.memory_space<hbm>>, %arg9: memref<2x1280x128xf32, #tpu.memory_space<hbm>>, %arg10: memref<80xi32, #tpu.memory_space<vmem>>, %arg11: memref<80xi32, #tpu.memory_space<vmem>>, %arg12: memref<80x128xf32, #tpu.memory_space<vmem>>, %arg13: memref<80x128xf32, #tpu.memory_space<vmem>>, %arg14: memref<10240x128xf32, #tpu.memory_space<vmem_shared>>, %arg15: memref<1280x128xf32, #tpu.memory_space<vmem_shared>>) attributes {dimension_semantics = [#tpu.dimension_semantics<core_parallel>, #tpu.dimension_semantics<subcore_parallel>], iteration_bounds = array<i64: 2, 16>, scalar_prefetch = 0 : i64, scratch_operands = 6 : i64, tpu.core_type = #tpu.core_type<sc_vector_subcore>, window_params = [{transform_indices = #map}, {transform_indices = #map}, {transform_indices = #map1}, {transform_indices = #map1}, {transform_indices = #map}, {transform_indices = #map}, {transform_indices = #map2}, {transform_indices = #map2}]} {
    %mul3A = arith.constant 2 : i32
    %mul3A_0 = arith.muli %arg1, %mul3A : i32
    %add3A = arith.addi %mul3A_0, %arg0 : i32
    %mul3A_1 = arith.constant 10000 : i32
    %mul3A_2 = arith.muli %add3A, %mul3A_1 : i32
    %mul3A_3 = arith.constant 640 : i32
    %mul3A_4 = arith.muli %arg1, %mul3A_3 : i32
    "tpu.region"() ({
      %run_scoped3A = tpu.sem_alloc : memref<!tpu.dma_semaphore, #tpu.memory_space<semaphore_mem>>
      %dma_start3A = arith.constant 0 : i32
      %dma_start3A_20 = tpu.memref_slice %arg14[%mul3A_4, %dma_start3A] : memref<10240x128xf32, #tpu.memory_space<vmem_shared>> -> memref<640x128xf32, #tpu.memory_space<vmem_shared>>
      tpu.enqueue_dma source(%arg6 : memref<640x128xf32, #tpu.memory_space<hbm>>) target(%dma_start3A_20 : memref<640x128xf32, #tpu.memory_space<vmem_shared>>) target_semaphore(%run_scoped3A : memref<!tpu.dma_semaphore, #tpu.memory_space<semaphore_mem>>)
      %dma_wait3A = arith.constant 0 : i32
      %dma_wait3A_21 = tpu.memref_slice %arg14[%mul3A_4, %dma_wait3A] : memref<10240x128xf32, #tpu.memory_space<vmem_shared>> -> memref<640x128xf32, #tpu.memory_space<vmem_shared>>
      tpu.wait_dma2 semaphore(%run_scoped3A : memref<!tpu.dma_semaphore, #tpu.memory_space<semaphore_mem>>) src(%arg6 : memref<640x128xf32, #tpu.memory_space<hbm>>) dst(%dma_wait3A_21 : memref<640x128xf32, #tpu.memory_space<vmem_shared>>)
      tpu.yield
    }) : () -> ()
    %mul3A_5 = arith.constant 80 : i32
    %mul3A_6 = arith.muli %arg1, %mul3A_5 : i32
    "tpu.region"() ({
      %run_scoped3A = tpu.sem_alloc : memref<!tpu.dma_semaphore, #tpu.memory_space<semaphore_mem>>
      %dma_start3A = arith.constant 0 : i32
      %dma_start3A_20 = tpu.memref_slice %arg15[%mul3A_6, %dma_start3A] : memref<1280x128xf32, #tpu.memory_space<vmem_shared>> -> memref<80x128xf32, #tpu.memory_space<vmem_shared>>
      tpu.enqueue_dma source(%arg7 : memref<80x128xf32, #tpu.memory_space<hbm>>) target(%dma_start3A_20 : memref<80x128xf32, #tpu.memory_space<vmem_shared>>) target_semaphore(%run_scoped3A : memref<!tpu.dma_semaphore, #tpu.memory_space<semaphore_mem>>)
      %dma_wait3A = arith.constant 0 : i32
      %dma_wait3A_21 = tpu.memref_slice %arg15[%mul3A_6, %dma_wait3A] : memref<1280x128xf32, #tpu.memory_space<vmem_shared>> -> memref<80x128xf32, #tpu.memory_space<vmem_shared>>
      tpu.wait_dma2 semaphore(%run_scoped3A : memref<!tpu.dma_semaphore, #tpu.memory_space<semaphore_mem>>) src(%arg7 : memref<80x128xf32, #tpu.memory_space<hbm>>) dst(%dma_wait3A_21 : memref<80x128xf32, #tpu.memory_space<vmem_shared>>)
      tpu.yield
    }) : () -> ()
    %barrier3A = arith.constant 0 : index
    tpu.barrier barrier_id(%barrier3A)
    %scan3A = arith.constant 0 : i32
    %scan3A_7 = arith.constant 125 : i32
    %scan3A_8 = arith.addi %scan3A, %scan3A_7 : i32
    %scan3A_9 = arith.constant 1 : i32
    scf.for %scan3A_20 = %scan3A to %scan3A_8 step %scan3A_9  : i32 {
      %mul3A_21 = arith.constant 80 : i32
      %mul3A_22 = arith.muli %scan3A_20, %mul3A_21 : i32
      %add3A_23 = arith.constant 0 : i32
      %add3A_24 = arith.addi %add3A_23, %mul3A_22 : i32
      %add3A_25 = arith.addi %mul3A_2, %add3A_24 : i32
      "tpu.region"() ({
        %run_scoped3A = tpu.sem_alloc : memref<!tpu.dma_semaphore, #tpu.memory_space<semaphore_mem>>
        %dma_start3A = tpu.memref_slice %arg4[%add3A_25] : memref<320000xi32, #tpu.memory_space<hbm>> -> memref<80xi32, #tpu.memory_space<hbm>>
        %dma_start3A_26 = tpu.memref_slice %arg4[%add3A_25] : memref<320000xi32, #tpu.memory_space<hbm>> -> memref<80xi32, #tpu.memory_space<hbm>>
        tpu.enqueue_dma source(%dma_start3A_26 : memref<80xi32, #tpu.memory_space<hbm>>) target(%arg10 : memref<80xi32, #tpu.memory_space<vmem>>) target_semaphore(%run_scoped3A : memref<!tpu.dma_semaphore, #tpu.memory_space<semaphore_mem>>)
        %dma_wait3A = tpu.memref_slice %arg4[%add3A_25] : memref<320000xi32, #tpu.memory_space<hbm>> -> memref<80xi32, #tpu.memory_space<hbm>>
        %dma_wait3A_27 = tpu.memref_slice %arg4[%add3A_25] : memref<320000xi32, #tpu.memory_space<hbm>> -> memref<80xi32, #tpu.memory_space<hbm>>
        tpu.wait_dma2 semaphore(%run_scoped3A : memref<!tpu.dma_semaphore, #tpu.memory_space<semaphore_mem>>) src(%dma_wait3A_27 : memref<80xi32, #tpu.memory_space<hbm>>) dst(%arg10 : memref<80xi32, #tpu.memory_space<vmem>>)
        tpu.yield
      }) : () -> ()
      "tpu.region"() ({
        %run_scoped3A = tpu.sem_alloc : memref<!tpu.dma_semaphore, #tpu.memory_space<semaphore_mem>>
        %dma_start3A = tpu.memref_slice %arg5[%add3A_25] : memref<320000xi32, #tpu.memory_space<hbm>> -> memref<80xi32, #tpu.memory_space<hbm>>
        %dma_start3A_26 = tpu.memref_slice %arg5[%add3A_25] : memref<320000xi32, #tpu.memory_space<hbm>> -> memref<80xi32, #tpu.memory_space<hbm>>
        tpu.enqueue_dma source(%dma_start3A_26 : memref<80xi32, #tpu.memory_space<hbm>>) target(%arg11 : memref<80xi32, #tpu.memory_space<vmem>>) target_semaphore(%run_scoped3A : memref<!tpu.dma_semaphore, #tpu.memory_space<semaphore_mem>>)
        %dma_wait3A = tpu.memref_slice %arg5[%add3A_25] : memref<320000xi32, #tpu.memory_space<hbm>> -> memref<80xi32, #tpu.memory_space<hbm>>
        %dma_wait3A_27 = tpu.memref_slice %arg5[%add3A_25] : memref<320000xi32, #tpu.memory_space<hbm>> -> memref<80xi32, #tpu.memory_space<hbm>>
        tpu.wait_dma2 semaphore(%run_scoped3A : memref<!tpu.dma_semaphore, #tpu.memory_space<semaphore_mem>>) src(%dma_wait3A_27 : memref<80xi32, #tpu.memory_space<hbm>>) dst(%arg11 : memref<80xi32, #tpu.memory_space<vmem>>)
        tpu.yield
      }) : () -> ()
      "tpu.region"() ({
        %run_scoped3A = tpu.sem_alloc : memref<!tpu.dma_semaphore, #tpu.memory_space<semaphore_mem>>
        %dma_start3A = arith.constant 0 : i32
        %dma_start3A_26 = tpu.memref_slice %arg2[%add3A_25, %dma_start3A] : memref<320000x128xf32, #tpu.memory_space<hbm>> -> memref<80x128xf32, #tpu.memory_space<hbm>>
        %dma_start3A_27 = arith.constant 0 : i32
        %dma_start3A_28 = tpu.memref_slice %arg2[%add3A_25, %dma_start3A_27] : memref<320000x128xf32, #tpu.memory_space<hbm>> -> memref<80x128xf32, #tpu.memory_space<hbm>>
        tpu.enqueue_dma source(%dma_start3A_28 : memref<80x128xf32, #tpu.memory_space<hbm>>) target(%arg12 : memref<80x128xf32, #tpu.memory_space<vmem>>) target_semaphore(%run_scoped3A : memref<!tpu.dma_semaphore, #tpu.memory_space<semaphore_mem>>)
        %dma_wait3A = arith.constant 0 : i32
        %dma_wait3A_29 = tpu.memref_slice %arg2[%add3A_25, %dma_wait3A] : memref<320000x128xf32, #tpu.memory_space<hbm>> -> memref<80x128xf32, #tpu.memory_space<hbm>>
        %dma_wait3A_30 = arith.constant 0 : i32
        %dma_wait3A_31 = tpu.memref_slice %arg2[%add3A_25, %dma_wait3A_30] : memref<320000x128xf32, #tpu.memory_space<hbm>> -> memref<80x128xf32, #tpu.memory_space<hbm>>
        tpu.wait_dma2 semaphore(%run_scoped3A : memref<!tpu.dma_semaphore, #tpu.memory_space<semaphore_mem>>) src(%dma_wait3A_31 : memref<80x128xf32, #tpu.memory_space<hbm>>) dst(%arg12 : memref<80x128xf32, #tpu.memory_space<vmem>>)
        tpu.yield
      }) : () -> ()
      "tpu.region"() ({
        %run_scoped3A = tpu.sem_alloc : memref<!tpu.dma_semaphore, #tpu.memory_space<semaphore_mem>>
        %dma_start3A = arith.constant 0 : i32
        %dma_start3A_26 = tpu.memref_slice %arg3[%add3A_25, %dma_start3A] : memref<320000x128xf32, #tpu.memory_space<hbm>> -> memref<80x128xf32, #tpu.memory_space<hbm>>
        %dma_start3A_27 = arith.constant 0 : i32
        %dma_start3A_28 = tpu.memref_slice %arg3[%add3A_25, %dma_start3A_27] : memref<320000x128xf32, #tpu.memory_space<hbm>> -> memref<80x128xf32, #tpu.memory_space<hbm>>
        tpu.enqueue_dma source(%dma_start3A_28 : memref<80x128xf32, #tpu.memory_space<hbm>>) target(%arg13 : memref<80x128xf32, #tpu.memory_space<vmem>>) target_semaphore(%run_scoped3A : memref<!tpu.dma_semaphore, #tpu.memory_space<semaphore_mem>>)
        %dma_wait3A = arith.constant 0 : i32
        %dma_wait3A_29 = tpu.memref_slice %arg3[%add3A_25, %dma_wait3A] : memref<320000x128xf32, #tpu.memory_space<hbm>> -> memref<80x128xf32, #tpu.memory_space<hbm>>
        %dma_wait3A_30 = arith.constant 0 : i32
        %dma_wait3A_31 = tpu.memref_slice %arg3[%add3A_25, %dma_wait3A_30] : memref<320000x128xf32, #tpu.memory_space<hbm>> -> memref<80x128xf32, #tpu.memory_space<hbm>>
        tpu.wait_dma2 semaphore(%run_scoped3A : memref<!tpu.dma_semaphore, #tpu.memory_space<semaphore_mem>>) src(%dma_wait3A_31 : memref<80x128xf32, #tpu.memory_space<hbm>>) dst(%arg13 : memref<80x128xf32, #tpu.memory_space<vmem>>)
        tpu.yield
      }) : () -> ()
      "tpu.region"() ({
        %run_scoped3A = tpu.sem_alloc : memref<!tpu.dma_semaphore, #tpu.memory_space<semaphore_mem>>
        %dma_start3A = arith.constant 0 : i32
        %dma_start3A_26 = arith.constant 0 : i32
        %dma_start3A_27 = tpu.memref_slice %arg14[%dma_start3A, %dma_start3A_26] : memref<10240x128xf32, #tpu.memory_space<vmem_shared>> -> memref<10240x128xf32, #tpu.memory_space<vmem_shared>>
        tpu.enqueue_indirect_dma source(%arg12 : memref<80x128xf32, #tpu.memory_space<vmem>>) target(%dma_start3A_27 : memref<10240x128xf32, #tpu.memory_space<vmem_shared>>) offsets(%arg10 : memref<80xi32, #tpu.memory_space<vmem>>) semaphore(%run_scoped3A : memref<!tpu.dma_semaphore, #tpu.memory_space<semaphore_mem>>) {add = true}
        %dma_wait3A = arith.constant 0 : i32
        %dma_wait3A_28 = arith.constant 0 : i32
        %dma_wait3A_29 = tpu.memref_slice %arg14[%dma_wait3A, %dma_wait3A_28] : memref<10240x128xf32, #tpu.memory_space<vmem_shared>> -> memref<10240x128xf32, #tpu.memory_space<vmem_shared>>
        tpu.wait_indirect_dma semaphore(%run_scoped3A : memref<!tpu.dma_semaphore, #tpu.memory_space<semaphore_mem>>) src(%arg12 : memref<80x128xf32, #tpu.memory_space<vmem>>) dst(%dma_wait3A_29 : memref<10240x128xf32, #tpu.memory_space<vmem_shared>>)
        tpu.yield
      }) : () -> ()
      "tpu.region"() ({
        %run_scoped3A = tpu.sem_alloc : memref<!tpu.dma_semaphore, #tpu.memory_space<semaphore_mem>>
        %dma_start3A = arith.constant 0 : i32
        %dma_start3A_26 = arith.constant 0 : i32
        %dma_start3A_27 = tpu.memref_slice %arg15[%dma_start3A, %dma_start3A_26] : memref<1280x128xf32, #tpu.memory_space<vmem_shared>> -> memref<1280x128xf32, #tpu.memory_space<vmem_shared>>
        tpu.enqueue_indirect_dma source(%arg13 : memref<80x128xf32, #tpu.memory_space<vmem>>) target(%dma_start3A_27 : memref<1280x128xf32, #tpu.memory_space<vmem_shared>>) offsets(%arg11 : memref<80xi32, #tpu.memory_space<vmem>>) semaphore(%run_scoped3A : memref<!tpu.dma_semaphore, #tpu.memory_space<semaphore_mem>>) {add = true}
        %dma_wait3A = arith.constant 0 : i32
        %dma_wait3A_28 = arith.constant 0 : i32
        %dma_wait3A_29 = tpu.memref_slice %arg15[%dma_wait3A, %dma_wait3A_28] : memref<1280x128xf32, #tpu.memory_space<vmem_shared>> -> memref<1280x128xf32, #tpu.memory_space<vmem_shared>>
        tpu.wait_indirect_dma semaphore(%run_scoped3A : memref<!tpu.dma_semaphore, #tpu.memory_space<semaphore_mem>>) src(%arg13 : memref<80x128xf32, #tpu.memory_space<vmem>>) dst(%dma_wait3A_29 : memref<1280x128xf32, #tpu.memory_space<vmem_shared>>)
        tpu.yield
      }) : () -> ()
    }
    %scan3A_10 = arith.constant 125 : i32
    %barrier3A_11 = arith.constant 0 : index
    tpu.barrier barrier_id(%barrier3A_11)
    %mul3A_12 = arith.constant 640 : i32
    %mul3A_13 = arith.muli %arg1, %mul3A_12 : i32
    %mul3A_14 = arith.constant 640 : i32
    %mul3A_15 = arith.muli %arg1, %mul3A_14 : i32
    "tpu.region"() ({
      %run_scoped3A = tpu.sem_alloc : memref<!tpu.dma_semaphore, #tpu.memory_space<semaphore_mem>>
      %dma_start3A = arith.constant 0 : i32
      %dma_start3A_20 = tpu.memref_slice %arg8[%arg0, %mul3A_15, %dma_start3A] : memref<2x10240x128xf32, #tpu.memory_space<hbm>> -> memref<1x640x128xf32, #tpu.memory_space<hbm>>
      %dma_start3A_21 = tpu.memref_squeeze %dma_start3A_20 : memref<1x640x128xf32, #tpu.memory_space<hbm>> -> memref<640x128xf32, #tpu.memory_space<hbm>>
      %dma_start3A_22 = arith.constant 0 : i32
      %dma_start3A_23 = tpu.memref_slice %arg14[%mul3A_13, %dma_start3A_22] : memref<10240x128xf32, #tpu.memory_space<vmem_shared>> -> memref<640x128xf32, #tpu.memory_space<vmem_shared>>
      tpu.enqueue_dma source(%dma_start3A_23 : memref<640x128xf32, #tpu.memory_space<vmem_shared>>) target(%dma_start3A_21 : memref<640x128xf32, #tpu.memory_space<hbm>>) target_semaphore(%run_scoped3A : memref<!tpu.dma_semaphore, #tpu.memory_space<semaphore_mem>>)
      %dma_wait3A = arith.constant 0 : i32
      %dma_wait3A_24 = tpu.memref_slice %arg8[%arg0, %mul3A_15, %dma_wait3A] : memref<2x10240x128xf32, #tpu.memory_space<hbm>> -> memref<1x640x128xf32, #tpu.memory_space<hbm>>
      %dma_wait3A_25 = tpu.memref_squeeze %dma_wait3A_24 : memref<1x640x128xf32, #tpu.memory_space<hbm>> -> memref<640x128xf32, #tpu.memory_space<hbm>>
      %dma_wait3A_26 = arith.constant 0 : i32
      %dma_wait3A_27 = tpu.memref_slice %arg14[%mul3A_13, %dma_wait3A_26] : memref<10240x128xf32, #tpu.memory_space<vmem_shared>> -> memref<640x128xf32, #tpu.memory_space<vmem_shared>>
      tpu.wait_dma2 semaphore(%run_scoped3A : memref<!tpu.dma_semaphore, #tpu.memory_space<semaphore_mem>>) src(%dma_wait3A_27 : memref<640x128xf32, #tpu.memory_space<vmem_shared>>) dst(%dma_wait3A_25 : memref<640x128xf32, #tpu.memory_space<hbm>>)
      tpu.yield
    }) : () -> ()
    %mul3A_16 = arith.constant 80 : i32
    %mul3A_17 = arith.muli %arg1, %mul3A_16 : i32
    %mul3A_18 = arith.constant 80 : i32
    %mul3A_19 = arith.muli %arg1, %mul3A_18 : i32
    "tpu.region"() ({
      %run_scoped3A = tpu.sem_alloc : memref<!tpu.dma_semaphore, #tpu.memory_space<semaphore_mem>>
      %dma_start3A = arith.constant 0 : i32
      %dma_start3A_20 = tpu.memref_slice %arg9[%arg0, %mul3A_19, %dma_start3A] : memref<2x1280x128xf32, #tpu.memory_space<hbm>> -> memref<1x80x128xf32, #tpu.memory_space<hbm>>
      %dma_start3A_21 = tpu.memref_squeeze %dma_start3A_20 : memref<1x80x128xf32, #tpu.memory_space<hbm>> -> memref<80x128xf32, #tpu.memory_space<hbm>>
      %dma_start3A_22 = arith.constant 0 : i32
      %dma_start3A_23 = tpu.memref_slice %arg15[%mul3A_17, %dma_start3A_22] : memref<1280x128xf32, #tpu.memory_space<vmem_shared>> -> memref<80x128xf32, #tpu.memory_space<vmem_shared>>
      tpu.enqueue_dma source(%dma_start3A_23 : memref<80x128xf32, #tpu.memory_space<vmem_shared>>) target(%dma_start3A_21 : memref<80x128xf32, #tpu.memory_space<hbm>>) target_semaphore(%run_scoped3A : memref<!tpu.dma_semaphore, #tpu.memory_space<semaphore_mem>>)
      %dma_wait3A = arith.constant 0 : i32
      %dma_wait3A_24 = tpu.memref_slice %arg9[%arg0, %mul3A_19, %dma_wait3A] : memref<2x1280x128xf32, #tpu.memory_space<hbm>> -> memref<1x80x128xf32, #tpu.memory_space<hbm>>
      %dma_wait3A_25 = tpu.memref_squeeze %dma_wait3A_24 : memref<1x80x128xf32, #tpu.memory_space<hbm>> -> memref<80x128xf32, #tpu.memory_space<hbm>>
      %dma_wait3A_26 = arith.constant 0 : i32
      %dma_wait3A_27 = tpu.memref_slice %arg15[%mul3A_17, %dma_wait3A_26] : memref<1280x128xf32, #tpu.memory_space<vmem_shared>> -> memref<80x128xf32, #tpu.memory_space<vmem_shared>>
      tpu.wait_dma2 semaphore(%run_scoped3A : memref<!tpu.dma_semaphore, #tpu.memory_space<semaphore_mem>>) src(%dma_wait3A_27 : memref<80x128xf32, #tpu.memory_space<vmem_shared>>) dst(%dma_wait3A_25 : memref<80x128xf32, #tpu.memory_space<hbm>>)
      tpu.yield
    }) : () -> ()
    return
  }
}

#map = affine_map<(d0, d1) -> (0, 0)>
#map1 = affine_map<(d0, d1) -> (0)>
module attributes {stable_mosaic.version = 14 : i64} {
  func.func @k(%arg0: i32, %arg1: i32, %arg2: memref<10000x128xf32, #tpu.memory_space<hbm>>, %arg3: memref<10000x128xf32, #tpu.memory_space<hbm>>, %arg4: memref<320000xi32, #tpu.memory_space<hbm>>, %arg5: memref<320000xi32, #tpu.memory_space<hbm>>, %arg6: memref<320000x128xf32, #tpu.memory_space<hbm>>, %arg7: memref<320000x128xf32, #tpu.memory_space<hbm>>, %arg8: memref<80xi32, #tpu.memory_space<vmem>>, %arg9: memref<80xi32, #tpu.memory_space<vmem>>, %arg10: memref<80x128xf32, #tpu.memory_space<vmem>>, %arg11: memref<80x128xf32, #tpu.memory_space<vmem>>, %arg12: memref<!tpu.dma_semaphore, #tpu.memory_space<semaphore_mem>>, %arg13: memref<!tpu.dma_semaphore, #tpu.memory_space<semaphore_mem>>) attributes {dimension_semantics = [#tpu.dimension_semantics<core_parallel>, #tpu.dimension_semantics<subcore_parallel>], iteration_bounds = array<i64: 2, 16>, scalar_prefetch = 0 : i64, scratch_operands = 6 : i64, tpu.core_type = #tpu.core_type<sc_vector_subcore>, window_params = [{transform_indices = #map}, {transform_indices = #map}, {transform_indices = #map1}, {transform_indices = #map1}, {transform_indices = #map}, {transform_indices = #map}]} {
    %mul3A = arith.constant 2 : i32
    %mul3A_0 = arith.muli %arg1, %mul3A : i32
    %add3A = arith.addi %mul3A_0, %arg0 : i32
    %mul3A_1 = arith.constant 10000 : i32
    %mul3A_2 = arith.muli %add3A, %mul3A_1 : i32
    %scan3A = arith.constant 0 : i32
    %scan3A_3 = arith.constant 125 : i32
    %scan3A_4 = arith.addi %scan3A, %scan3A_3 : i32
    %scan3A_5 = arith.constant 1 : i32
    scf.for %scan3A_7 = %scan3A to %scan3A_4 step %scan3A_5  : i32 {
      %mul3A_8 = arith.constant 80 : i32
      %mul3A_9 = arith.muli %scan3A_7, %mul3A_8 : i32
      %add3A_10 = arith.constant 0 : i32
      %add3A_11 = arith.addi %add3A_10, %mul3A_9 : i32
      %add3A_12 = arith.addi %mul3A_2, %add3A_11 : i32
      "tpu.region"() ({
        %run_scoped3A = tpu.sem_alloc : memref<!tpu.dma_semaphore, #tpu.memory_space<semaphore_mem>>
        %dma_start3A_23 = tpu.memref_slice %arg4[%add3A_12] : memref<320000xi32, #tpu.memory_space<hbm>> -> memref<80xi32, #tpu.memory_space<hbm>>
        %dma_start3A_24 = tpu.memref_slice %arg4[%add3A_12] : memref<320000xi32, #tpu.memory_space<hbm>> -> memref<80xi32, #tpu.memory_space<hbm>>
        tpu.enqueue_dma source(%dma_start3A_24 : memref<80xi32, #tpu.memory_space<hbm>>) target(%arg8 : memref<80xi32, #tpu.memory_space<vmem>>) target_semaphore(%run_scoped3A : memref<!tpu.dma_semaphore, #tpu.memory_space<semaphore_mem>>)
        %dma_wait3A_25 = tpu.memref_slice %arg4[%add3A_12] : memref<320000xi32, #tpu.memory_space<hbm>> -> memref<80xi32, #tpu.memory_space<hbm>>
        %dma_wait3A_26 = tpu.memref_slice %arg4[%add3A_12] : memref<320000xi32, #tpu.memory_space<hbm>> -> memref<80xi32, #tpu.memory_space<hbm>>
        tpu.wait_dma2 semaphore(%run_scoped3A : memref<!tpu.dma_semaphore, #tpu.memory_space<semaphore_mem>>) src(%dma_wait3A_26 : memref<80xi32, #tpu.memory_space<hbm>>) dst(%arg8 : memref<80xi32, #tpu.memory_space<vmem>>)
        tpu.yield
      }) : () -> ()
      "tpu.region"() ({
        %run_scoped3A = tpu.sem_alloc : memref<!tpu.dma_semaphore, #tpu.memory_space<semaphore_mem>>
        %dma_start3A_23 = tpu.memref_slice %arg5[%add3A_12] : memref<320000xi32, #tpu.memory_space<hbm>> -> memref<80xi32, #tpu.memory_space<hbm>>
        %dma_start3A_24 = tpu.memref_slice %arg5[%add3A_12] : memref<320000xi32, #tpu.memory_space<hbm>> -> memref<80xi32, #tpu.memory_space<hbm>>
        tpu.enqueue_dma source(%dma_start3A_24 : memref<80xi32, #tpu.memory_space<hbm>>) target(%arg9 : memref<80xi32, #tpu.memory_space<vmem>>) target_semaphore(%run_scoped3A : memref<!tpu.dma_semaphore, #tpu.memory_space<semaphore_mem>>)
        %dma_wait3A_25 = tpu.memref_slice %arg5[%add3A_12] : memref<320000xi32, #tpu.memory_space<hbm>> -> memref<80xi32, #tpu.memory_space<hbm>>
        %dma_wait3A_26 = tpu.memref_slice %arg5[%add3A_12] : memref<320000xi32, #tpu.memory_space<hbm>> -> memref<80xi32, #tpu.memory_space<hbm>>
        tpu.wait_dma2 semaphore(%run_scoped3A : memref<!tpu.dma_semaphore, #tpu.memory_space<semaphore_mem>>) src(%dma_wait3A_26 : memref<80xi32, #tpu.memory_space<hbm>>) dst(%arg9 : memref<80xi32, #tpu.memory_space<vmem>>)
        tpu.yield
      }) : () -> ()
      %dma_start3A = arith.constant 0 : i32
      %dma_start3A_13 = arith.constant 0 : i32
      %dma_start3A_14 = tpu.memref_slice %arg2[%dma_start3A, %dma_start3A_13] : memref<10000x128xf32, #tpu.memory_space<hbm>> -> memref<10000x128xf32, #tpu.memory_space<hbm>>
      tpu.enqueue_indirect_dma source(%dma_start3A_14 : memref<10000x128xf32, #tpu.memory_space<hbm>>) target(%arg10 : memref<80x128xf32, #tpu.memory_space<vmem>>) offsets(%arg8 : memref<80xi32, #tpu.memory_space<vmem>>) semaphore(%arg12 : memref<!tpu.dma_semaphore, #tpu.memory_space<semaphore_mem>>)
      %dma_start3A_15 = arith.constant 0 : i32
      %dma_start3A_16 = arith.constant 0 : i32
      %dma_start3A_17 = tpu.memref_slice %arg3[%dma_start3A_15, %dma_start3A_16] : memref<10000x128xf32, #tpu.memory_space<hbm>> -> memref<10000x128xf32, #tpu.memory_space<hbm>>
      tpu.enqueue_indirect_dma source(%dma_start3A_17 : memref<10000x128xf32, #tpu.memory_space<hbm>>) target(%arg11 : memref<80x128xf32, #tpu.memory_space<vmem>>) offsets(%arg9 : memref<80xi32, #tpu.memory_space<vmem>>) semaphore(%arg13 : memref<!tpu.dma_semaphore, #tpu.memory_space<semaphore_mem>>)
      %dma_wait3A = arith.constant 0 : i32
      %dma_wait3A_18 = arith.constant 0 : i32
      %dma_wait3A_19 = tpu.memref_slice %arg2[%dma_wait3A, %dma_wait3A_18] : memref<10000x128xf32, #tpu.memory_space<hbm>> -> memref<10000x128xf32, #tpu.memory_space<hbm>>
      tpu.wait_indirect_dma semaphore(%arg12 : memref<!tpu.dma_semaphore, #tpu.memory_space<semaphore_mem>>) src(%dma_wait3A_19 : memref<10000x128xf32, #tpu.memory_space<hbm>>) dst(%arg10 : memref<80x128xf32, #tpu.memory_space<vmem>>)
      %dma_wait3A_20 = arith.constant 0 : i32
      %dma_wait3A_21 = arith.constant 0 : i32
      %dma_wait3A_22 = tpu.memref_slice %arg3[%dma_wait3A_20, %dma_wait3A_21] : memref<10000x128xf32, #tpu.memory_space<hbm>> -> memref<10000x128xf32, #tpu.memory_space<hbm>>
      tpu.wait_indirect_dma semaphore(%arg13 : memref<!tpu.dma_semaphore, #tpu.memory_space<semaphore_mem>>) src(%dma_wait3A_22 : memref<10000x128xf32, #tpu.memory_space<hbm>>) dst(%arg11 : memref<80x128xf32, #tpu.memory_space<vmem>>)
      "tpu.region"() ({
        %run_scoped3A = tpu.sem_alloc : memref<!tpu.dma_semaphore, #tpu.memory_space<semaphore_mem>>
        %dma_start3A_23 = arith.constant 0 : i32
        %dma_start3A_24 = tpu.memref_slice %arg6[%add3A_12, %dma_start3A_23] : memref<320000x128xf32, #tpu.memory_space<hbm>> -> memref<80x128xf32, #tpu.memory_space<hbm>>
        %dma_start3A_25 = arith.constant 0 : i32
        %dma_start3A_26 = tpu.memref_slice %arg6[%add3A_12, %dma_start3A_25] : memref<320000x128xf32, #tpu.memory_space<hbm>> -> memref<80x128xf32, #tpu.memory_space<hbm>>
        tpu.enqueue_dma source(%arg10 : memref<80x128xf32, #tpu.memory_space<vmem>>) target(%dma_start3A_26 : memref<80x128xf32, #tpu.memory_space<hbm>>) target_semaphore(%run_scoped3A : memref<!tpu.dma_semaphore, #tpu.memory_space<semaphore_mem>>)
        %dma_wait3A_27 = arith.constant 0 : i32
        %dma_wait3A_28 = tpu.memref_slice %arg6[%add3A_12, %dma_wait3A_27] : memref<320000x128xf32, #tpu.memory_space<hbm>> -> memref<80x128xf32, #tpu.memory_space<hbm>>
        %dma_wait3A_29 = arith.constant 0 : i32
        %dma_wait3A_30 = tpu.memref_slice %arg6[%add3A_12, %dma_wait3A_29] : memref<320000x128xf32, #tpu.memory_space<hbm>> -> memref<80x128xf32, #tpu.memory_space<hbm>>
        tpu.wait_dma2 semaphore(%run_scoped3A : memref<!tpu.dma_semaphore, #tpu.memory_space<semaphore_mem>>) src(%arg10 : memref<80x128xf32, #tpu.memory_space<vmem>>) dst(%dma_wait3A_30 : memref<80x128xf32, #tpu.memory_space<hbm>>)
        tpu.yield
      }) : () -> ()
      "tpu.region"() ({
        %run_scoped3A = tpu.sem_alloc : memref<!tpu.dma_semaphore, #tpu.memory_space<semaphore_mem>>
        %dma_start3A_23 = arith.constant 0 : i32
        %dma_start3A_24 = tpu.memref_slice %arg7[%add3A_12, %dma_start3A_23] : memref<320000x128xf32, #tpu.memory_space<hbm>> -> memref<80x128xf32, #tpu.memory_space<hbm>>
        %dma_start3A_25 = arith.constant 0 : i32
        %dma_start3A_26 = tpu.memref_slice %arg7[%add3A_12, %dma_start3A_25] : memref<320000x128xf32, #tpu.memory_space<hbm>> -> memref<80x128xf32, #tpu.memory_space<hbm>>
        tpu.enqueue_dma source(%arg11 : memref<80x128xf32, #tpu.memory_space<vmem>>) target(%dma_start3A_26 : memref<80x128xf32, #tpu.memory_space<hbm>>) target_semaphore(%run_scoped3A : memref<!tpu.dma_semaphore, #tpu.memory_space<semaphore_mem>>)
        %dma_wait3A_27 = arith.constant 0 : i32
        %dma_wait3A_28 = tpu.memref_slice %arg7[%add3A_12, %dma_wait3A_27] : memref<320000x128xf32, #tpu.memory_space<hbm>> -> memref<80x128xf32, #tpu.memory_space<hbm>>
        %dma_wait3A_29 = arith.constant 0 : i32
        %dma_wait3A_30 = tpu.memref_slice %arg7[%add3A_12, %dma_wait3A_29] : memref<320000x128xf32, #tpu.memory_space<hbm>> -> memref<80x128xf32, #tpu.memory_space<hbm>>
        tpu.wait_dma2 semaphore(%run_scoped3A : memref<!tpu.dma_semaphore, #tpu.memory_space<semaphore_mem>>) src(%arg11 : memref<80x128xf32, #tpu.memory_space<vmem>>) dst(%dma_wait3A_30 : memref<80x128xf32, #tpu.memory_space<hbm>>)
        tpu.yield
      }) : () -> ()
    }
    %scan3A_6 = arith.constant 125 : i32
    return
  }
}

#map = affine_map<(d0, d1) -> (0, 0)>
#map1 = affine_map<(d0, d1) -> (0)>
#map2 = affine_map<(d0, d1) -> (0, 0, 0)>
module attributes {stable_mosaic.version = 14 : i64} {
  func.func @k(%arg0: i32, %arg1: i32, %arg2: memref<320000x128xf32, #tpu.memory_space<hbm>>, %arg3: memref<320000x128xf32, #tpu.memory_space<hbm>>, %arg4: memref<320000xi32, #tpu.memory_space<hbm>>, %arg5: memref<320000xi32, #tpu.memory_space<hbm>>, %arg6: memref<640x128xf32, #tpu.memory_space<hbm>>, %arg7: memref<80x128xf32, #tpu.memory_space<hbm>>, %arg8: memref<2x10240x128xf32, #tpu.memory_space<hbm>>, %arg9: memref<2x1280x128xf32, #tpu.memory_space<hbm>>, %arg10: memref<80xi32, #tpu.memory_space<vmem>>, %arg11: memref<80xi32, #tpu.memory_space<vmem>>, %arg12: memref<80x128xf32, #tpu.memory_space<vmem>>, %arg13: memref<80x128xf32, #tpu.memory_space<vmem>>, %arg14: memref<10240x128xf32, #tpu.memory_space<vmem_shared>>, %arg15: memref<1280x128xf32, #tpu.memory_space<vmem_shared>>) attributes {dimension_semantics = [#tpu.dimension_semantics<core_parallel>, #tpu.dimension_semantics<subcore_parallel>], iteration_bounds = array<i64: 2, 16>, scalar_prefetch = 0 : i64, scratch_operands = 6 : i64, tpu.core_type = #tpu.core_type<sc_vector_subcore>, window_params = [{transform_indices = #map}, {transform_indices = #map}, {transform_indices = #map1}, {transform_indices = #map1}, {transform_indices = #map}, {transform_indices = #map}, {transform_indices = #map2}, {transform_indices = #map2}]} {
    %mul3A = arith.constant 2 : i32
    %mul3A_0 = arith.muli %arg1, %mul3A : i32
    %add3A = arith.addi %mul3A_0, %arg0 : i32
    %mul3A_1 = arith.constant 10000 : i32
    %mul3A_2 = arith.muli %add3A, %mul3A_1 : i32
    %mul3A_3 = arith.constant 640 : i32
    %mul3A_4 = arith.muli %arg1, %mul3A_3 : i32
    "tpu.region"() ({
      %run_scoped3A = tpu.sem_alloc : memref<!tpu.dma_semaphore, #tpu.memory_space<semaphore_mem>>
      %dma_start3A = arith.constant 0 : i32
      %dma_start3A_20 = tpu.memref_slice %arg14[%mul3A_4, %dma_start3A] : memref<10240x128xf32, #tpu.memory_space<vmem_shared>> -> memref<640x128xf32, #tpu.memory_space<vmem_shared>>
      tpu.enqueue_dma source(%arg6 : memref<640x128xf32, #tpu.memory_space<hbm>>) target(%dma_start3A_20 : memref<640x128xf32, #tpu.memory_space<vmem_shared>>) target_semaphore(%run_scoped3A : memref<!tpu.dma_semaphore, #tpu.memory_space<semaphore_mem>>)
      %dma_wait3A = arith.constant 0 : i32
      %dma_wait3A_21 = tpu.memref_slice %arg14[%mul3A_4, %dma_wait3A] : memref<10240x128xf32, #tpu.memory_space<vmem_shared>> -> memref<640x128xf32, #tpu.memory_space<vmem_shared>>
      tpu.wait_dma2 semaphore(%run_scoped3A : memref<!tpu.dma_semaphore, #tpu.memory_space<semaphore_mem>>) src(%arg6 : memref<640x128xf32, #tpu.memory_space<hbm>>) dst(%dma_wait3A_21 : memref<640x128xf32, #tpu.memory_space<vmem_shared>>)
      tpu.yield
    }) : () -> ()
    %mul3A_5 = arith.constant 80 : i32
    %mul3A_6 = arith.muli %arg1, %mul3A_5 : i32
    "tpu.region"() ({
      %run_scoped3A = tpu.sem_alloc : memref<!tpu.dma_semaphore, #tpu.memory_space<semaphore_mem>>
      %dma_start3A = arith.constant 0 : i32
      %dma_start3A_20 = tpu.memref_slice %arg15[%mul3A_6, %dma_start3A] : memref<1280x128xf32, #tpu.memory_space<vmem_shared>> -> memref<80x128xf32, #tpu.memory_space<vmem_shared>>
      tpu.enqueue_dma source(%arg7 : memref<80x128xf32, #tpu.memory_space<hbm>>) target(%dma_start3A_20 : memref<80x128xf32, #tpu.memory_space<vmem_shared>>) target_semaphore(%run_scoped3A : memref<!tpu.dma_semaphore, #tpu.memory_space<semaphore_mem>>)
      %dma_wait3A = arith.constant 0 : i32
      %dma_wait3A_21 = tpu.memref_slice %arg15[%mul3A_6, %dma_wait3A] : memref<1280x128xf32, #tpu.memory_space<vmem_shared>> -> memref<80x128xf32, #tpu.memory_space<vmem_shared>>
      tpu.wait_dma2 semaphore(%run_scoped3A : memref<!tpu.dma_semaphore, #tpu.memory_space<semaphore_mem>>) src(%arg7 : memref<80x128xf32, #tpu.memory_space<hbm>>) dst(%dma_wait3A_21 : memref<80x128xf32, #tpu.memory_space<vmem_shared>>)
      tpu.yield
    }) : () -> ()
    %barrier3A = arith.constant 0 : index
    tpu.barrier barrier_id(%barrier3A)
    %scan3A = arith.constant 0 : i32
    %scan3A_7 = arith.constant 125 : i32
    %scan3A_8 = arith.addi %scan3A, %scan3A_7 : i32
    %scan3A_9 = arith.constant 1 : i32
    scf.for %scan3A_20 = %scan3A to %scan3A_8 step %scan3A_9  : i32 {
      %mul3A_21 = arith.constant 80 : i32
      %mul3A_22 = arith.muli %scan3A_20, %mul3A_21 : i32
      %add3A_23 = arith.constant 0 : i32
      %add3A_24 = arith.addi %add3A_23, %mul3A_22 : i32
      %add3A_25 = arith.addi %mul3A_2, %add3A_24 : i32
      "tpu.region"() ({
        %run_scoped3A = tpu.sem_alloc : memref<!tpu.dma_semaphore, #tpu.memory_space<semaphore_mem>>
        %dma_start3A = tpu.memref_slice %arg4[%add3A_25] : memref<320000xi32, #tpu.memory_space<hbm>> -> memref<80xi32, #tpu.memory_space<hbm>>
        %dma_start3A_26 = tpu.memref_slice %arg4[%add3A_25] : memref<320000xi32, #tpu.memory_space<hbm>> -> memref<80xi32, #tpu.memory_space<hbm>>
        tpu.enqueue_dma source(%dma_start3A_26 : memref<80xi32, #tpu.memory_space<hbm>>) target(%arg10 : memref<80xi32, #tpu.memory_space<vmem>>) target_semaphore(%run_scoped3A : memref<!tpu.dma_semaphore, #tpu.memory_space<semaphore_mem>>)
        %dma_wait3A = tpu.memref_slice %arg4[%add3A_25] : memref<320000xi32, #tpu.memory_space<hbm>> -> memref<80xi32, #tpu.memory_space<hbm>>
        %dma_wait3A_27 = tpu.memref_slice %arg4[%add3A_25] : memref<320000xi32, #tpu.memory_space<hbm>> -> memref<80xi32, #tpu.memory_space<hbm>>
        tpu.wait_dma2 semaphore(%run_scoped3A : memref<!tpu.dma_semaphore, #tpu.memory_space<semaphore_mem>>) src(%dma_wait3A_27 : memref<80xi32, #tpu.memory_space<hbm>>) dst(%arg10 : memref<80xi32, #tpu.memory_space<vmem>>)
        tpu.yield
      }) : () -> ()
      "tpu.region"() ({
        %run_scoped3A = tpu.sem_alloc : memref<!tpu.dma_semaphore, #tpu.memory_space<semaphore_mem>>
        %dma_start3A = tpu.memref_slice %arg5[%add3A_25] : memref<320000xi32, #tpu.memory_space<hbm>> -> memref<80xi32, #tpu.memory_space<hbm>>
        %dma_start3A_26 = tpu.memref_slice %arg5[%add3A_25] : memref<320000xi32, #tpu.memory_space<hbm>> -> memref<80xi32, #tpu.memory_space<hbm>>
        tpu.enqueue_dma source(%dma_start3A_26 : memref<80xi32, #tpu.memory_space<hbm>>) target(%arg11 : memref<80xi32, #tpu.memory_space<vmem>>) target_semaphore(%run_scoped3A : memref<!tpu.dma_semaphore, #tpu.memory_space<semaphore_mem>>)
        %dma_wait3A = tpu.memref_slice %arg5[%add3A_25] : memref<320000xi32, #tpu.memory_space<hbm>> -> memref<80xi32, #tpu.memory_space<hbm>>
        %dma_wait3A_27 = tpu.memref_slice %arg5[%add3A_25] : memref<320000xi32, #tpu.memory_space<hbm>> -> memref<80xi32, #tpu.memory_space<hbm>>
        tpu.wait_dma2 semaphore(%run_scoped3A : memref<!tpu.dma_semaphore, #tpu.memory_space<semaphore_mem>>) src(%dma_wait3A_27 : memref<80xi32, #tpu.memory_space<hbm>>) dst(%arg11 : memref<80xi32, #tpu.memory_space<vmem>>)
        tpu.yield
      }) : () -> ()
      "tpu.region"() ({
        %run_scoped3A = tpu.sem_alloc : memref<!tpu.dma_semaphore, #tpu.memory_space<semaphore_mem>>
        %dma_start3A = arith.constant 0 : i32
        %dma_start3A_26 = tpu.memref_slice %arg2[%add3A_25, %dma_start3A] : memref<320000x128xf32, #tpu.memory_space<hbm>> -> memref<80x128xf32, #tpu.memory_space<hbm>>
        %dma_start3A_27 = arith.constant 0 : i32
        %dma_start3A_28 = tpu.memref_slice %arg2[%add3A_25, %dma_start3A_27] : memref<320000x128xf32, #tpu.memory_space<hbm>> -> memref<80x128xf32, #tpu.memory_space<hbm>>
        tpu.enqueue_dma source(%dma_start3A_28 : memref<80x128xf32, #tpu.memory_space<hbm>>) target(%arg12 : memref<80x128xf32, #tpu.memory_space<vmem>>) target_semaphore(%run_scoped3A : memref<!tpu.dma_semaphore, #tpu.memory_space<semaphore_mem>>)
        %dma_wait3A = arith.constant 0 : i32
        %dma_wait3A_29 = tpu.memref_slice %arg2[%add3A_25, %dma_wait3A] : memref<320000x128xf32, #tpu.memory_space<hbm>> -> memref<80x128xf32, #tpu.memory_space<hbm>>
        %dma_wait3A_30 = arith.constant 0 : i32
        %dma_wait3A_31 = tpu.memref_slice %arg2[%add3A_25, %dma_wait3A_30] : memref<320000x128xf32, #tpu.memory_space<hbm>> -> memref<80x128xf32, #tpu.memory_space<hbm>>
        tpu.wait_dma2 semaphore(%run_scoped3A : memref<!tpu.dma_semaphore, #tpu.memory_space<semaphore_mem>>) src(%dma_wait3A_31 : memref<80x128xf32, #tpu.memory_space<hbm>>) dst(%arg12 : memref<80x128xf32, #tpu.memory_space<vmem>>)
        tpu.yield
      }) : () -> ()
      "tpu.region"() ({
        %run_scoped3A = tpu.sem_alloc : memref<!tpu.dma_semaphore, #tpu.memory_space<semaphore_mem>>
        %dma_start3A = arith.constant 0 : i32
        %dma_start3A_26 = tpu.memref_slice %arg3[%add3A_25, %dma_start3A] : memref<320000x128xf32, #tpu.memory_space<hbm>> -> memref<80x128xf32, #tpu.memory_space<hbm>>
        %dma_start3A_27 = arith.constant 0 : i32
        %dma_start3A_28 = tpu.memref_slice %arg3[%add3A_25, %dma_start3A_27] : memref<320000x128xf32, #tpu.memory_space<hbm>> -> memref<80x128xf32, #tpu.memory_space<hbm>>
        tpu.enqueue_dma source(%dma_start3A_28 : memref<80x128xf32, #tpu.memory_space<hbm>>) target(%arg13 : memref<80x128xf32, #tpu.memory_space<vmem>>) target_semaphore(%run_scoped3A : memref<!tpu.dma_semaphore, #tpu.memory_space<semaphore_mem>>)
        %dma_wait3A = arith.constant 0 : i32
        %dma_wait3A_29 = tpu.memref_slice %arg3[%add3A_25, %dma_wait3A] : memref<320000x128xf32, #tpu.memory_space<hbm>> -> memref<80x128xf32, #tpu.memory_space<hbm>>
        %dma_wait3A_30 = arith.constant 0 : i32
        %dma_wait3A_31 = tpu.memref_slice %arg3[%add3A_25, %dma_wait3A_30] : memref<320000x128xf32, #tpu.memory_space<hbm>> -> memref<80x128xf32, #tpu.memory_space<hbm>>
        tpu.wait_dma2 semaphore(%run_scoped3A : memref<!tpu.dma_semaphore, #tpu.memory_space<semaphore_mem>>) src(%dma_wait3A_31 : memref<80x128xf32, #tpu.memory_space<hbm>>) dst(%arg13 : memref<80x128xf32, #tpu.memory_space<vmem>>)
        tpu.yield
      }) : () -> ()
      "tpu.region"() ({
        %run_scoped3A = tpu.sem_alloc : memref<!tpu.dma_semaphore, #tpu.memory_space<semaphore_mem>>
        %dma_start3A = arith.constant 0 : i32
        %dma_start3A_26 = arith.constant 0 : i32
        %dma_start3A_27 = tpu.memref_slice %arg14[%dma_start3A, %dma_start3A_26] : memref<10240x128xf32, #tpu.memory_space<vmem_shared>> -> memref<10240x128xf32, #tpu.memory_space<vmem_shared>>
        tpu.enqueue_indirect_dma source(%arg12 : memref<80x128xf32, #tpu.memory_space<vmem>>) target(%dma_start3A_27 : memref<10240x128xf32, #tpu.memory_space<vmem_shared>>) offsets(%arg10 : memref<80xi32, #tpu.memory_space<vmem>>) semaphore(%run_scoped3A : memref<!tpu.dma_semaphore, #tpu.memory_space<semaphore_mem>>) {add = true}
        %dma_wait3A = arith.constant 0 : i32
        %dma_wait3A_28 = arith.constant 0 : i32
        %dma_wait3A_29 = tpu.memref_slice %arg14[%dma_wait3A, %dma_wait3A_28] : memref<10240x128xf32, #tpu.memory_space<vmem_shared>> -> memref<10240x128xf32, #tpu.memory_space<vmem_shared>>
        tpu.wait_indirect_dma semaphore(%run_scoped3A : memref<!tpu.dma_semaphore, #tpu.memory_space<semaphore_mem>>) src(%arg12 : memref<80x128xf32, #tpu.memory_space<vmem>>) dst(%dma_wait3A_29 : memref<10240x128xf32, #tpu.memory_space<vmem_shared>>)
        tpu.yield
      }) : () -> ()
      "tpu.region"() ({
        %run_scoped3A = tpu.sem_alloc : memref<!tpu.dma_semaphore, #tpu.memory_space<semaphore_mem>>
        %dma_start3A = arith.constant 0 : i32
        %dma_start3A_26 = arith.constant 0 : i32
        %dma_start3A_27 = tpu.memref_slice %arg15[%dma_start3A, %dma_start3A_26] : memref<1280x128xf32, #tpu.memory_space<vmem_shared>> -> memref<1280x128xf32, #tpu.memory_space<vmem_shared>>
        tpu.enqueue_indirect_dma source(%arg13 : memref<80x128xf32, #tpu.memory_space<vmem>>) target(%dma_start3A_27 : memref<1280x128xf32, #tpu.memory_space<vmem_shared>>) offsets(%arg11 : memref<80xi32, #tpu.memory_space<vmem>>) semaphore(%run_scoped3A : memref<!tpu.dma_semaphore, #tpu.memory_space<semaphore_mem>>) {add = true}
        %dma_wait3A = arith.constant 0 : i32
        %dma_wait3A_28 = arith.constant 0 : i32
        %dma_wait3A_29 = tpu.memref_slice %arg15[%dma_wait3A, %dma_wait3A_28] : memref<1280x128xf32, #tpu.memory_space<vmem_shared>> -> memref<1280x128xf32, #tpu.memory_space<vmem_shared>>
        tpu.wait_indirect_dma semaphore(%run_scoped3A : memref<!tpu.dma_semaphore, #tpu.memory_space<semaphore_mem>>) src(%arg13 : memref<80x128xf32, #tpu.memory_space<vmem>>) dst(%dma_wait3A_29 : memref<1280x128xf32, #tpu.memory_space<vmem_shared>>)
        tpu.yield
      }) : () -> ()
    }
    %scan3A_10 = arith.constant 125 : i32
    %barrier3A_11 = arith.constant 0 : index
    tpu.barrier barrier_id(%barrier3A_11)
    %mul3A_12 = arith.constant 640 : i32
    %mul3A_13 = arith.muli %arg1, %mul3A_12 : i32
    %mul3A_14 = arith.constant 640 : i32
    %mul3A_15 = arith.muli %arg1, %mul3A_14 : i32
    "tpu.region"() ({
      %run_scoped3A = tpu.sem_alloc : memref<!tpu.dma_semaphore, #tpu.memory_space<semaphore_mem>>
      %dma_start3A = arith.constant 0 : i32
      %dma_start3A_20 = tpu.memref_slice %arg8[%arg0, %mul3A_15, %dma_start3A] : memref<2x10240x128xf32, #tpu.memory_space<hbm>> -> memref<1x640x128xf32, #tpu.memory_space<hbm>>
      %dma_start3A_21 = tpu.memref_squeeze %dma_start3A_20 : memref<1x640x128xf32, #tpu.memory_space<hbm>> -> memref<640x128xf32, #tpu.memory_space<hbm>>
      %dma_start3A_22 = arith.constant 0 : i32
      %dma_start3A_23 = tpu.memref_slice %arg14[%mul3A_13, %dma_start3A_22] : memref<10240x128xf32, #tpu.memory_space<vmem_shared>> -> memref<640x128xf32, #tpu.memory_space<vmem_shared>>
      tpu.enqueue_dma source(%dma_start3A_23 : memref<640x128xf32, #tpu.memory_space<vmem_shared>>) target(%dma_start3A_21 : memref<640x128xf32, #tpu.memory_space<hbm>>) target_semaphore(%run_scoped3A : memref<!tpu.dma_semaphore, #tpu.memory_space<semaphore_mem>>)
      %dma_wait3A = arith.constant 0 : i32
      %dma_wait3A_24 = tpu.memref_slice %arg8[%arg0, %mul3A_15, %dma_wait3A] : memref<2x10240x128xf32, #tpu.memory_space<hbm>> -> memref<1x640x128xf32, #tpu.memory_space<hbm>>
      %dma_wait3A_25 = tpu.memref_squeeze %dma_wait3A_24 : memref<1x640x128xf32, #tpu.memory_space<hbm>> -> memref<640x128xf32, #tpu.memory_space<hbm>>
      %dma_wait3A_26 = arith.constant 0 : i32
      %dma_wait3A_27 = tpu.memref_slice %arg14[%mul3A_13, %dma_wait3A_26] : memref<10240x128xf32, #tpu.memory_space<vmem_shared>> -> memref<640x128xf32, #tpu.memory_space<vmem_shared>>
      tpu.wait_dma2 semaphore(%run_scoped3A : memref<!tpu.dma_semaphore, #tpu.memory_space<semaphore_mem>>) src(%dma_wait3A_27 : memref<640x128xf32, #tpu.memory_space<vmem_shared>>) dst(%dma_wait3A_25 : memref<640x128xf32, #tpu.memory_space<hbm>>)
      tpu.yield
    }) : () -> ()
    %mul3A_16 = arith.constant 80 : i32
    %mul3A_17 = arith.muli %arg1, %mul3A_16 : i32
    %mul3A_18 = arith.constant 80 : i32
    %mul3A_19 = arith.muli %arg1, %mul3A_18 : i32
    "tpu.region"() ({
      %run_scoped3A = tpu.sem_alloc : memref<!tpu.dma_semaphore, #tpu.memory_space<semaphore_mem>>
      %dma_start3A = arith.constant 0 : i32
      %dma_start3A_20 = tpu.memref_slice %arg9[%arg0, %mul3A_19, %dma_start3A] : memref<2x1280x128xf32, #tpu.memory_space<hbm>> -> memref<1x80x128xf32, #tpu.memory_space<hbm>>
      %dma_start3A_21 = tpu.memref_squeeze %dma_start3A_20 : memref<1x80x128xf32, #tpu.memory_space<hbm>> -> memref<80x128xf32, #tpu.memory_space<hbm>>
      %dma_start3A_22 = arith.constant 0 : i32
      %dma_start3A_23 = tpu.memref_slice %arg15[%mul3A_17, %dma_start3A_22] : memref<1280x128xf32, #tpu.memory_space<vmem_shared>> -> memref<80x128xf32, #tpu.memory_space<vmem_shared>>
      tpu.enqueue_dma source(%dma_start3A_23 : memref<80x128xf32, #tpu.memory_space<vmem_shared>>) target(%dma_start3A_21 : memref<80x128xf32, #tpu.memory_space<hbm>>) target_semaphore(%run_scoped3A : memref<!tpu.dma_semaphore, #tpu.memory_space<semaphore_mem>>)
      %dma_wait3A = arith.constant 0 : i32
      %dma_wait3A_24 = tpu.memref_slice %arg9[%arg0, %mul3A_19, %dma_wait3A] : memref<2x1280x128xf32, #tpu.memory_space<hbm>> -> memref<1x80x128xf32, #tpu.memory_space<hbm>>
      %dma_wait3A_25 = tpu.memref_squeeze %dma_wait3A_24 : memref<1x80x128xf32, #tpu.memory_space<hbm>> -> memref<80x128xf32, #tpu.memory_space<hbm>>
      %dma_wait3A_26 = arith.constant 0 : i32
      %dma_wait3A_27 = tpu.memref_slice %arg15[%mul3A_17, %dma_wait3A_26] : memref<1280x128xf32, #tpu.memory_space<vmem_shared>> -> memref<80x128xf32, #tpu.memory_space<vmem_shared>>
      tpu.wait_dma2 semaphore(%run_scoped3A : memref<!tpu.dma_semaphore, #tpu.memory_space<semaphore_mem>>) src(%dma_wait3A_27 : memref<80x128xf32, #tpu.memory_space<vmem_shared>>) dst(%dma_wait3A_25 : memref<80x128xf32, #tpu.memory_space<hbm>>)
      tpu.yield
    }) : () -> ()
    return
  }
}

#map = affine_map<(d0, d1) -> (0, 0)>
#map1 = affine_map<(d0, d1) -> (0)>
module attributes {stable_mosaic.version = 14 : i64} {
  func.func @k(%arg0: i32, %arg1: i32, %arg2: memref<10000x128xf32, #tpu.memory_space<hbm>>, %arg3: memref<320000xi32, #tpu.memory_space<hbm>>, %arg4: memref<320000x128xf32, #tpu.memory_space<hbm>>, %arg5: memref<80xi32, #tpu.memory_space<vmem>>, %arg6: memref<80x128xf32, #tpu.memory_space<vmem>>, %arg7: memref<!tpu.dma_semaphore, #tpu.memory_space<semaphore_mem>>) attributes {dimension_semantics = [#tpu.dimension_semantics<core_parallel>, #tpu.dimension_semantics<subcore_parallel>], iteration_bounds = array<i64: 2, 16>, scalar_prefetch = 0 : i64, scratch_operands = 3 : i64, tpu.core_type = #tpu.core_type<sc_vector_subcore>, window_params = [{transform_indices = #map}, {transform_indices = #map1}, {transform_indices = #map}]} {
    %mul3A = arith.constant 2 : i32
    %mul3A_0 = arith.muli %arg1, %mul3A : i32
    %add3A = arith.addi %mul3A_0, %arg0 : i32
    %mul3A_1 = arith.constant 10000 : i32
    %mul3A_2 = arith.muli %add3A, %mul3A_1 : i32
    %scan3A = arith.constant 0 : i32
    %scan3A_3 = arith.constant 125 : i32
    %scan3A_4 = arith.addi %scan3A, %scan3A_3 : i32
    %scan3A_5 = arith.constant 1 : i32
    scf.for %scan3A_7 = %scan3A to %scan3A_4 step %scan3A_5  : i32 {
      %mul3A_8 = arith.constant 80 : i32
      %mul3A_9 = arith.muli %scan3A_7, %mul3A_8 : i32
      %add3A_10 = arith.constant 0 : i32
      %add3A_11 = arith.addi %add3A_10, %mul3A_9 : i32
      %add3A_12 = arith.addi %mul3A_2, %add3A_11 : i32
      "tpu.region"() ({
        %run_scoped3A = tpu.sem_alloc : memref<!tpu.dma_semaphore, #tpu.memory_space<semaphore_mem>>
        %dma_start3A_17 = tpu.memref_slice %arg3[%add3A_12] : memref<320000xi32, #tpu.memory_space<hbm>> -> memref<80xi32, #tpu.memory_space<hbm>>
        %dma_start3A_18 = tpu.memref_slice %arg3[%add3A_12] : memref<320000xi32, #tpu.memory_space<hbm>> -> memref<80xi32, #tpu.memory_space<hbm>>
        tpu.enqueue_dma source(%dma_start3A_18 : memref<80xi32, #tpu.memory_space<hbm>>) target(%arg5 : memref<80xi32, #tpu.memory_space<vmem>>) target_semaphore(%run_scoped3A : memref<!tpu.dma_semaphore, #tpu.memory_space<semaphore_mem>>)
        %dma_wait3A_19 = tpu.memref_slice %arg3[%add3A_12] : memref<320000xi32, #tpu.memory_space<hbm>> -> memref<80xi32, #tpu.memory_space<hbm>>
        %dma_wait3A_20 = tpu.memref_slice %arg3[%add3A_12] : memref<320000xi32, #tpu.memory_space<hbm>> -> memref<80xi32, #tpu.memory_space<hbm>>
        tpu.wait_dma2 semaphore(%run_scoped3A : memref<!tpu.dma_semaphore, #tpu.memory_space<semaphore_mem>>) src(%dma_wait3A_20 : memref<80xi32, #tpu.memory_space<hbm>>) dst(%arg5 : memref<80xi32, #tpu.memory_space<vmem>>)
        tpu.yield
      }) : () -> ()
      %dma_start3A = arith.constant 0 : i32
      %dma_start3A_13 = arith.constant 0 : i32
      %dma_start3A_14 = tpu.memref_slice %arg2[%dma_start3A, %dma_start3A_13] : memref<10000x128xf32, #tpu.memory_space<hbm>> -> memref<10000x128xf32, #tpu.memory_space<hbm>>
      tpu.enqueue_indirect_dma source(%dma_start3A_14 : memref<10000x128xf32, #tpu.memory_space<hbm>>) target(%arg6 : memref<80x128xf32, #tpu.memory_space<vmem>>) offsets(%arg5 : memref<80xi32, #tpu.memory_space<vmem>>) semaphore(%arg7 : memref<!tpu.dma_semaphore, #tpu.memory_space<semaphore_mem>>)
      %dma_wait3A = arith.constant 0 : i32
      %dma_wait3A_15 = arith.constant 0 : i32
      %dma_wait3A_16 = tpu.memref_slice %arg2[%dma_wait3A, %dma_wait3A_15] : memref<10000x128xf32, #tpu.memory_space<hbm>> -> memref<10000x128xf32, #tpu.memory_space<hbm>>
      tpu.wait_indirect_dma semaphore(%arg7 : memref<!tpu.dma_semaphore, #tpu.memory_space<semaphore_mem>>) src(%dma_wait3A_16 : memref<10000x128xf32, #tpu.memory_space<hbm>>) dst(%arg6 : memref<80x128xf32, #tpu.memory_space<vmem>>)
      "tpu.region"() ({
        %run_scoped3A = tpu.sem_alloc : memref<!tpu.dma_semaphore, #tpu.memory_space<semaphore_mem>>
        %dma_start3A_17 = arith.constant 0 : i32
        %dma_start3A_18 = tpu.memref_slice %arg4[%add3A_12, %dma_start3A_17] : memref<320000x128xf32, #tpu.memory_space<hbm>> -> memref<80x128xf32, #tpu.memory_space<hbm>>
        %dma_start3A_19 = arith.constant 0 : i32
        %dma_start3A_20 = tpu.memref_slice %arg4[%add3A_12, %dma_start3A_19] : memref<320000x128xf32, #tpu.memory_space<hbm>> -> memref<80x128xf32, #tpu.memory_space<hbm>>
        tpu.enqueue_dma source(%arg6 : memref<80x128xf32, #tpu.memory_space<vmem>>) target(%dma_start3A_20 : memref<80x128xf32, #tpu.memory_space<hbm>>) target_semaphore(%run_scoped3A : memref<!tpu.dma_semaphore, #tpu.memory_space<semaphore_mem>>)
        %dma_wait3A_21 = arith.constant 0 : i32
        %dma_wait3A_22 = tpu.memref_slice %arg4[%add3A_12, %dma_wait3A_21] : memref<320000x128xf32, #tpu.memory_space<hbm>> -> memref<80x128xf32, #tpu.memory_space<hbm>>
        %dma_wait3A_23 = arith.constant 0 : i32
        %dma_wait3A_24 = tpu.memref_slice %arg4[%add3A_12, %dma_wait3A_23] : memref<320000x128xf32, #tpu.memory_space<hbm>> -> memref<80x128xf32, #tpu.memory_space<hbm>>
        tpu.wait_dma2 semaphore(%run_scoped3A : memref<!tpu.dma_semaphore, #tpu.memory_space<semaphore_mem>>) src(%arg6 : memref<80x128xf32, #tpu.memory_space<vmem>>) dst(%dma_wait3A_24 : memref<80x128xf32, #tpu.memory_space<hbm>>)
        tpu.yield
      }) : () -> ()
    }
    %scan3A_6 = arith.constant 125 : i32
    return
  }
}

module attributes {stable_mosaic.version = 14 : i64} {
  func.func @_mm2_kernel(%arg0: i32, %arg1: memref<2000x128xf32, #tpu.memory_space<vmem>>, %arg2: memref<128x128xf32, #tpu.memory_space<vmem>>, %arg3: memref<1x128xf32, #tpu.memory_space<vmem>>, %arg4: memref<128x128xf32, #tpu.memory_space<vmem>>, %arg5: memref<1x128xf32, #tpu.memory_space<vmem>>, %arg6: memref<2000x128xf32, #tpu.memory_space<vmem>>, %arg7: memref<2000x128xf32, #tpu.memory_space<vmem>>) attributes {dimension_semantics = [#tpu.dimension_semantics<arbitrary>], iteration_bounds = array<i64: 5>, scalar_prefetch = 0 : i64, scratch_operands = 0 : i64, tpu.core_type = #tpu.core_type<tc>, window_params = [{transform_indices = @transform_0, window_bounds = array<i64: 2000, 128>}, {pipeline_mode = #tpu.pipeline_mode<synchronous>, transform_indices = @transform_1, window_bounds = array<i64: 128, 128>}, {pipeline_mode = #tpu.pipeline_mode<synchronous>, transform_indices = @transform_2, window_bounds = array<i64: 1, 128>}, {pipeline_mode = #tpu.pipeline_mode<synchronous>, transform_indices = @transform_3, window_bounds = array<i64: 128, 128>}, {pipeline_mode = #tpu.pipeline_mode<synchronous>, transform_indices = @transform_4, window_bounds = array<i64: 1, 128>}, {transform_indices = @transform_5, window_bounds = array<i64: 2000, 128>}, {transform_indices = @transform_6, window_bounds = array<i64: 2000, 128>}]} {
    %get3A = arith.constant 0 : index
    %get3A_0 = arith.constant 0 : index
    %get3A_1 = vector.load %arg1[%get3A, %get3A_0] : memref<2000x128xf32, #tpu.memory_space<vmem>>, vector<2000x128xf32>
    %get3A_2 = arith.constant 0 : index
    %get3A_3 = arith.constant 0 : index
    %get3A_4 = vector.load %arg2[%get3A_2, %get3A_3] : memref<128x128xf32, #tpu.memory_space<vmem>>, vector<128x128xf32>
    %dot_general3A = arith.constant dense<0.000000e+00> : vector<2000x128xf32>
    %dot_general3A_5 = tpu.matmul %get3A_1, %get3A_4, %dot_general3A {dimension_numbers = #tpu.dot_dimension_numbers<[1], [0], [0], [1], [0, 0, 1, 1], [], []>, transpose_lhs_hint = false} : vector<2000x128xf32>, vector<128x128xf32>, vector<2000x128xf32> -> vector<2000x128xf32>
    %get3A_6 = arith.constant 0 : index
    %get3A_7 = arith.constant 0 : index
    %get3A_8 = vector.load %arg3[%get3A_6, %get3A_7] : memref<1x128xf32, #tpu.memory_space<vmem>>, vector<1x128xf32>
    %add3A = vector.broadcast %get3A_8 : vector<1x128xf32> to vector<2000x128xf32>
    %add3A_9 = arith.addf %dot_general3A_5, %add3A : vector<2000x128xf32>
    %swap3A = arith.constant 0 : index
    %swap3A_10 = arith.constant 0 : index
    %swap3A_11 = vector.load %arg6[%swap3A, %swap3A_10] : memref<2000x128xf32, #tpu.memory_space<vmem>>, vector<2000x128xf32>
    tpu.vector_store %arg6[%swap3A, %swap3A_10], %add3A_9 {strides = array<i32>} : memref<2000x128xf32, #tpu.memory_space<vmem>>, vector<2000x128xf32>,
    %get3A_12 = arith.constant 0 : index
    %get3A_13 = arith.constant 0 : index
    %get3A_14 = vector.load %arg4[%get3A_12, %get3A_13] : memref<128x128xf32, #tpu.memory_space<vmem>>, vector<128x128xf32>
    %dot_general3A_15 = arith.constant dense<0.000000e+00> : vector<2000x128xf32>
    %dot_general3A_16 = tpu.matmul %get3A_1, %get3A_14, %dot_general3A_15 {dimension_numbers = #tpu.dot_dimension_numbers<[1], [0], [0], [1], [0, 0, 1, 1], [], []>, transpose_lhs_hint = false} : vector<2000x128xf32>, vector<128x128xf32>, vector<2000x128xf32> -> vector<2000x128xf32>
    %get3A_17 = arith.constant 0 : index
    %get3A_18 = arith.constant 0 : index
    %get3A_19 = vector.load %arg5[%get3A_17, %get3A_18] : memref<1x128xf32, #tpu.memory_space<vmem>>, vector<1x128xf32>
    %add3A_20 = vector.broadcast %get3A_19 : vector<1x128xf32> to vector<2000x128xf32>
    %add3A_21 = arith.addf %dot_general3A_16, %add3A_20 : vector<2000x128xf32>
    %swap3A_22 = arith.constant 0 : index
    %swap3A_23 = arith.constant 0 : index
    %swap3A_24 = vector.load %arg7[%swap3A_22, %swap3A_23] : memref<2000x128xf32, #tpu.memory_space<vmem>>, vector<2000x128xf32>
    tpu.vector_store %arg7[%swap3A_22, %swap3A_23], %add3A_21 {strides = array<i32>} : memref<2000x128xf32, #tpu.memory_space<vmem>>, vector<2000x128xf32>,
    return
  }
  func.func @transform_0(%arg0: i32) -> (i32, i32) {
    %c0_i32 = arith.constant 0 : i32
    %c0_i32_0 = arith.constant 0 : i32
    return %arg0, %c0_i32 : i32, i32
  }
  func.func @transform_1(%arg0: i32) -> (i32, i32) {
    %c0_i32 = arith.constant 0 : i32
    %c0_i32_0 = arith.constant 0 : i32
    %c0_i32_1 = arith.constant 0 : i32
    return %c0_i32, %c0_i32_0 : i32, i32
  }
  func.func @transform_2(%arg0: i32) -> (i32, i32) {
    %c0_i32 = arith.constant 0 : i32
    %c0_i32_0 = arith.constant 0 : i32
    %c0_i32_1 = arith.constant 0 : i32
    return %c0_i32, %c0_i32_0 : i32, i32
  }
  func.func @transform_3(%arg0: i32) -> (i32, i32) {
    %c0_i32 = arith.constant 0 : i32
    %c0_i32_0 = arith.constant 0 : i32
    %c0_i32_1 = arith.constant 0 : i32
    return %c0_i32, %c0_i32_0 : i32, i32
  }
  func.func @transform_4(%arg0: i32) -> (i32, i32) {
    %c0_i32 = arith.constant 0 : i32
    %c0_i32_0 = arith.constant 0 : i32
    %c0_i32_1 = arith.constant 0 : i32
    return %c0_i32, %c0_i32_0 : i32, i32
  }
  func.func @transform_5(%arg0: i32) -> (i32, i32) {
    %c0_i32 = arith.constant 0 : i32
    %c0_i32_0 = arith.constant 0 : i32
    return %arg0, %c0_i32 : i32, i32
  }
  func.func @transform_6(%arg0: i32) -> (i32, i32) {
    %c0_i32 = arith.constant 0 : i32
    %c0_i32_0 = arith.constant 0 : i32
    return %arg0, %c0_i32 : i32, i32
  }
}

module attributes {stable_mosaic.version = 14 : i64} {
  func.func @_edge_kernel(%arg0: i32, %arg1: memref<2560x128xf32, #tpu.memory_space<vmem>>, %arg2: memref<2560x128xf32, #tpu.memory_space<vmem>>, %arg3: memref<2560x128xf32, #tpu.memory_space<vmem>>, %arg4: memref<2560x8xf32, #tpu.memory_space<vmem>>, %arg5: memref<128x128xf32, #tpu.memory_space<vmem>>, %arg6: memref<1x128xf32, #tpu.memory_space<vmem>>, %arg7: memref<1x128xf32, #tpu.memory_space<vmem>>, %arg8: memref<2560x128xf32, #tpu.memory_space<vmem>>, %arg9: memref<2560x128xf32, #tpu.memory_space<vmem>>) attributes {dimension_semantics = [#tpu.dimension_semantics<arbitrary>], iteration_bounds = array<i64: 125>, scalar_prefetch = 0 : i64, scratch_operands = 0 : i64, tpu.core_type = #tpu.core_type<tc>, window_params = [{transform_indices = @transform_0, window_bounds = array<i64: 2560, 128>}, {transform_indices = @transform_1, window_bounds = array<i64: 2560, 128>}, {transform_indices = @transform_2, window_bounds = array<i64: 2560, 128>}, {transform_indices = @transform_3, window_bounds = array<i64: 2560, 8>}, {pipeline_mode = #tpu.pipeline_mode<synchronous>, transform_indices = @transform_4, window_bounds = array<i64: 128, 128>}, {pipeline_mode = #tpu.pipeline_mode<synchronous>, transform_indices = @transform_5, window_bounds = array<i64: 1, 128>}, {pipeline_mode = #tpu.pipeline_mode<synchronous>, transform_indices = @transform_6, window_bounds = array<i64: 1, 128>}, {transform_indices = @transform_7, window_bounds = array<i64: 2560, 128>}, {transform_indices = @transform_8, window_bounds = array<i64: 2560, 128>}]} {
    %get3A = arith.constant 0 : index
    %get3A_0 = arith.constant 0 : index
    %get3A_1 = vector.load %arg1[%get3A, %get3A_0] : memref<2560x128xf32, #tpu.memory_space<vmem>>, vector<2560x128xf32>
    %get3A_2 = arith.constant 0 : index
    %get3A_3 = arith.constant 0 : index
    %get3A_4 = vector.load %arg5[%get3A_2, %get3A_3] : memref<128x128xf32, #tpu.memory_space<vmem>>, vector<128x128xf32>
    %dot_general3A = arith.constant dense<0.000000e+00> : vector<2560x128xf32>
    %dot_general3A_5 = tpu.matmul %get3A_1, %get3A_4, %dot_general3A {dimension_numbers = #tpu.dot_dimension_numbers<[1], [0], [0], [1], [0, 0, 1, 1], [], []>, transpose_lhs_hint = false} : vector<2560x128xf32>, vector<128x128xf32>, vector<2560x128xf32> -> vector<2560x128xf32>
    %get3A_6 = arith.constant 0 : index
    %get3A_7 = arith.constant 0 : index
    %get3A_8 = vector.load %arg2[%get3A_6, %get3A_7] : memref<2560x128xf32, #tpu.memory_space<vmem>>, vector<2560x128xf32>
    %get3A_9 = arith.constant 0 : index
    %get3A_10 = arith.constant 0 : index
    %get3A_11 = vector.load %arg3[%get3A_9, %get3A_10] : memref<2560x128xf32, #tpu.memory_space<vmem>>, vector<2560x128xf32>
    %add3A = arith.addf %get3A_8, %get3A_11 : vector<2560x128xf32>
    %add3A_12 = arith.addf %add3A, %dot_general3A_5 : vector<2560x128xf32>
    %get3A_13 = arith.constant 0 : index
    %get3A_14 = arith.constant 0 : index
    %get3A_15 = vector.load %arg6[%get3A_13, %get3A_14] : memref<1x128xf32, #tpu.memory_space<vmem>>, vector<1x128xf32>
    %add3A_16 = vector.broadcast %get3A_15 : vector<1x128xf32> to vector<2560x128xf32>
    %add3A_17 = arith.addf %add3A_12, %add3A_16 : vector<2560x128xf32>
    %mul3A = arith.constant 2.000000e-01 : f32
    %mul3A_18 = vector.broadcast %mul3A : f32 to vector<2560x128xf32>
    %mul3A_19 = arith.mulf %mul3A_18, %add3A_17 : vector<2560x128xf32>
    %max3A = arith.maximumf %add3A_17, %mul3A_19 : vector<2560x128xf32>
    %get3A_20 = arith.constant 0 : index
    %get3A_21 = arith.constant 0 : index
    %get3A_22 = vector.load %arg7[%get3A_20, %get3A_21] : memref<1x128xf32, #tpu.memory_space<vmem>>, vector<1x128xf32>
    %mul3A_23 = vector.broadcast %get3A_22 : vector<1x128xf32> to vector<2560x128xf32>
    %mul3A_24 = arith.mulf %max3A, %mul3A_23 : vector<2560x128xf32>
    %get3A_25 = arith.constant 0 : index
    %get3A_26 = arith.constant 0 : index
    %get3A_27 = vector.load %arg2[%get3A_25, %get3A_26] : memref<2560x128xf32, #tpu.memory_space<vmem>>, vector<2560x128xf32>
    %slice3A = vector.extract_strided_slice %mul3A_24 {offsets = [0, 0], sizes = [2560, 16], strides = [1, 1]} : vector<2560x128xf32> to vector<2560x16xf32>
    %reduce_sum3A = arith.constant dense<0.000000e+00> : vector<2560xf32>
    %reduce_sum3A_28 = vector.multi_reduction <add>, %slice3A, %reduce_sum3A [1] : vector<2560x16xf32> to vector<2560xf32>
    %broadcast_in_dim3A = vector.shape_cast %reduce_sum3A_28 : vector<2560xf32> to vector<2560x1xf32>
    %exp3A = math.exp %broadcast_in_dim3A : vector<2560x1xf32>
    %slice3A_29 = vector.extract_strided_slice %get3A_27 {offsets = [0, 0], sizes = [2560, 16], strides = [1, 1]} : vector<2560x128xf32> to vector<2560x16xf32>
    %mul3A_30 = vector.broadcast %exp3A : vector<2560x1xf32> to vector<2560x16xf32>
    %mul3A_31 = arith.mulf %slice3A_29, %mul3A_30 : vector<2560x16xf32>
    %slice3A_32 = vector.extract_strided_slice %mul3A_24 {offsets = [0, 16], sizes = [2560, 16], strides = [1, 1]} : vector<2560x128xf32> to vector<2560x16xf32>
    %reduce_sum3A_33 = arith.constant dense<0.000000e+00> : vector<2560xf32>
    %reduce_sum3A_34 = vector.multi_reduction <add>, %slice3A_32, %reduce_sum3A_33 [1] : vector<2560x16xf32> to vector<2560xf32>
    %broadcast_in_dim3A_35 = vector.shape_cast %reduce_sum3A_34 : vector<2560xf32> to vector<2560x1xf32>
    %exp3A_36 = math.exp %broadcast_in_dim3A_35 : vector<2560x1xf32>
    %slice3A_37 = vector.extract_strided_slice %get3A_27 {offsets = [0, 16], sizes = [2560, 16], strides = [1, 1]} : vector<2560x128xf32> to vector<2560x16xf32>
    %mul3A_38 = vector.broadcast %exp3A_36 : vector<2560x1xf32> to vector<2560x16xf32>
    %mul3A_39 = arith.mulf %slice3A_37, %mul3A_38 : vector<2560x16xf32>
    %slice3A_40 = vector.extract_strided_slice %mul3A_24 {offsets = [0, 32], sizes = [2560, 16], strides = [1, 1]} : vector<2560x128xf32> to vector<2560x16xf32>
    %reduce_sum3A_41 = arith.constant dense<0.000000e+00> : vector<2560xf32>
    %reduce_sum3A_42 = vector.multi_reduction <add>, %slice3A_40, %reduce_sum3A_41 [1] : vector<2560x16xf32> to vector<2560xf32>
    %broadcast_in_dim3A_43 = vector.shape_cast %reduce_sum3A_42 : vector<2560xf32> to vector<2560x1xf32>
    %exp3A_44 = math.exp %broadcast_in_dim3A_43 : vector<2560x1xf32>
    %slice3A_45 = vector.extract_strided_slice %get3A_27 {offsets = [0, 32], sizes = [2560, 16], strides = [1, 1]} : vector<2560x128xf32> to vector<2560x16xf32>
    %mul3A_46 = vector.broadcast %exp3A_44 : vector<2560x1xf32> to vector<2560x16xf32>
    %mul3A_47 = arith.mulf %slice3A_45, %mul3A_46 : vector<2560x16xf32>
    %slice3A_48 = vector.extract_strided_slice %mul3A_24 {offsets = [0, 48], sizes = [2560, 16], strides = [1, 1]} : vector<2560x128xf32> to vector<2560x16xf32>
    %reduce_sum3A_49 = arith.constant dense<0.000000e+00> : vector<2560xf32>
    %reduce_sum3A_50 = vector.multi_reduction <add>, %slice3A_48, %reduce_sum3A_49 [1] : vector<2560x16xf32> to vector<2560xf32>
    %broadcast_in_dim3A_51 = vector.shape_cast %reduce_sum3A_50 : vector<2560xf32> to vector<2560x1xf32>
    %exp3A_52 = math.exp %broadcast_in_dim3A_51 : vector<2560x1xf32>
    %slice3A_53 = vector.extract_strided_slice %get3A_27 {offsets = [0, 48], sizes = [2560, 16], strides = [1, 1]} : vector<2560x128xf32> to vector<2560x16xf32>
    %mul3A_54 = vector.broadcast %exp3A_52 : vector<2560x1xf32> to vector<2560x16xf32>
    %mul3A_55 = arith.mulf %slice3A_53, %mul3A_54 : vector<2560x16xf32>
    %slice3A_56 = vector.extract_strided_slice %mul3A_24 {offsets = [0, 64], sizes = [2560, 16], strides = [1, 1]} : vector<2560x128xf32> to vector<2560x16xf32>
    %reduce_sum3A_57 = arith.constant dense<0.000000e+00> : vector<2560xf32>
    %reduce_sum3A_58 = vector.multi_reduction <add>, %slice3A_56, %reduce_sum3A_57 [1] : vector<2560x16xf32> to vector<2560xf32>
    %broadcast_in_dim3A_59 = vector.shape_cast %reduce_sum3A_58 : vector<2560xf32> to vector<2560x1xf32>
    %exp3A_60 = math.exp %broadcast_in_dim3A_59 : vector<2560x1xf32>
    %slice3A_61 = vector.extract_strided_slice %get3A_27 {offsets = [0, 64], sizes = [2560, 16], strides = [1, 1]} : vector<2560x128xf32> to vector<2560x16xf32>
    %mul3A_62 = vector.broadcast %exp3A_60 : vector<2560x1xf32> to vector<2560x16xf32>
    %mul3A_63 = arith.mulf %slice3A_61, %mul3A_62 : vector<2560x16xf32>
    %slice3A_64 = vector.extract_strided_slice %mul3A_24 {offsets = [0, 80], sizes = [2560, 16], strides = [1, 1]} : vector<2560x128xf32> to vector<2560x16xf32>
    %reduce_sum3A_65 = arith.constant dense<0.000000e+00> : vector<2560xf32>
    %reduce_sum3A_66 = vector.multi_reduction <add>, %slice3A_64, %reduce_sum3A_65 [1] : vector<2560x16xf32> to vector<2560xf32>
    %broadcast_in_dim3A_67 = vector.shape_cast %reduce_sum3A_66 : vector<2560xf32> to vector<2560x1xf32>
    %exp3A_68 = math.exp %broadcast_in_dim3A_67 : vector<2560x1xf32>
    %slice3A_69 = vector.extract_strided_slice %get3A_27 {offsets = [0, 80], sizes = [2560, 16], strides = [1, 1]} : vector<2560x128xf32> to vector<2560x16xf32>
    %mul3A_70 = vector.broadcast %exp3A_68 : vector<2560x1xf32> to vector<2560x16xf32>
    %mul3A_71 = arith.mulf %slice3A_69, %mul3A_70 : vector<2560x16xf32>
    %slice3A_72 = vector.extract_strided_slice %mul3A_24 {offsets = [0, 96], sizes = [2560, 16], strides = [1, 1]} : vector<2560x128xf32> to vector<2560x16xf32>
    %reduce_sum3A_73 = arith.constant dense<0.000000e+00> : vector<2560xf32>
    %reduce_sum3A_74 = vector.multi_reduction <add>, %slice3A_72, %reduce_sum3A_73 [1] : vector<2560x16xf32> to vector<2560xf32>
    %broadcast_in_dim3A_75 = vector.shape_cast %reduce_sum3A_74 : vector<2560xf32> to vector<2560x1xf32>
    %exp3A_76 = math.exp %broadcast_in_dim3A_75 : vector<2560x1xf32>
    %slice3A_77 = vector.extract_strided_slice %get3A_27 {offsets = [0, 96], sizes = [2560, 16], strides = [1, 1]} : vector<2560x128xf32> to vector<2560x16xf32>
    %mul3A_78 = vector.broadcast %exp3A_76 : vector<2560x1xf32> to vector<2560x16xf32>
    %mul3A_79 = arith.mulf %slice3A_77, %mul3A_78 : vector<2560x16xf32>
    %slice3A_80 = vector.extract_strided_slice %mul3A_24 {offsets = [0, 112], sizes = [2560, 16], strides = [1, 1]} : vector<2560x128xf32> to vector<2560x16xf32>
    %reduce_sum3A_81 = arith.constant dense<0.000000e+00> : vector<2560xf32>
    %reduce_sum3A_82 = vector.multi_reduction <add>, %slice3A_80, %reduce_sum3A_81 [1] : vector<2560x16xf32> to vector<2560xf32>
    %broadcast_in_dim3A_83 = vector.shape_cast %reduce_sum3A_82 : vector<2560xf32> to vector<2560x1xf32>
    %exp3A_84 = math.exp %broadcast_in_dim3A_83 : vector<2560x1xf32>
    %slice3A_85 = vector.extract_strided_slice %get3A_27 {offsets = [0, 112], sizes = [2560, 16], strides = [1, 1]} : vector<2560x128xf32> to vector<2560x16xf32>
    %mul3A_86 = vector.broadcast %exp3A_84 : vector<2560x1xf32> to vector<2560x16xf32>
    %mul3A_87 = arith.mulf %slice3A_85, %mul3A_86 : vector<2560x16xf32>
    %concatenate3A = tpu.concatenate %mul3A_31, %mul3A_39, %mul3A_47, %mul3A_55, %mul3A_63, %mul3A_71, %mul3A_79, %mul3A_87 in 1 : vector<2560x16xf32>, vector<2560x16xf32>, vector<2560x16xf32>, vector<2560x16xf32>, vector<2560x16xf32>, vector<2560x16xf32>, vector<2560x16xf32>, vector<2560x16xf32> -> vector<2560x128xf32>
    %swap3A = arith.constant 0 : index
    %swap3A_88 = arith.constant 0 : index
    %swap3A_89 = vector.load %arg8[%swap3A, %swap3A_88] : memref<2560x128xf32, #tpu.memory_space<vmem>>, vector<2560x128xf32>
    tpu.vector_store %arg8[%swap3A, %swap3A_88], %concatenate3A {strides = array<i32>} : memref<2560x128xf32, #tpu.memory_space<vmem>>, vector<2560x128xf32>,
    %broadcast_in_dim3A_90 = arith.constant 0.000000e+00 : f32
    %broadcast_in_dim3A_91 = vector.broadcast %broadcast_in_dim3A_90 : f32 to vector<2560x1xf32>
    %concatenate3A_92 = tpu.concatenate %exp3A, %exp3A_36, %exp3A_44, %exp3A_52, %exp3A_60, %exp3A_68, %exp3A_76, %exp3A_84, %broadcast_in_dim3A_91, %broadcast_in_dim3A_91, %broadcast_in_dim3A_91, %broadcast_in_dim3A_91, %broadcast_in_dim3A_91, %broadcast_in_dim3A_91, %broadcast_in_dim3A_91, %broadcast_in_dim3A_91 in 1 : vector<2560x1xf32>, vector<2560x1xf32>, vector<2560x1xf32>, vector<2560x1xf32>, vector<2560x1xf32>, vector<2560x1xf32>, vector<2560x1xf32>, vector<2560x1xf32>, vector<2560x1xf32>, vector<2560x1xf32>, vector<2560x1xf32>, vector<2560x1xf32>, vector<2560x1xf32>, vector<2560x1xf32>, vector<2560x1xf32>, vector<2560x1xf32> -> vector<2560x16xf32>
    %get3A_93 = arith.constant 0 : index
    %get3A_94 = arith.constant 0 : index
    %get3A_95 = vector.load %arg4[%get3A_93, %get3A_94] : memref<2560x8xf32, #tpu.memory_space<vmem>>, vector<2560x8xf32>
    %slice3A_96 = vector.extract_strided_slice %get3A_95 {offsets = [0, 0], sizes = [2560, 1], strides = [1, 1]} : vector<2560x8xf32> to vector<2560x1xf32>
    %mul3A_97 = vector.broadcast %slice3A_96 : vector<2560x1xf32> to vector<2560x16xf32>
    %mul3A_98 = arith.mulf %concatenate3A_92, %mul3A_97 : vector<2560x16xf32>
    %slice3A_99 = vector.extract_strided_slice %get3A_95 {offsets = [0, 1], sizes = [2560, 1], strides = [1, 1]} : vector<2560x8xf32> to vector<2560x1xf32>
    %mul3A_100 = vector.broadcast %slice3A_99 : vector<2560x1xf32> to vector<2560x16xf32>
    %mul3A_101 = arith.mulf %concatenate3A_92, %mul3A_100 : vector<2560x16xf32>
    %slice3A_102 = vector.extract_strided_slice %get3A_95 {offsets = [0, 2], sizes = [2560, 1], strides = [1, 1]} : vector<2560x8xf32> to vector<2560x1xf32>
    %mul3A_103 = vector.broadcast %slice3A_102 : vector<2560x1xf32> to vector<2560x16xf32>
    %mul3A_104 = arith.mulf %concatenate3A_92, %mul3A_103 : vector<2560x16xf32>
    %slice3A_105 = vector.extract_strided_slice %get3A_95 {offsets = [0, 3], sizes = [2560, 1], strides = [1, 1]} : vector<2560x8xf32> to vector<2560x1xf32>
    %mul3A_106 = vector.broadcast %slice3A_105 : vector<2560x1xf32> to vector<2560x16xf32>
    %mul3A_107 = arith.mulf %concatenate3A_92, %mul3A_106 : vector<2560x16xf32>
    %slice3A_108 = vector.extract_strided_slice %get3A_95 {offsets = [0, 4], sizes = [2560, 1], strides = [1, 1]} : vector<2560x8xf32> to vector<2560x1xf32>
    %mul3A_109 = vector.broadcast %slice3A_108 : vector<2560x1xf32> to vector<2560x16xf32>
    %mul3A_110 = arith.mulf %concatenate3A_92, %mul3A_109 : vector<2560x16xf32>
    %slice3A_111 = vector.extract_strided_slice %get3A_95 {offsets = [0, 5], sizes = [2560, 1], strides = [1, 1]} : vector<2560x8xf32> to vector<2560x1xf32>
    %mul3A_112 = vector.broadcast %slice3A_111 : vector<2560x1xf32> to vector<2560x16xf32>
    %mul3A_113 = arith.mulf %concatenate3A_92, %mul3A_112 : vector<2560x16xf32>
    %slice3A_114 = vector.extract_strided_slice %get3A_95 {offsets = [0, 6], sizes = [2560, 1], strides = [1, 1]} : vector<2560x8xf32> to vector<2560x1xf32>
    %mul3A_115 = vector.broadcast %slice3A_114 : vector<2560x1xf32> to vector<2560x16xf32>
    %mul3A_116 = arith.mulf %concatenate3A_92, %mul3A_115 : vector<2560x16xf32>
    %slice3A_117 = vector.extract_strided_slice %get3A_95 {offsets = [0, 7], sizes = [2560, 1], strides = [1, 1]} : vector<2560x8xf32> to vector<2560x1xf32>
    %mul3A_118 = vector.broadcast %slice3A_117 : vector<2560x1xf32> to vector<2560x16xf32>
    %mul3A_119 = arith.mulf %concatenate3A_92, %mul3A_118 : vector<2560x16xf32>
    %concatenate3A_120 = tpu.concatenate %mul3A_98, %mul3A_101, %mul3A_104, %mul3A_107, %mul3A_110, %mul3A_113, %mul3A_116, %mul3A_119 in 1 : vector<2560x16xf32>, vector<2560x16xf32>, vector<2560x16xf32>, vector<2560x16xf32>, vector<2560x16xf32>, vector<2560x16xf32>, vector<2560x16xf32>, vector<2560x16xf32> -> vector<2560x128xf32>
    %swap3A_121 = arith.constant 0 : index
    %swap3A_122 = arith.constant 0 : index
    %swap3A_123 = vector.load %arg9[%swap3A_121, %swap3A_122] : memref<2560x128xf32, #tpu.memory_space<vmem>>, vector<2560x128xf32>
    tpu.vector_store %arg9[%swap3A_121, %swap3A_122], %concatenate3A_120 {strides = array<i32>} : memref<2560x128xf32, #tpu.memory_space<vmem>>, vector<2560x128xf32>,
    return
  }
  func.func @transform_0(%arg0: i32) -> (i32, i32) {
    %c0_i32 = arith.constant 0 : i32
    %c0_i32_0 = arith.constant 0 : i32
    return %arg0, %c0_i32 : i32, i32
  }
  func.func @transform_1(%arg0: i32) -> (i32, i32) {
    %c0_i32 = arith.constant 0 : i32
    %c0_i32_0 = arith.constant 0 : i32
    return %arg0, %c0_i32 : i32, i32
  }
  func.func @transform_2(%arg0: i32) -> (i32, i32) {
    %c0_i32 = arith.constant 0 : i32
    %c0_i32_0 = arith.constant 0 : i32
    return %arg0, %c0_i32 : i32, i32
  }
  func.func @transform_3(%arg0: i32) -> (i32, i32) {
    %c0_i32 = arith.constant 0 : i32
    %c0_i32_0 = arith.constant 0 : i32
    return %arg0, %c0_i32 : i32, i32
  }
  func.func @transform_4(%arg0: i32) -> (i32, i32) {
    %c0_i32 = arith.constant 0 : i32
    %c0_i32_0 = arith.constant 0 : i32
    %c0_i32_1 = arith.constant 0 : i32
    return %c0_i32, %c0_i32_0 : i32, i32
  }
  func.func @transform_5(%arg0: i32) -> (i32, i32) {
    %c0_i32 = arith.constant 0 : i32
    %c0_i32_0 = arith.constant 0 : i32
    %c0_i32_1 = arith.constant 0 : i32
    return %c0_i32, %c0_i32_0 : i32, i32
  }
  func.func @transform_6(%arg0: i32) -> (i32, i32) {
    %c0_i32 = arith.constant 0 : i32
    %c0_i32_0 = arith.constant 0 : i32
    %c0_i32_1 = arith.constant 0 : i32
    return %c0_i32, %c0_i32_0 : i32, i32
  }
  func.func @transform_7(%arg0: i32) -> (i32, i32) {
    %c0_i32 = arith.constant 0 : i32
    %c0_i32_0 = arith.constant 0 : i32
    return %arg0, %c0_i32 : i32, i32
  }
  func.func @transform_8(%arg0: i32) -> (i32, i32) {
    %c0_i32 = arith.constant 0 : i32
    %c0_i32_0 = arith.constant 0 : i32
    return %arg0, %c0_i32 : i32, i32
  }
}

module attributes {stable_mosaic.version = 14 : i64} {
  func.func @_mid_kernel(%arg0: i32, %arg1: memref<2x2000x128xf32, #tpu.memory_space<vmem>>, %arg2: memref<2x2000x16xf32, #tpu.memory_space<vmem>>, %arg3: memref<1x128xf32, #tpu.memory_space<vmem>>, %arg4: memref<1x128xf32, #tpu.memory_space<vmem>>, %arg5: memref<1x128xf32, #tpu.memory_space<vmem>>, %arg6: memref<128x128xf32, #tpu.memory_space<vmem>>, %arg7: memref<1x128xf32, #tpu.memory_space<vmem>>, %arg8: memref<128x128xf32, #tpu.memory_space<vmem>>, %arg9: memref<1x128xf32, #tpu.memory_space<vmem>>, %arg10: memref<2000x128xf32, #tpu.memory_space<vmem>>, %arg11: memref<2000x128xf32, #tpu.memory_space<vmem>>) attributes {dimension_semantics = [#tpu.dimension_semantics<arbitrary>], iteration_bounds = array<i64: 5>, scalar_prefetch = 0 : i64, scratch_operands = 0 : i64, tpu.core_type = #tpu.core_type<tc>, window_params = [{transform_indices = @transform_0, window_bounds = array<i64: 2, 2000, 128>}, {transform_indices = @transform_1, window_bounds = array<i64: 2, 2000, 16>}, {pipeline_mode = #tpu.pipeline_mode<synchronous>, transform_indices = @transform_2, window_bounds = array<i64: 1, 128>}, {pipeline_mode = #tpu.pipeline_mode<synchronous>, transform_indices = @transform_3, window_bounds = array<i64: 1, 128>}, {pipeline_mode = #tpu.pipeline_mode<synchronous>, transform_indices = @transform_4, window_bounds = array<i64: 1, 128>}, {pipeline_mode = #tpu.pipeline_mode<synchronous>, transform_indices = @transform_5, window_bounds = array<i64: 128, 128>}, {pipeline_mode = #tpu.pipeline_mode<synchronous>, transform_indices = @transform_6, window_bounds = array<i64: 1, 128>}, {pipeline_mode = #tpu.pipeline_mode<synchronous>, transform_indices = @transform_7, window_bounds = array<i64: 128, 128>}, {pipeline_mode = #tpu.pipeline_mode<synchronous>, transform_indices = @transform_8, window_bounds = array<i64: 1, 128>}, {transform_indices = @transform_9, window_bounds = array<i64: 2000, 128>}, {transform_indices = @transform_10, window_bounds = array<i64: 2000, 128>}]} {
    %get3A = arith.constant 0 : index
    %get3A_0 = arith.constant 0 : index
    %get3A_1 = arith.constant 0 : index
    %get3A_2 = vector.load %arg1[%get3A, %get3A_0, %get3A_1] : memref<2x2000x128xf32, #tpu.memory_space<vmem>>, vector<1x2000x128xf32>
    %get3A_3 = vector.shape_cast %get3A_2 : vector<1x2000x128xf32> to vector<2000x128xf32>
    %get3A_4 = arith.constant 1 : index
    %get3A_5 = arith.constant 0 : index
    %get3A_6 = arith.constant 0 : index
    %get3A_7 = vector.load %arg1[%get3A_4, %get3A_5, %get3A_6] : memref<2x2000x128xf32, #tpu.memory_space<vmem>>, vector<1x2000x128xf32>
    %get3A_8 = vector.shape_cast %get3A_7 : vector<1x2000x128xf32> to vector<2000x128xf32>
    %add3A = arith.addf %get3A_3, %get3A_8 : vector<2000x128xf32>
    %get3A_9 = arith.constant 0 : index
    %get3A_10 = arith.constant 0 : index
    %get3A_11 = arith.constant 0 : index
    %get3A_12 = vector.load %arg2[%get3A_9, %get3A_10, %get3A_11] : memref<2x2000x16xf32, #tpu.memory_space<vmem>>, vector<1x2000x16xf32>
    %get3A_13 = vector.shape_cast %get3A_12 : vector<1x2000x16xf32> to vector<2000x16xf32>
    %get3A_14 = arith.constant 1 : index
    %get3A_15 = arith.constant 0 : index
    %get3A_16 = arith.constant 0 : index
    %get3A_17 = vector.load %arg2[%get3A_14, %get3A_15, %get3A_16] : memref<2x2000x16xf32, #tpu.memory_space<vmem>>, vector<1x2000x16xf32>
    %get3A_18 = vector.shape_cast %get3A_17 : vector<1x2000x16xf32> to vector<2000x16xf32>
    %add3A_19 = arith.addf %get3A_13, %get3A_18 : vector<2000x16xf32>
    %get3A_20 = arith.constant 0 : index
    %get3A_21 = arith.constant 0 : index
    %get3A_22 = vector.load %arg3[%get3A_20, %get3A_21] : memref<1x128xf32, #tpu.memory_space<vmem>>, vector<1x128xf32>
    %get3A_23 = arith.constant 0 : index
    %get3A_24 = arith.constant 0 : index
    %get3A_25 = vector.load %arg4[%get3A_23, %get3A_24] : memref<1x128xf32, #tpu.memory_space<vmem>>, vector<1x128xf32>
    %get3A_26 = arith.constant 0 : index
    %get3A_27 = arith.constant 0 : index
    %get3A_28 = vector.load %arg5[%get3A_26, %get3A_27] : memref<1x128xf32, #tpu.memory_space<vmem>>, vector<1x128xf32>
    %slice3A = vector.extract_strided_slice %add3A_19 {offsets = [0, 0], sizes = [2000, 1], strides = [1, 1]} : vector<2000x16xf32> to vector<2000x1xf32>
    %broadcast_in_dim3A = vector.shape_cast %slice3A : vector<2000x1xf32> to vector<2000x1xf32>
    %broadcast_in_dim3A_29 = vector.broadcast %broadcast_in_dim3A : vector<2000x1xf32> to vector<2000x16xf32>
    %slice3A_30 = vector.extract_strided_slice %add3A_19 {offsets = [0, 1], sizes = [2000, 1], strides = [1, 1]} : vector<2000x16xf32> to vector<2000x1xf32>
    %broadcast_in_dim3A_31 = vector.shape_cast %slice3A_30 : vector<2000x1xf32> to vector<2000x1xf32>
    %broadcast_in_dim3A_32 = vector.broadcast %broadcast_in_dim3A_31 : vector<2000x1xf32> to vector<2000x16xf32>
    %slice3A_33 = vector.extract_strided_slice %add3A_19 {offsets = [0, 2], sizes = [2000, 1], strides = [1, 1]} : vector<2000x16xf32> to vector<2000x1xf32>
    %broadcast_in_dim3A_34 = vector.shape_cast %slice3A_33 : vector<2000x1xf32> to vector<2000x1xf32>
    %broadcast_in_dim3A_35 = vector.broadcast %broadcast_in_dim3A_34 : vector<2000x1xf32> to vector<2000x16xf32>
    %slice3A_36 = vector.extract_strided_slice %add3A_19 {offsets = [0, 3], sizes = [2000, 1], strides = [1, 1]} : vector<2000x16xf32> to vector<2000x1xf32>
    %broadcast_in_dim3A_37 = vector.shape_cast %slice3A_36 : vector<2000x1xf32> to vector<2000x1xf32>
    %broadcast_in_dim3A_38 = vector.broadcast %broadcast_in_dim3A_37 : vector<2000x1xf32> to vector<2000x16xf32>
    %slice3A_39 = vector.extract_strided_slice %add3A_19 {offsets = [0, 4], sizes = [2000, 1], strides = [1, 1]} : vector<2000x16xf32> to vector<2000x1xf32>
    %broadcast_in_dim3A_40 = vector.shape_cast %slice3A_39 : vector<2000x1xf32> to vector<2000x1xf32>
    %broadcast_in_dim3A_41 = vector.broadcast %broadcast_in_dim3A_40 : vector<2000x1xf32> to vector<2000x16xf32>
    %slice3A_42 = vector.extract_strided_slice %add3A_19 {offsets = [0, 5], sizes = [2000, 1], strides = [1, 1]} : vector<2000x16xf32> to vector<2000x1xf32>
    %broadcast_in_dim3A_43 = vector.shape_cast %slice3A_42 : vector<2000x1xf32> to vector<2000x1xf32>
    %broadcast_in_dim3A_44 = vector.broadcast %broadcast_in_dim3A_43 : vector<2000x1xf32> to vector<2000x16xf32>
    %slice3A_45 = vector.extract_strided_slice %add3A_19 {offsets = [0, 6], sizes = [2000, 1], strides = [1, 1]} : vector<2000x16xf32> to vector<2000x1xf32>
    %broadcast_in_dim3A_46 = vector.shape_cast %slice3A_45 : vector<2000x1xf32> to vector<2000x1xf32>
    %broadcast_in_dim3A_47 = vector.broadcast %broadcast_in_dim3A_46 : vector<2000x1xf32> to vector<2000x16xf32>
    %slice3A_48 = vector.extract_strided_slice %add3A_19 {offsets = [0, 7], sizes = [2000, 1], strides = [1, 1]} : vector<2000x16xf32> to vector<2000x1xf32>
    %broadcast_in_dim3A_49 = vector.shape_cast %slice3A_48 : vector<2000x1xf32> to vector<2000x1xf32>
    %broadcast_in_dim3A_50 = vector.broadcast %broadcast_in_dim3A_49 : vector<2000x1xf32> to vector<2000x16xf32>
    %concatenate3A = tpu.concatenate %broadcast_in_dim3A_29, %broadcast_in_dim3A_32, %broadcast_in_dim3A_35, %broadcast_in_dim3A_38, %broadcast_in_dim3A_41, %broadcast_in_dim3A_44, %broadcast_in_dim3A_47, %broadcast_in_dim3A_50 in 1 : vector<2000x16xf32>, vector<2000x16xf32>, vector<2000x16xf32>, vector<2000x16xf32>, vector<2000x16xf32>, vector<2000x16xf32>, vector<2000x16xf32>, vector<2000x16xf32> -> vector<2000x128xf32>
    %add3A_51 = arith.constant 1.000000e-16 : f32
    %add3A_52 = vector.broadcast %add3A_51 : f32 to vector<2000x128xf32>
    %add3A_53 = arith.addf %concatenate3A, %add3A_52 : vector<2000x128xf32>
    %div3A = arith.divf %add3A, %add3A_53 : vector<2000x128xf32>
    %add3A_54 = vector.broadcast %get3A_22 : vector<1x128xf32> to vector<2000x128xf32>
    %add3A_55 = arith.addf %div3A, %add3A_54 : vector<2000x128xf32>
    %reduce_sum3A = arith.constant dense<0.000000e+00> : vector<2000xf32>
    %reduce_sum3A_56 = vector.multi_reduction <add>, %add3A_55, %reduce_sum3A [1] : vector<2000x128xf32> to vector<2000xf32>
    %broadcast_in_dim3A_57 = vector.shape_cast %reduce_sum3A_56 : vector<2000xf32> to vector<2000x1xf32>
    %div3A_58 = arith.constant 1.280000e+02 : f32
    %div3A_59 = vector.broadcast %div3A_58 : f32 to vector<2000x1xf32>
    %div3A_60 = arith.divf %broadcast_in_dim3A_57, %div3A_59 : vector<2000x1xf32>
    %sub3A = vector.broadcast %div3A_60 : vector<2000x1xf32> to vector<2000x128xf32>
    %sub3A_61 = arith.subf %add3A_55, %sub3A : vector<2000x128xf32>
    %integer_pow3A = arith.mulf %sub3A_61, %sub3A_61 : vector<2000x128xf32>
    %reduce_sum3A_62 = arith.constant dense<0.000000e+00> : vector<2000xf32>
    %reduce_sum3A_63 = vector.multi_reduction <add>, %integer_pow3A, %reduce_sum3A_62 [1] : vector<2000x128xf32> to vector<2000xf32>
    %broadcast_in_dim3A_64 = vector.shape_cast %reduce_sum3A_63 : vector<2000xf32> to vector<2000x1xf32>
    %div3A_65 = arith.constant 1.280000e+02 : f32
    %div3A_66 = vector.broadcast %div3A_65 : f32 to vector<2000x1xf32>
    %div3A_67 = arith.divf %broadcast_in_dim3A_64, %div3A_66 : vector<2000x1xf32>
    %sub3A_68 = vector.broadcast %div3A_60 : vector<2000x1xf32> to vector<2000x128xf32>
    %sub3A_69 = arith.subf %add3A_55, %sub3A_68 : vector<2000x128xf32>
    %add3A_70 = arith.constant 9.99999974E-6 : f32
    %add3A_71 = vector.broadcast %add3A_70 : f32 to vector<2000x1xf32>
    %add3A_72 = arith.addf %div3A_67, %add3A_71 : vector<2000x1xf32>
    %rsqrt3A = math.rsqrt %add3A_72 : vector<2000x1xf32>
    %mul3A = vector.broadcast %rsqrt3A : vector<2000x1xf32> to vector<2000x128xf32>
    %mul3A_73 = arith.mulf %sub3A_69, %mul3A : vector<2000x128xf32>
    %mul3A_74 = vector.broadcast %get3A_25 : vector<1x128xf32> to vector<2000x128xf32>
    %mul3A_75 = arith.mulf %mul3A_73, %mul3A_74 : vector<2000x128xf32>
    %add3A_76 = vector.broadcast %get3A_28 : vector<1x128xf32> to vector<2000x128xf32>
    %add3A_77 = arith.addf %mul3A_75, %add3A_76 : vector<2000x128xf32>
    %max3A = arith.constant 0.000000e+00 : f32
    %max3A_78 = vector.broadcast %max3A : f32 to vector<2000x128xf32>
    %max3A_79 = arith.maximumf %add3A_77, %max3A_78 : vector<2000x128xf32>
    %get3A_80 = arith.constant 0 : index
    %get3A_81 = arith.constant 0 : index
    %get3A_82 = vector.load %arg6[%get3A_80, %get3A_81] : memref<128x128xf32, #tpu.memory_space<vmem>>, vector<128x128xf32>
    %dot_general3A = arith.constant dense<0.000000e+00> : vector<2000x128xf32>
    %dot_general3A_83 = tpu.matmul %max3A_79, %get3A_82, %dot_general3A {dimension_numbers = #tpu.dot_dimension_numbers<[1], [0], [0], [1], [0, 0, 1, 1], [], []>, transpose_lhs_hint = false} : vector<2000x128xf32>, vector<128x128xf32>, vector<2000x128xf32> -> vector<2000x128xf32>
    %get3A_84 = arith.constant 0 : index
    %get3A_85 = arith.constant 0 : index
    %get3A_86 = vector.load %arg7[%get3A_84, %get3A_85] : memref<1x128xf32, #tpu.memory_space<vmem>>, vector<1x128xf32>
    %add3A_87 = vector.broadcast %get3A_86 : vector<1x128xf32> to vector<2000x128xf32>
    %add3A_88 = arith.addf %dot_general3A_83, %add3A_87 : vector<2000x128xf32>
    %swap3A = arith.constant 0 : index
    %swap3A_89 = arith.constant 0 : index
    %swap3A_90 = vector.load %arg10[%swap3A, %swap3A_89] : memref<2000x128xf32, #tpu.memory_space<vmem>>, vector<2000x128xf32>
    tpu.vector_store %arg10[%swap3A, %swap3A_89], %add3A_88 {strides = array<i32>} : memref<2000x128xf32, #tpu.memory_space<vmem>>, vector<2000x128xf32>,
    %get3A_91 = arith.constant 0 : index
    %get3A_92 = arith.constant 0 : index
    %get3A_93 = vector.load %arg8[%get3A_91, %get3A_92] : memref<128x128xf32, #tpu.memory_space<vmem>>, vector<128x128xf32>
    %dot_general3A_94 = arith.constant dense<0.000000e+00> : vector<2000x128xf32>
    %dot_general3A_95 = tpu.matmul %max3A_79, %get3A_93, %dot_general3A_94 {dimension_numbers = #tpu.dot_dimension_numbers<[1], [0], [0], [1], [0, 0, 1, 1], [], []>, transpose_lhs_hint = false} : vector<2000x128xf32>, vector<128x128xf32>, vector<2000x128xf32> -> vector<2000x128xf32>
    %get3A_96 = arith.constant 0 : index
    %get3A_97 = arith.constant 0 : index
    %get3A_98 = vector.load %arg9[%get3A_96, %get3A_97] : memref<1x128xf32, #tpu.memory_space<vmem>>, vector<1x128xf32>
    %add3A_99 = vector.broadcast %get3A_98 : vector<1x128xf32> to vector<2000x128xf32>
    %add3A_100 = arith.addf %dot_general3A_95, %add3A_99 : vector<2000x128xf32>
    %swap3A_101 = arith.constant 0 : index
    %swap3A_102 = arith.constant 0 : index
    %swap3A_103 = vector.load %arg11[%swap3A_101, %swap3A_102] : memref<2000x128xf32, #tpu.memory_space<vmem>>, vector<2000x128xf32>
    tpu.vector_store %arg11[%swap3A_101, %swap3A_102], %add3A_100 {strides = array<i32>} : memref<2000x128xf32, #tpu.memory_space<vmem>>, vector<2000x128xf32>,
    return
  }
  func.func @transform_0(%arg0: i32) -> (i32, i32, i32) {
    %c0_i32 = arith.constant 0 : i32
    %c0_i32_0 = arith.constant 0 : i32
    %c0_i32_1 = arith.constant 0 : i32
    return %c0_i32, %arg0, %c0_i32_0 : i32, i32, i32
  }
  func.func @transform_1(%arg0: i32) -> (i32, i32, i32) {
    %c0_i32 = arith.constant 0 : i32
    %c0_i32_0 = arith.constant 0 : i32
    %c0_i32_1 = arith.constant 0 : i32
    return %c0_i32, %arg0, %c0_i32_0 : i32, i32, i32
  }
  func.func @transform_2(%arg0: i32) -> (i32, i32) {
    %c0_i32 = arith.constant 0 : i32
    %c0_i32_0 = arith.constant 0 : i32
    %c0_i32_1 = arith.constant 0 : i32
    return %c0_i32, %c0_i32_0 : i32, i32
  }
  func.func @transform_3(%arg0: i32) -> (i32, i32) {
    %c0_i32 = arith.constant 0 : i32
    %c0_i32_0 = arith.constant 0 : i32
    %c0_i32_1 = arith.constant 0 : i32
    return %c0_i32, %c0_i32_0 : i32, i32
  }
  func.func @transform_4(%arg0: i32) -> (i32, i32) {
    %c0_i32 = arith.constant 0 : i32
    %c0_i32_0 = arith.constant 0 : i32
    %c0_i32_1 = arith.constant 0 : i32
    return %c0_i32, %c0_i32_0 : i32, i32
  }
  func.func @transform_5(%arg0: i32) -> (i32, i32) {
    %c0_i32 = arith.constant 0 : i32
    %c0_i32_0 = arith.constant 0 : i32
    %c0_i32_1 = arith.constant 0 : i32
    return %c0_i32, %c0_i32_0 : i32, i32
  }
  func.func @transform_6(%arg0: i32) -> (i32, i32) {
    %c0_i32 = arith.constant 0 : i32
    %c0_i32_0 = arith.constant 0 : i32
    %c0_i32_1 = arith.constant 0 : i32
    return %c0_i32, %c0_i32_0 : i32, i32
  }
  func.func @transform_7(%arg0: i32) -> (i32, i32) {
    %c0_i32 = arith.constant 0 : i32
    %c0_i32_0 = arith.constant 0 : i32
    %c0_i32_1 = arith.constant 0 : i32
    return %c0_i32, %c0_i32_0 : i32, i32
  }
  func.func @transform_8(%arg0: i32) -> (i32, i32) {
    %c0_i32 = arith.constant 0 : i32
    %c0_i32_0 = arith.constant 0 : i32
    %c0_i32_1 = arith.constant 0 : i32
    return %c0_i32, %c0_i32_0 : i32, i32
  }
  func.func @transform_9(%arg0: i32) -> (i32, i32) {
    %c0_i32 = arith.constant 0 : i32
    %c0_i32_0 = arith.constant 0 : i32
    return %arg0, %c0_i32 : i32, i32
  }
  func.func @transform_10(%arg0: i32) -> (i32, i32) {
    %c0_i32 = arith.constant 0 : i32
    %c0_i32_0 = arith.constant 0 : i32
    return %arg0, %c0_i32 : i32, i32
  }
}

module attributes {stable_mosaic.version = 14 : i64} {
  func.func @_post_kernel(%arg0: i32, %arg1: memref<2x2000x128xf32, #tpu.memory_space<vmem>>, %arg2: memref<2x2000x16xf32, #tpu.memory_space<vmem>>, %arg3: memref<1x128xf32, #tpu.memory_space<vmem>>, %arg4: memref<1x128xf32, #tpu.memory_space<vmem>>, %arg5: memref<1x128xf32, #tpu.memory_space<vmem>>, %arg6: memref<128x8xf32, #tpu.memory_space<vmem>>, %arg7: memref<1x8xf32, #tpu.memory_space<vmem>>, %arg8: memref<2000x8xf32, #tpu.memory_space<vmem>>, %arg9: memref<2000x128xf32, #tpu.memory_space<vmem>>) attributes {dimension_semantics = [#tpu.dimension_semantics<arbitrary>], iteration_bounds = array<i64: 5>, scalar_prefetch = 0 : i64, scratch_operands = 0 : i64, tpu.core_type = #tpu.core_type<tc>, window_params = [{transform_indices = @transform_0, window_bounds = array<i64: 2, 2000, 128>}, {transform_indices = @transform_1, window_bounds = array<i64: 2, 2000, 16>}, {pipeline_mode = #tpu.pipeline_mode<synchronous>, transform_indices = @transform_2, window_bounds = array<i64: 1, 128>}, {pipeline_mode = #tpu.pipeline_mode<synchronous>, transform_indices = @transform_3, window_bounds = array<i64: 1, 128>}, {pipeline_mode = #tpu.pipeline_mode<synchronous>, transform_indices = @transform_4, window_bounds = array<i64: 1, 128>}, {pipeline_mode = #tpu.pipeline_mode<synchronous>, transform_indices = @transform_5, window_bounds = array<i64: 128, 8>}, {pipeline_mode = #tpu.pipeline_mode<synchronous>, transform_indices = @transform_6, window_bounds = array<i64: 1, 8>}, {transform_indices = @transform_7, window_bounds = array<i64: 2000, 8>}, {transform_indices = @transform_8, window_bounds = array<i64: 2000, 128>}]} {
    %get3A = arith.constant 0 : index
    %get3A_0 = arith.constant 0 : index
    %get3A_1 = arith.constant 0 : index
    %get3A_2 = vector.load %arg1[%get3A, %get3A_0, %get3A_1] : memref<2x2000x128xf32, #tpu.memory_space<vmem>>, vector<1x2000x128xf32>
    %get3A_3 = vector.shape_cast %get3A_2 : vector<1x2000x128xf32> to vector<2000x128xf32>
    %get3A_4 = arith.constant 1 : index
    %get3A_5 = arith.constant 0 : index
    %get3A_6 = arith.constant 0 : index
    %get3A_7 = vector.load %arg1[%get3A_4, %get3A_5, %get3A_6] : memref<2x2000x128xf32, #tpu.memory_space<vmem>>, vector<1x2000x128xf32>
    %get3A_8 = vector.shape_cast %get3A_7 : vector<1x2000x128xf32> to vector<2000x128xf32>
    %add3A = arith.addf %get3A_3, %get3A_8 : vector<2000x128xf32>
    %get3A_9 = arith.constant 0 : index
    %get3A_10 = arith.constant 0 : index
    %get3A_11 = arith.constant 0 : index
    %get3A_12 = vector.load %arg2[%get3A_9, %get3A_10, %get3A_11] : memref<2x2000x16xf32, #tpu.memory_space<vmem>>, vector<1x2000x16xf32>
    %get3A_13 = vector.shape_cast %get3A_12 : vector<1x2000x16xf32> to vector<2000x16xf32>
    %get3A_14 = arith.constant 1 : index
    %get3A_15 = arith.constant 0 : index
    %get3A_16 = arith.constant 0 : index
    %get3A_17 = vector.load %arg2[%get3A_14, %get3A_15, %get3A_16] : memref<2x2000x16xf32, #tpu.memory_space<vmem>>, vector<1x2000x16xf32>
    %get3A_18 = vector.shape_cast %get3A_17 : vector<1x2000x16xf32> to vector<2000x16xf32>
    %add3A_19 = arith.addf %get3A_13, %get3A_18 : vector<2000x16xf32>
    %get3A_20 = arith.constant 0 : index
    %get3A_21 = arith.constant 0 : index
    %get3A_22 = vector.load %arg3[%get3A_20, %get3A_21] : memref<1x128xf32, #tpu.memory_space<vmem>>, vector<1x128xf32>
    %get3A_23 = arith.constant 0 : index
    %get3A_24 = arith.constant 0 : index
    %get3A_25 = vector.load %arg4[%get3A_23, %get3A_24] : memref<1x128xf32, #tpu.memory_space<vmem>>, vector<1x128xf32>
    %get3A_26 = arith.constant 0 : index
    %get3A_27 = arith.constant 0 : index
    %get3A_28 = vector.load %arg5[%get3A_26, %get3A_27] : memref<1x128xf32, #tpu.memory_space<vmem>>, vector<1x128xf32>
    %slice3A = vector.extract_strided_slice %add3A_19 {offsets = [0, 0], sizes = [2000, 1], strides = [1, 1]} : vector<2000x16xf32> to vector<2000x1xf32>
    %broadcast_in_dim3A = vector.shape_cast %slice3A : vector<2000x1xf32> to vector<2000x1xf32>
    %broadcast_in_dim3A_29 = vector.broadcast %broadcast_in_dim3A : vector<2000x1xf32> to vector<2000x16xf32>
    %slice3A_30 = vector.extract_strided_slice %add3A_19 {offsets = [0, 1], sizes = [2000, 1], strides = [1, 1]} : vector<2000x16xf32> to vector<2000x1xf32>
    %broadcast_in_dim3A_31 = vector.shape_cast %slice3A_30 : vector<2000x1xf32> to vector<2000x1xf32>
    %broadcast_in_dim3A_32 = vector.broadcast %broadcast_in_dim3A_31 : vector<2000x1xf32> to vector<2000x16xf32>
    %slice3A_33 = vector.extract_strided_slice %add3A_19 {offsets = [0, 2], sizes = [2000, 1], strides = [1, 1]} : vector<2000x16xf32> to vector<2000x1xf32>
    %broadcast_in_dim3A_34 = vector.shape_cast %slice3A_33 : vector<2000x1xf32> to vector<2000x1xf32>
    %broadcast_in_dim3A_35 = vector.broadcast %broadcast_in_dim3A_34 : vector<2000x1xf32> to vector<2000x16xf32>
    %slice3A_36 = vector.extract_strided_slice %add3A_19 {offsets = [0, 3], sizes = [2000, 1], strides = [1, 1]} : vector<2000x16xf32> to vector<2000x1xf32>
    %broadcast_in_dim3A_37 = vector.shape_cast %slice3A_36 : vector<2000x1xf32> to vector<2000x1xf32>
    %broadcast_in_dim3A_38 = vector.broadcast %broadcast_in_dim3A_37 : vector<2000x1xf32> to vector<2000x16xf32>
    %slice3A_39 = vector.extract_strided_slice %add3A_19 {offsets = [0, 4], sizes = [2000, 1], strides = [1, 1]} : vector<2000x16xf32> to vector<2000x1xf32>
    %broadcast_in_dim3A_40 = vector.shape_cast %slice3A_39 : vector<2000x1xf32> to vector<2000x1xf32>
    %broadcast_in_dim3A_41 = vector.broadcast %broadcast_in_dim3A_40 : vector<2000x1xf32> to vector<2000x16xf32>
    %slice3A_42 = vector.extract_strided_slice %add3A_19 {offsets = [0, 5], sizes = [2000, 1], strides = [1, 1]} : vector<2000x16xf32> to vector<2000x1xf32>
    %broadcast_in_dim3A_43 = vector.shape_cast %slice3A_42 : vector<2000x1xf32> to vector<2000x1xf32>
    %broadcast_in_dim3A_44 = vector.broadcast %broadcast_in_dim3A_43 : vector<2000x1xf32> to vector<2000x16xf32>
    %slice3A_45 = vector.extract_strided_slice %add3A_19 {offsets = [0, 6], sizes = [2000, 1], strides = [1, 1]} : vector<2000x16xf32> to vector<2000x1xf32>
    %broadcast_in_dim3A_46 = vector.shape_cast %slice3A_45 : vector<2000x1xf32> to vector<2000x1xf32>
    %broadcast_in_dim3A_47 = vector.broadcast %broadcast_in_dim3A_46 : vector<2000x1xf32> to vector<2000x16xf32>
    %slice3A_48 = vector.extract_strided_slice %add3A_19 {offsets = [0, 7], sizes = [2000, 1], strides = [1, 1]} : vector<2000x16xf32> to vector<2000x1xf32>
    %broadcast_in_dim3A_49 = vector.shape_cast %slice3A_48 : vector<2000x1xf32> to vector<2000x1xf32>
    %broadcast_in_dim3A_50 = vector.broadcast %broadcast_in_dim3A_49 : vector<2000x1xf32> to vector<2000x16xf32>
    %concatenate3A = tpu.concatenate %broadcast_in_dim3A_29, %broadcast_in_dim3A_32, %broadcast_in_dim3A_35, %broadcast_in_dim3A_38, %broadcast_in_dim3A_41, %broadcast_in_dim3A_44, %broadcast_in_dim3A_47, %broadcast_in_dim3A_50 in 1 : vector<2000x16xf32>, vector<2000x16xf32>, vector<2000x16xf32>, vector<2000x16xf32>, vector<2000x16xf32>, vector<2000x16xf32>, vector<2000x16xf32>, vector<2000x16xf32> -> vector<2000x128xf32>
    %add3A_51 = arith.constant 1.000000e-16 : f32
    %add3A_52 = vector.broadcast %add3A_51 : f32 to vector<2000x128xf32>
    %add3A_53 = arith.addf %concatenate3A, %add3A_52 : vector<2000x128xf32>
    %div3A = arith.divf %add3A, %add3A_53 : vector<2000x128xf32>
    %add3A_54 = vector.broadcast %get3A_22 : vector<1x128xf32> to vector<2000x128xf32>
    %add3A_55 = arith.addf %div3A, %add3A_54 : vector<2000x128xf32>
    %reduce_sum3A = arith.constant dense<0.000000e+00> : vector<2000xf32>
    %reduce_sum3A_56 = vector.multi_reduction <add>, %add3A_55, %reduce_sum3A [1] : vector<2000x128xf32> to vector<2000xf32>
    %broadcast_in_dim3A_57 = vector.shape_cast %reduce_sum3A_56 : vector<2000xf32> to vector<2000x1xf32>
    %div3A_58 = arith.constant 1.280000e+02 : f32
    %div3A_59 = vector.broadcast %div3A_58 : f32 to vector<2000x1xf32>
    %div3A_60 = arith.divf %broadcast_in_dim3A_57, %div3A_59 : vector<2000x1xf32>
    %sub3A = vector.broadcast %div3A_60 : vector<2000x1xf32> to vector<2000x128xf32>
    %sub3A_61 = arith.subf %add3A_55, %sub3A : vector<2000x128xf32>
    %integer_pow3A = arith.mulf %sub3A_61, %sub3A_61 : vector<2000x128xf32>
    %reduce_sum3A_62 = arith.constant dense<0.000000e+00> : vector<2000xf32>
    %reduce_sum3A_63 = vector.multi_reduction <add>, %integer_pow3A, %reduce_sum3A_62 [1] : vector<2000x128xf32> to vector<2000xf32>
    %broadcast_in_dim3A_64 = vector.shape_cast %reduce_sum3A_63 : vector<2000xf32> to vector<2000x1xf32>
    %div3A_65 = arith.constant 1.280000e+02 : f32
    %div3A_66 = vector.broadcast %div3A_65 : f32 to vector<2000x1xf32>
    %div3A_67 = arith.divf %broadcast_in_dim3A_64, %div3A_66 : vector<2000x1xf32>
    %sub3A_68 = vector.broadcast %div3A_60 : vector<2000x1xf32> to vector<2000x128xf32>
    %sub3A_69 = arith.subf %add3A_55, %sub3A_68 : vector<2000x128xf32>
    %add3A_70 = arith.constant 9.99999974E-6 : f32
    %add3A_71 = vector.broadcast %add3A_70 : f32 to vector<2000x1xf32>
    %add3A_72 = arith.addf %div3A_67, %add3A_71 : vector<2000x1xf32>
    %rsqrt3A = math.rsqrt %add3A_72 : vector<2000x1xf32>
    %mul3A = vector.broadcast %rsqrt3A : vector<2000x1xf32> to vector<2000x128xf32>
    %mul3A_73 = arith.mulf %sub3A_69, %mul3A : vector<2000x128xf32>
    %mul3A_74 = vector.broadcast %get3A_25 : vector<1x128xf32> to vector<2000x128xf32>
    %mul3A_75 = arith.mulf %mul3A_73, %mul3A_74 : vector<2000x128xf32>
    %add3A_76 = vector.broadcast %get3A_28 : vector<1x128xf32> to vector<2000x128xf32>
    %add3A_77 = arith.addf %mul3A_75, %add3A_76 : vector<2000x128xf32>
    %max3A = arith.constant 0.000000e+00 : f32
    %max3A_78 = vector.broadcast %max3A : f32 to vector<2000x128xf32>
    %max3A_79 = arith.maximumf %add3A_77, %max3A_78 : vector<2000x128xf32>
    %swap3A = arith.constant 0 : index
    %swap3A_80 = arith.constant 0 : index
    %swap3A_81 = vector.load %arg9[%swap3A, %swap3A_80] : memref<2000x128xf32, #tpu.memory_space<vmem>>, vector<2000x128xf32>
    tpu.vector_store %arg9[%swap3A, %swap3A_80], %max3A_79 {strides = array<i32>} : memref<2000x128xf32, #tpu.memory_space<vmem>>, vector<2000x128xf32>,
    %get3A_82 = arith.constant 0 : index
    %get3A_83 = arith.constant 0 : index
    %get3A_84 = vector.load %arg6[%get3A_82, %get3A_83] : memref<128x8xf32, #tpu.memory_space<vmem>>, vector<128x8xf32>
    %dot_general3A = arith.constant dense<0.000000e+00> : vector<2000x8xf32>
    %dot_general3A_85 = tpu.matmul %max3A_79, %get3A_84, %dot_general3A {dimension_numbers = #tpu.dot_dimension_numbers<[1], [0], [0], [1], [0, 0, 1, 1], [], []>, transpose_lhs_hint = false} : vector<2000x128xf32>, vector<128x8xf32>, vector<2000x8xf32> -> vector<2000x8xf32>
    %get3A_86 = arith.constant 0 : index
    %get3A_87 = arith.constant 0 : index
    %get3A_88 = vector.load %arg7[%get3A_86, %get3A_87] : memref<1x8xf32, #tpu.memory_space<vmem>>, vector<1x8xf32>
    %add3A_89 = vector.broadcast %get3A_88 : vector<1x8xf32> to vector<2000x8xf32>
    %add3A_90 = arith.addf %dot_general3A_85, %add3A_89 : vector<2000x8xf32>
    %reduce_max3A = arith.constant dense<0xFF800000> : vector<2000xf32>
    %reduce_max3A_91 = vector.multi_reduction <maximumf>, %add3A_90, %reduce_max3A [1] : vector<2000x8xf32> to vector<2000xf32>
    %broadcast_in_dim3A_92 = vector.shape_cast %reduce_max3A_91 : vector<2000xf32> to vector<2000x1xf32>
    %sub3A_93 = vector.broadcast %broadcast_in_dim3A_92 : vector<2000x1xf32> to vector<2000x8xf32>
    %sub3A_94 = arith.subf %add3A_90, %sub3A_93 : vector<2000x8xf32>
    %exp3A = math.exp %sub3A_94 : vector<2000x8xf32>
    %reduce_sum3A_95 = arith.constant dense<0.000000e+00> : vector<2000xf32>
    %reduce_sum3A_96 = vector.multi_reduction <add>, %exp3A, %reduce_sum3A_95 [1] : vector<2000x8xf32> to vector<2000xf32>
    %broadcast_in_dim3A_97 = vector.shape_cast %reduce_sum3A_96 : vector<2000xf32> to vector<2000x1xf32>
    %div3A_98 = vector.broadcast %broadcast_in_dim3A_97 : vector<2000x1xf32> to vector<2000x8xf32>
    %div3A_99 = arith.divf %exp3A, %div3A_98 : vector<2000x8xf32>
    %swap3A_100 = arith.constant 0 : index
    %swap3A_101 = arith.constant 0 : index
    %swap3A_102 = vector.load %arg8[%swap3A_100, %swap3A_101] : memref<2000x8xf32, #tpu.memory_space<vmem>>, vector<2000x8xf32>
    tpu.vector_store %arg8[%swap3A_100, %swap3A_101], %div3A_99 {strides = array<i32>} : memref<2000x8xf32, #tpu.memory_space<vmem>>, vector<2000x8xf32>,
    return
  }
  func.func @transform_0(%arg0: i32) -> (i32, i32, i32) {
    %c0_i32 = arith.constant 0 : i32
    %c0_i32_0 = arith.constant 0 : i32
    %c0_i32_1 = arith.constant 0 : i32
    return %c0_i32, %arg0, %c0_i32_0 : i32, i32, i32
  }
  func.func @transform_1(%arg0: i32) -> (i32, i32, i32) {
    %c0_i32 = arith.constant 0 : i32
    %c0_i32_0 = arith.constant 0 : i32
    %c0_i32_1 = arith.constant 0 : i32
    return %c0_i32, %arg0, %c0_i32_0 : i32, i32, i32
  }
  func.func @transform_2(%arg0: i32) -> (i32, i32) {
    %c0_i32 = arith.constant 0 : i32
    %c0_i32_0 = arith.constant 0 : i32
    %c0_i32_1 = arith.constant 0 : i32
    return %c0_i32, %c0_i32_0 : i32, i32
  }
  func.func @transform_3(%arg0: i32) -> (i32, i32) {
    %c0_i32 = arith.constant 0 : i32
    %c0_i32_0 = arith.constant 0 : i32
    %c0_i32_1 = arith.constant 0 : i32
    return %c0_i32, %c0_i32_0 : i32, i32
  }
  func.func @transform_4(%arg0: i32) -> (i32, i32) {
    %c0_i32 = arith.constant 0 : i32
    %c0_i32_0 = arith.constant 0 : i32
    %c0_i32_1 = arith.constant 0 : i32
    return %c0_i32, %c0_i32_0 : i32, i32
  }
  func.func @transform_5(%arg0: i32) -> (i32, i32) {
    %c0_i32 = arith.constant 0 : i32
    %c0_i32_0 = arith.constant 0 : i32
    %c0_i32_1 = arith.constant 0 : i32
    return %c0_i32, %c0_i32_0 : i32, i32
  }
  func.func @transform_6(%arg0: i32) -> (i32, i32) {
    %c0_i32 = arith.constant 0 : i32
    %c0_i32_0 = arith.constant 0 : i32
    %c0_i32_1 = arith.constant 0 : i32
    return %c0_i32, %c0_i32_0 : i32, i32
  }
  func.func @transform_7(%arg0: i32) -> (i32, i32) {
    %c0_i32 = arith.constant 0 : i32
    %c0_i32_0 = arith.constant 0 : i32
    return %arg0, %c0_i32 : i32, i32
  }
  func.func @transform_8(%arg0: i32) -> (i32, i32) {
    %c0_i32 = arith.constant 0 : i32
    %c0_i32_0 = arith.constant 0 : i32
    return %arg0, %c0_i32 : i32, i32
  }
}

module attributes {stable_mosaic.version = 14 : i64} {
  func.func @_final_edge_kernel(%arg0: i32, %arg1: memref<2560x128xf32, #tpu.memory_space<vmem>>, %arg2: memref<128x8xf32, #tpu.memory_space<vmem>>, %arg3: memref<1x8xf32, #tpu.memory_space<vmem>>, %arg4: memref<128x128xf32, #tpu.memory_space<vmem>>, %arg5: memref<1x128xf32, #tpu.memory_space<vmem>>, %arg6: memref<2560x6xf32, #tpu.memory_space<vmem>>, %arg7: memref<2560x128xf32, #tpu.memory_space<vmem>>) attributes {dimension_semantics = [#tpu.dimension_semantics<arbitrary>], iteration_bounds = array<i64: 125>, scalar_prefetch = 0 : i64, scratch_operands = 0 : i64, tpu.core_type = #tpu.core_type<tc>, window_params = [{transform_indices = @transform_0, window_bounds = array<i64: 2560, 128>}, {pipeline_mode = #tpu.pipeline_mode<synchronous>, transform_indices = @transform_1, window_bounds = array<i64: 128, 8>}, {pipeline_mode = #tpu.pipeline_mode<synchronous>, transform_indices = @transform_2, window_bounds = array<i64: 1, 8>}, {pipeline_mode = #tpu.pipeline_mode<synchronous>, transform_indices = @transform_3, window_bounds = array<i64: 128, 128>}, {pipeline_mode = #tpu.pipeline_mode<synchronous>, transform_indices = @transform_4, window_bounds = array<i64: 1, 128>}, {transform_indices = @transform_5, window_bounds = array<i64: 2560, 6>}, {transform_indices = @transform_6, window_bounds = array<i64: 2560, 128>}]} {
    %get3A = arith.constant 0 : index
    %get3A_0 = arith.constant 0 : index
    %get3A_1 = vector.load %arg1[%get3A, %get3A_0] : memref<2560x128xf32, #tpu.memory_space<vmem>>, vector<2560x128xf32>
    %get3A_2 = arith.constant 0 : index
    %get3A_3 = arith.constant 0 : index
    %get3A_4 = vector.load %arg2[%get3A_2, %get3A_3] : memref<128x8xf32, #tpu.memory_space<vmem>>, vector<128x8xf32>
    %dot_general3A = arith.constant dense<0.000000e+00> : vector<2560x8xf32>
    %dot_general3A_5 = tpu.matmul %get3A_1, %get3A_4, %dot_general3A {dimension_numbers = #tpu.dot_dimension_numbers<[1], [0], [0], [1], [0, 0, 1, 1], [], []>, transpose_lhs_hint = false} : vector<2560x128xf32>, vector<128x8xf32>, vector<2560x8xf32> -> vector<2560x8xf32>
    %get3A_6 = arith.constant 0 : index
    %get3A_7 = arith.constant 0 : index
    %get3A_8 = vector.load %arg3[%get3A_6, %get3A_7] : memref<1x8xf32, #tpu.memory_space<vmem>>, vector<1x8xf32>
    %add3A = vector.broadcast %get3A_8 : vector<1x8xf32> to vector<2560x8xf32>
    %add3A_9 = arith.addf %dot_general3A_5, %add3A : vector<2560x8xf32>
    %slice3A = vector.extract_strided_slice %add3A_9 {offsets = [0, 0], sizes = [2560, 6], strides = [1, 1]} : vector<2560x8xf32> to vector<2560x6xf32>
    %reduce_max3A = arith.constant dense<0xFF800000> : vector<2560xf32>
    %reduce_max3A_10 = vector.multi_reduction <maximumf>, %slice3A, %reduce_max3A [1] : vector<2560x6xf32> to vector<2560xf32>
    %broadcast_in_dim3A = vector.shape_cast %reduce_max3A_10 : vector<2560xf32> to vector<2560x1xf32>
    %sub3A = vector.broadcast %broadcast_in_dim3A : vector<2560x1xf32> to vector<2560x6xf32>
    %sub3A_11 = arith.subf %slice3A, %sub3A : vector<2560x6xf32>
    %exp3A = math.exp %sub3A_11 : vector<2560x6xf32>
    %reduce_sum3A = arith.constant dense<0.000000e+00> : vector<2560xf32>
    %reduce_sum3A_12 = vector.multi_reduction <add>, %exp3A, %reduce_sum3A [1] : vector<2560x6xf32> to vector<2560xf32>
    %broadcast_in_dim3A_13 = vector.shape_cast %reduce_sum3A_12 : vector<2560xf32> to vector<2560x1xf32>
    %div3A = vector.broadcast %broadcast_in_dim3A_13 : vector<2560x1xf32> to vector<2560x6xf32>
    %div3A_14 = arith.divf %exp3A, %div3A : vector<2560x6xf32>
    %swap3A = arith.constant 0 : index
    %swap3A_15 = arith.constant 0 : index
    %swap3A_16 = vector.load %arg6[%swap3A, %swap3A_15] : memref<2560x6xf32, #tpu.memory_space<vmem>>, vector<2560x6xf32>
    tpu.vector_store %arg6[%swap3A, %swap3A_15], %div3A_14 {strides = array<i32>} : memref<2560x6xf32, #tpu.memory_space<vmem>>, vector<2560x6xf32>,
    %get3A_17 = arith.constant 0 : index
    %get3A_18 = arith.constant 0 : index
    %get3A_19 = vector.load %arg4[%get3A_17, %get3A_18] : memref<128x128xf32, #tpu.memory_space<vmem>>, vector<128x128xf32>
    %dot_general3A_20 = arith.constant dense<0.000000e+00> : vector<2560x128xf32>
    %dot_general3A_21 = tpu.matmul %get3A_1, %get3A_19, %dot_general3A_20 {dimension_numbers = #tpu.dot_dimension_numbers<[1], [0], [0], [1], [0, 0, 1, 1], [], []>, transpose_lhs_hint = false} : vector<2560x128xf32>, vector<128x128xf32>, vector<2560x128xf32> -> vector<2560x128xf32>
    %get3A_22 = arith.constant 0 : index
    %get3A_23 = arith.constant 0 : index
    %get3A_24 = vector.load %arg5[%get3A_22, %get3A_23] : memref<1x128xf32, #tpu.memory_space<vmem>>, vector<1x128xf32>
    %add3A_25 = vector.broadcast %get3A_24 : vector<1x128xf32> to vector<2560x128xf32>
    %add3A_26 = arith.addf %dot_general3A_21, %add3A_25 : vector<2560x128xf32>
    %swap3A_27 = arith.constant 0 : index
    %swap3A_28 = arith.constant 0 : index
    %swap3A_29 = vector.load %arg7[%swap3A_27, %swap3A_28] : memref<2560x128xf32, #tpu.memory_space<vmem>>, vector<2560x128xf32>
    tpu.vector_store %arg7[%swap3A_27, %swap3A_28], %add3A_26 {strides = array<i32>} : memref<2560x128xf32, #tpu.memory_space<vmem>>, vector<2560x128xf32>,
    return
  }
  func.func @transform_0(%arg0: i32) -> (i32, i32) {
    %c0_i32 = arith.constant 0 : i32
    %c0_i32_0 = arith.constant 0 : i32
    return %arg0, %c0_i32 : i32, i32
  }
  func.func @transform_1(%arg0: i32) -> (i32, i32) {
    %c0_i32 = arith.constant 0 : i32
    %c0_i32_0 = arith.constant 0 : i32
    %c0_i32_1 = arith.constant 0 : i32
    return %c0_i32, %c0_i32_0 : i32, i32
  }
  func.func @transform_2(%arg0: i32) -> (i32, i32) {
    %c0_i32 = arith.constant 0 : i32
    %c0_i32_0 = arith.constant 0 : i32
    %c0_i32_1 = arith.constant 0 : i32
    return %c0_i32, %c0_i32_0 : i32, i32
  }
  func.func @transform_3(%arg0: i32) -> (i32, i32) {
    %c0_i32 = arith.constant 0 : i32
    %c0_i32_0 = arith.constant 0 : i32
    %c0_i32_1 = arith.constant 0 : i32
    return %c0_i32, %c0_i32_0 : i32, i32
  }
  func.func @transform_4(%arg0: i32) -> (i32, i32) {
    %c0_i32 = arith.constant 0 : i32
    %c0_i32_0 = arith.constant 0 : i32
    %c0_i32_1 = arith.constant 0 : i32
    return %c0_i32, %c0_i32_0 : i32, i32
  }
  func.func @transform_5(%arg0: i32) -> (i32, i32) {
    %c0_i32 = arith.constant 0 : i32
    %c0_i32_0 = arith.constant 0 : i32
    return %arg0, %c0_i32 : i32, i32
  }
  func.func @transform_6(%arg0: i32) -> (i32, i32) {
    %c0_i32 = arith.constant 0 : i32
    %c0_i32_0 = arith.constant 0 : i32
    return %arg0, %c0_i32 : i32, i32
  }
}

</mosaic_0001>

<sc_bundles>
// kernel: kernel.13.cloned.1.call-start
scs
__scs_entry_jumppad:
0x0: {  	(pc) =	sbr.rel $0x88, $3  }
0x1: {  	(tag) =	ssettag $0x0;
	lr =	simm.s32 $0x1  }
0x2: {  	[smem:$0x3F84] =	sst lr;
	_ =	strace $0xD0000000  }
0x3: {  	_ = 	snop  }
0x4: {  	_ = 	snop  }
0x5: {  	_ = 	snop  }
0x6: {  	_ = 	snop  }
0x7: {  	_ = 	snop  }
__scs_overlays_trampoline_lowered:
0x8: {  	[smem:$0x3F93] =	sst s0  }
0x9: {  	[smem:$0x3F94] =	sst s1  }
0xa: {  	[smem:$0x3F95] =	sst s2  }
0xb: {  	[smem:$0x3F96] =	sst s3  }
0xc: {  	[smem:$0x3F97] =	sst s4  }
0xd: {  	[smem:$0x3F98] =	sst s5  }
0xe: {  	[smem:$0x3F99] =	sst s6  }
0xf: {  	[smem:$0x3F9A] =	sst s7  }
0x10: {  	[smem:$0x3F9B] =	sst s8  }
0x11: {  	[smem:$0x3F9C] =	sst s9;
	s0 =	simm.s32 @!p0 $0x0  }
0x12: {  	s1 =	sld [smem:$0x3F82];
	s0 =	simm.s32 @p0 $0x1  }
0x13: {  	[smem:$0x3F9D] =	sst s0;
	s0 =	simm.s32 @!p1 $0x0  }
0x14: {  	s2 =	sld [smem:$0x3F81];
	s0 =	simm.s32 @p1 $0x1  }
0x15: {  	[smem:$0x3F9E] =	sst s0;
	s0 =	simm.s32 @!p2 $0x0  }
0x16: {  	s3 =	sld [smem:$0x3FDB];
	s0 =	simm.s32 @p2 $0x1  }
0x17: {  	s4 =	simm.s32 $0x1BF5;
	[smem:$0x3FA0] =	sst s0  }
0x18: {  	s0 =	sld [smem:$0x3F83];
	_ =	swait.ge [sflag:s4], $0x0  }
0x19: {  	s7 =	sld [smem:$0x3F84]  }
0x1a: {  	s8 =	sadd.s32 $0xFFFFE003, lr  }
0x1b: {  	s9 =	sadd.s32 $0xFFFFFEF7, lr;
	s5 =	simm.s32 $0xFFFFFFFF;
	p2 =	slt.u32 s8, $0xFFFFF086  }
0x1c: {  	p1 =	slt.u32 s9, $0xF7A;
	s5 =	simm.s32 @!p2 $0x0  }
0x1d: {  	s5 =	simm.s32 @p1 $0x1;
	p0 =	seq.s32 s7, s2  }
0x1e: {  	s7 =	smul.u32 @!p0 $0xF7A, s2;
	p2 =	seq.s32 @!p0 s5, $0x0  }
0x1f: {  	s9 =	smul.u32 $0xF7A, s1;
	s8 =	simm.s32 @!p0 $0x1BF5;
	p2 =	por !p2, p0  }
0x20: {  	[sflag:s8] =	ssyncset.s32 @!p0 $0xFFFFF086;
	s6 =	sadd.s32 @!p0 s3, s7;
	s7 =	simm.s32 @!p0 $0x108  }
0x21: {  	s3 =	sadd.s32 s3, s9;
	s6 =	sadd.s32 @!p0 $0x88, s6;
	s7 =	simm.s32 @p2 $0x1082  }
0x22: {  	[simem:s7], [sflag:s8] =	dma.local @!p0 [hbm:s6], $0xF7A  }
0x23: {  	s9 =	sor.u32 $0xD0000000, s2;
	s6 =	simm.s32 $0x108;
	_ =	swait.ge @!p0 [sflag:s8], $0x0  }
0x24: {  	s3 =	sadd.s32 $0x88, s3;
	s6 =	simm.s32 @!p1 $0x1082;
	[sflag:s4] =	ssyncset.s32 $0xFFFFF086  }
0x25: {  	[simem:s6], [sflag:s4] =	dma.local [hbm:s3], $0xF7A  }
0x26: {  	[smem:$0x3F84] =	sst s1;
	(tag) =	ssettag s2;
	_ =	strace s9  }
0x27: {  	s1 =	sld [smem:$0x3F94]  }
0x28: {  	s2 =	sld [smem:$0x3F95]  }
0x29: {  	s4 =	sld [smem:$0x3F97]  }
0x2a: {  	p0 =	seq.s32 s5, $0x0;
	s5 =	sld [smem:$0x3F98]  }
0x2b: {  	s6 =	sld [smem:$0x3F99]  }
0x2c: {  	s7 =	sld [smem:$0x3F9A]  }
0x2d: {  	s3 =	simm.s32 $0x108;
	s8 =	sld [smem:$0x3F9B]  }
0x2e: {  	s3 =	simm.s32 @!p0 $0x1082;
	s9 =	sld [smem:$0x3F9C]  }
0x2f: {  	lr =	sadd.s32 s0, s3;
	s0 =	sld [smem:$0x3F93]  }
0x30: {  	s3 =	sld [smem:$0x3F96]  }
0x31: {  	[smem:$0x3F9F] =	sst s10  }
0x32: {  	s10 =	sld [smem:$0x3F9D];
	_ =	sdelay $0x3  }
0x33: {  	p0 =	seq.s32 s10, $0x1;
	s10 =	sld [smem:$0x3F9F];
	_ =	sdelay $0x3  }
0x34: {  	[smem:$0x3F9F] =	sst s10  }
0x35: {  	s10 =	sld [smem:$0x3F9E];
	_ =	sdelay $0x3  }
0x36: {  	p1 =	seq.s32 s10, $0x1;
	s10 =	sld [smem:$0x3F9F];
	_ =	sdelay $0x3  }
0x37: {  	[smem:$0x3F9F] =	sst s10  }
0x38: {  	s10 =	sld [smem:$0x3FA0]  }
0x39: {  	_ = 	snop;
	(pc) =	sbr.ind lr, $3  }
0x3a: {  	_ = 	snop  }
0x3b: {  	_ = 	snop  }
0x3c: {  	p2 =	seq.s32 s10, $0x1;
	s10 =	sld [smem:$0x3F9F]  }
0x3d: {  	_ =	shalt  }
0x3e: {  	_ =	shalt  }
0x3f: {  	_ =	shalt  }
0x40: {  	_ =	shalt  }
0x41: {  	_ =	shalt  }
0x42: {  	_ =	shalt  }
0x43: {  	_ =	shalt  }
0x44: {  	_ =	shalt  }
0x45: {  	_ =	shalt  }
0x46: {  	_ =	shalt  }
0x47: {  	_ =	shalt  }
0x48: {  	_ =	shalt  }
0x49: {  	_ =	shalt  }
0x4a: {  	_ =	shalt  }
0x4b: {  	_ =	shalt  }
0x4c: {  	_ =	shalt  }
0x4d: {  	_ =	shalt  }
0x4e: {  	_ =	shalt  }
0x4f: {  	_ =	shalt  }
0x50: {  	_ =	shalt  }
0x51: {  	_ =	shalt  }
0x52: {  	_ =	shalt  }
0x53: {  	_ =	shalt  }
0x54: {  	_ =	shalt  }
0x55: {  	_ =	shalt  }
0x56: {  	_ =	shalt  }
0x57: {  	_ =	shalt  }
0x58: {  	_ =	shalt  }
0x59: {  	_ =	shalt  }
0x5a: {  	_ =	shalt  }
0x5b: {  	_ =	shalt  }
0x5c: {  	_ =	shalt  }
0x5d: {  	_ =	shalt  }
0x5e: {  	_ =	shalt  }
0x5f: {  	_ =	shalt  }
0x60: {  	_ =	shalt  }
0x61: {  	_ =	shalt  }
0x62: {  	_ =	shalt  }
0x63: {  	_ =	shalt  }
0x64: {  	_ =	shalt  }
0x65: {  	_ =	shalt  }
0x66: {  	_ =	shalt  }
0x67: {  	_ =	shalt  }
0x68: {  	_ =	shalt  }
0x69: {  	_ =	shalt  }
0x6a: {  	_ =	shalt  }
0x6b: {  	_ =	shalt  }
0x6c: {  	_ =	shalt  }
0x6d: {  	_ =	shalt  }
0x6e: {  	_ =	shalt  }
0x6f: {  	_ =	shalt  }
0x70: {  	_ =	shalt  }
0x71: {  	_ =	shalt  }
0x72: {  	_ =	shalt  }
0x73: {  	_ =	shalt  }
0x74: {  	_ =	shalt  }
0x75: {  	_ =	shalt  }
0x76: {  	_ =	shalt  }
0x77: {  	_ =	shalt  }
0x78: {  	_ =	shalt  }
0x79: {  	_ =	shalt  }
0x7a: {  	_ =	shalt  }
0x7b: {  	_ =	shalt  }
0x7c: {  	_ =	shalt  }
0x7d: {  	_ =	shalt  }
0x7e: {  	_ =	shalt  }
0x7f: {  	_ =	shalt  }
0x80: {  	_ =	shalt  }
0x81: {  	_ =	shalt  }
0x82: {  	_ =	shalt  }
0x83: {  	_ =	shalt  }
0x84: {  	_ =	shalt  }
0x85: {  	_ =	shalt  }
0x86: {  	_ =	shalt  }
0x87: {  	_ =	shalt  }
.Lfunc_end0:
.L_simem_size_0:
called_computation_lowered:
.L_overlay_start_0:
0x88: {  	s2 =	sld [smem:$0x3FD9]  }
0x89: {  	s3 =	sld [smem:$0x3FFE];
	_ =	sdelay $0x1  }
0x8a: {  	s1 =	srdreg.scid  }
0x8b: {  	s0 =	sand.u32 $0x1, s1  }
0x8c: {  	s14 =	sshll.u32 s0, $0xA;
	s2 =	sadd.s32 s3, s2  }
0x8d: {  	s2 =	sadd.s32 s2, s14  }
0x8e: {  	[smem:$0x3FAB] =	sst s2  }
0x8f: {  	_ = 	snop  }
0x90: {  	s2 =	sld [smem:$0x3FD0];
	_ =	sdelay $0x2  }
0x91: {  	s15 =	simm.s32 $0xA;
	s4 =	simm.s32 $0x10  }
0x92: {  	[smem:s4], [sflag:s15] =	dma.local [hbm:s2], $0x1  }
0x93: {  	_ =	swait.eq [sflag:s15], $0x1  }
0x94: {  	[sflag:s15] =	ssyncset.done $0x0  }
0x95: {  	[sflag:s15] =	ssyncadd.s32 $0xFFFFFFFF  }
0x96: {  	s16 =	sld [smem:$0x11];
	(tm) =	ssettm $0x1  }
0x97: {  	s17 =	sld [smem:$0x3FFB];
	_ =	sdelay $0x3  }
0x98: {  	_ =	strace s17  }
0x99: {  	s3 =	sld [smem:$0x3FFC];
	_ =	sdelay $0x3  }
0x9a: {  	_ =	strace s3  }
0x9b: {  	s3 =	sld [smem:$0x3FFD];
	_ =	sdelay $0x3  }
0x9c: {  	_ =	strace s3  }
0x9d: {  	_ =	strace $0x8FFFFFFF  }
0x9e: {  	s18 =	sld [smem:$0x3FDB];
	_ =	sdelay $0x1  }
0x9f: {  	s19 =	simm.s32 $_scs_section_size  }
0xa0: {  	s5 =	simm.s32 $_size__tile_overlayer_lowered;
	s6 =	simm.s32 $_tile_overlayer_lowered  }
0xa1: {  	s22 =	simm.s32 $0x1BFF;
	s21 =	sshll.u32 s6, $0x1;
	s3 =	sadd.s32 s19, s18  }
0xa2: {  	s7 =	simm.s32 $0x0;
	s20 =	sshll.u32 s5, $0x1;
	s5 =	sadd.s32 s21, s3  }
0xa3: {  	[timem:s7], [sflag:s22] =	dma.local [hbm:s5], s20  }
0xa4: {  	_ =	swait.ge [sflag:s22], s20  }
0xa5: {  	s4 =	ssub.s32 $0x0, s20;
	[sflag:s22] =	ssyncset.done $0x0  }
0xa6: {  	[sflag:s22] =	ssyncadd.s32 s4;
	_ =	sdelay $0x1  }
0xa7: {  	s23 =	simm.s32 $0x1B8B  }
0xa8: {  	_ =	swait.ge [sflag:s23], $0x1  }
0xa9: {  	[sflag:s23] =	ssyncset.done $0x0  }
0xaa: {  	s25 =	simm.s32 $0x1B8E;
	s24 =	sld [smem:$0x3FFE];
	[sflag:s23] =	ssyncadd.s32 $0xFFFFFFFF  }
0xab: {  	s26 =	simm.s32 $execute0_lowered;
	[smem:$0x3FD2] =	sst s25  }
0xac: {  	s5 =	sshll.u32 s26, $0x1;
	_ =	strace $0x80000046;
	[dreg:$0x1] =	wrdreg $0xFFFFFFFF  }
0xad: {  	s28 =	simm.s32 $_size_execute0_lowered;
	s3 =	sadd.s32 s3, s5;
	[dreg:$0x0] =	wrdreg $0x0  }
0xae: {  	s5 =	sshll.u32 s28, $0x1;
	[dreg:$0x2] =	wrdreg s3  }
0xaf: {  	[dreg:$0x3] =	wrdreg s5  }
0xb0: {  	[dreg:$0x4] =	wrdreg $0xC0  }
0xb1: {  	_ =	task [dreg:s7], $0x5FFFF  }
0xb2: {  	[dreg:$0x1] =	wrdreg $0xFFFFFFFF  }
0xb3: {  	[dreg:$0x0] =	wrdreg $0x60  }
0xb4: {  	[dreg:$0x2] =	wrdreg s16  }
0xb5: {  	[dreg:$0x3] =	wrdreg s24  }
0xb6: {  	[dreg:$0x4] =	wrdreg $0x9  }
0xb7: {  	_ =	task.clear_ibuf [dreg:s7], $0x5FFFF;
	_ =	strace $0x90000046  }
0xb8: {  	s29 =	simm.s32 $0x9;
	_ =	strace $0x80000048  }
0xb9: {  	_ =	swait.ge [sflag:s29], $0x1  }
0xba: {  	[sflag:s29] =	ssyncadd.s32 $0xFFFFFFFF  }
0xbb: {  	_ =	strace $0x90000048  }
0xbc: {  	_ =	sfence  }
0xbd: {  	s30 =	sld [smem:$0x0];
	_ =	sdelay $0x2  }
0xbe: {  	s31 =	sshll.u32 s1, $0xD;
	s1 =	sshrl.u32 s1, $0x2  }
0xbf: {  	s3 =	sand.u32 $0x4000, s31;
	s1 =	sadd.s32 s1, s30  }
0xc0: {  	s0 =	sor.u32 s3, s0;
	s1 =	sshll.u32 s1, $0x11  }
0xc1: {  	s0 =	sor.u32 s1, s0  }
0xc2: {  	s0 =	sadd.s32 $0x8F2B, s0  }
0xc3: {  	[sflag:s0] =	ssyncadd.remote.s32 $0x1  }
0xc4: {  	_ =	sfence.sel $0xFFFF  }
0xc5: {  	[dreg:$0x0] =	wrdreg $0xFFFFFFFF;
	(pc) =	sbr.abs _section_cstart, $3  }
0xc6: {  	[dreg:$0x1] =	wrdreg $0xFFFFFFFF  }
0xc7: {  	_ =	task.clear_ibuf [dreg:s7], $0x2FFFF;
	_ =	strace $0x9FFFFFFF  }
0xc8: {  	(tm) =	ssettm $0x7FFFFFFF  }
0xc9: {  	_ =	shalt  }
tec
execute0_lowered:
.L_overlay_start_1:
0x0: {  	(tag) =	ssettag $0x1  }
0x1: {  	s1 =	rddreg [dreg:$0x0]  }
0x2: {  	s5 =	rddreg [dreg:$0x1]  }
0x3: {  	s0 =	rddreg [dreg:$0x2];
	s3 =	simm.s32 $0x0;
	s4 =	srdreg.scid  }
0x4: {  	s2 =	stileid.u32;
	s11 =	simm.s32 $0x80;
	s12 =	simm.s32 $0x50  }
0x5: {  	s13 =	simm.s32 $0x100;
	s14 =	simm.s32 $0x2900;
	s15 =	simm.s32 $0x1  }
0x6: {  	s16 =	simm.s32 $0x2;
	s17 =	simm.s32 $0x0;
	s7 =	smul.u32 $0x4E20, s2  }
0x7: {  	[smem:$0x7FF] =	sst s3;
	s6 =	sand.u32 $0x1, s4;
	s9 =	smul.u32 $0x4E200, s2  }
0x8: {  	s4 =	sadd.s32 $0x1B200, s5;
	s8 =	smul.u32 $0x2710, s6;
	s10 =	ssub.s32 $0x2, s6  }
0x9: {  	_ =	strace $0x80000047;
	s6 =	smul.u32 $0x27100, s6;
	s29 =	sshrl.u32 s10, $0x1  }
0xa: {  	s9 =	sadd.s32 s9, s5;
	s7 =	sadd.s32 s8, s7;
	s8 =	ssub.s32 s10, s29  }
0xb: {  	s31 =	sadd.s32 s6, s9;
	s10 =	simm.s32 $0x3;
	s7 =	sshrl.u32 s7, $0x3  }
0xc: {  	s6 =	sadd.s32 $0x42400, s31;
	s30 =	sadd.s32 s7, s5;
	s5 =	smax.u32 s8, $0x1  }
0xd: {  	s7 =	sadd.s32 $0x524400, s31;
	s8 =	sadd.s32 $0x7600, s30;
	s9 =	sadd.s32 $0x11400, s30  }
.LBB2_1:
0xe: {  	s18 =	sadd.s32 $0x0, s9  }
0xf: {  	[tilespmem:s3], [sflag:$0x3] =	stream.linear.gather [hbm4b:s18+s3], $0x50, $0x38;
	[tilespmem:$0x5100] =	vst v63  }
0x10: {  	_ =	swait.ge [sflag:s10], $0x50  }
0x11: {  	[sflag:s10] =	ssyncset.done $0x0  }
0x12: {  	s31 =	sadd.s32 $0x0, s8;
	[sflag:s10] =	ssyncadd.s32 $0xFFFFFFB0  }
0x13: {  	[tilespmem:s11], [sflag:$0x3] =	stream.linear.gather [hbm4b:s31+s3], $0x50, $0x38;
	[tilespmem:$0x5100] =	vst v63  }
0x14: {  	_ =	swait.ge [sflag:s10], $0x50  }
0x15: {  	[sflag:s10] =	ssyncset.done $0x0  }
0x16: {  	[sflag:s10] =	ssyncadd.s32 $0xFFFFFFB0  }
0x17: {  	[tilespmem:s13], [sflag:$0x1] =	stream.indirect.gather [hbm4b:s1+s12], $0x80, s3, s12, $0xb8;
	[tilespmem:$0x5100] =	vst v63  }
0x18: {  	_ = 	snop  }
0x19: {  	[tilespmem:s14], [sflag:$0x2] =	stream.indirect.gather [hbm4b:s4+s12], $0x80, s11, s12, $0xb8;
	[tilespmem:$0x5100] =	vst v63  }
0x1a: {  	_ =	swait.ge [sflag:s15], $0x2800  }
0x1b: {  	[sflag:s15] =	ssyncset.done $0x0  }
0x1c: {  	[sflag:s15] =	ssyncadd.s32 $0xFFFFD800  }
0x1d: {  	_ =	swait.ge [sflag:s16], $0x2800  }
0x1e: {  	[sflag:s16] =	ssyncset.done $0x0  }
0x1f: {  	[sflag:s16] =	ssyncadd.s32 $0xFFFFD800  }
0x20: {  	[hbm4b:s6+s3] =	stream.linear.scatter [tilespmem:s13], [sflag:$0x3], $0x2800, $0x38;
	[tilespmem:$0x5100] =	vst v63  }
0x21: {  	_ =	swait.ge [sflag:s10], $0x2800  }
0x22: {  	[sflag:s10] =	ssyncset.done $0x0  }
0x23: {  	[sflag:s10] =	ssyncadd.s32 $0xFFFFD800  }
0x24: {  	[hbm4b:s7+s3] =	stream.linear.scatter [tilespmem:s14], [sflag:$0x3], $0x2800, $0x38;
	[tilespmem:$0x5100] =	vst v63  }
0x25: {  	s20 =	simm.s32 $0xA;
	s21 =	simm.s32 $0x14;
	_ =	swait.ge [sflag:s10], $0x2800  }
0x26: {  	s19 =	sadd.s32 $0x500, s6;
	s18 =	sadd.s32 $0x500, s7;
	[sflag:s10] =	ssyncset.done $0x0  }
.LBB2_2:
0x27: {  	s22 =	sadd.s32 s20, s9  }
0x28: {  	[sflag:s10] =	ssyncadd.s32 $0xFFFFD800;
	s23 =	smov.u32 s21;
	s24 =	sadd.s32 $0xA, s21  }
0x29: {  	[tilespmem:s3], [sflag:$0x3] =	stream.linear.gather [hbm4b:s22+s3], $0x50, $0x38;
	[tilespmem:$0x5100] =	vst v63  }
0x2a: {  	p0 =	sne.s32 s21, $0x4D8;
	_ =	swait.ge [sflag:s10], $0x50  }
0x2b: {  	[sflag:s10] =	ssyncset.done $0x0  }
0x2c: {  	s21 =	sadd.s32 s20, s8;
	s20 =	smov.u32 s23;
	[sflag:s10] =	ssyncadd.s32 $0xFFFFFFB0  }
0x2d: {  	[tilespmem:s11], [sflag:$0x3] =	stream.linear.gather [hbm4b:s21+s3], $0x50, $0x38;
	[tilespmem:$0x5100] =	vst v63  }
0x2e: {  	_ =	swait.ge [sflag:s10], $0x50  }
0x2f: {  	[sflag:s10] =	ssyncset.done $0x0  }
0x30: {  	[sflag:s10] =	ssyncadd.s32 $0xFFFFFFB0  }
0x31: {  	[tilespmem:s13], [sflag:$0x1] =	stream.indirect.gather [hbm4b:s1+s12], $0x80, s3, s12, $0xb8;
	[tilespmem:$0x5100] =	vst v63  }
0x32: {  	_ = 	snop  }
0x33: {  	[tilespmem:s14], [sflag:$0x2] =	stream.indirect.gather [hbm4b:s4+s12], $0x80, s11, s12, $0xb8;
	[tilespmem:$0x5100] =	vst v63  }
0x34: {  	_ =	swait.ge [sflag:s15], $0x2800  }
0x35: {  	[sflag:s15] =	ssyncset.done $0x0  }
0x36: {  	[sflag:s15] =	ssyncadd.s32 $0xFFFFD800  }
0x37: {  	_ =	swait.ge [sflag:s16], $0x2800  }
0x38: {  	[sflag:s16] =	ssyncset.done $0x0  }
0x39: {  	[sflag:s16] =	ssyncadd.s32 $0xFFFFD800  }
0x3a: {  	[hbm4b:s19+s3] =	stream.linear.scatter [tilespmem:s13], [sflag:$0x3], $0x2800, $0x38;
	[tilespmem:$0x5100] =	vst v63  }
0x3b: {  	_ =	swait.ge [sflag:s10], $0x2800  }
.Ltmp0:
0x3c: {  	[sflag:s10] =	ssyncset.done $0x0;
	(pc) =	sbr.rel @p0 .LBB2_2-.Ltmp0, $4  }
0x3d: {  	[sflag:s10] =	ssyncadd.s32 $0xFFFFD800  }
0x3e: {  	[hbm4b:s18+s3] =	stream.linear.scatter [tilespmem:s14], [sflag:$0x3], $0x2800, $0x38;
	[tilespmem:$0x5100] =	vst v63  }
0x3f: {  	s21 =	smov.u32 s24;
	_ =	swait.ge [sflag:s10], $0x2800  }
0x40: {  	s19 =	sadd.s32 $0x500, s19;
	s18 =	sadd.s32 $0x500, s18;
	[sflag:s10] =	ssyncset.done $0x0  }
0x41: {  	s21 =	sadd.s32 s20, s9;
	[sflag:s10] =	ssyncadd.s32 $0xFFFFD800  }
0x42: {  	[tilespmem:s3], [sflag:$0x3] =	stream.linear.gather [hbm4b:s21+s3], $0x50, $0x38;
	[tilespmem:$0x5100] =	vst v63  }
0x43: {  	_ =	swait.ge [sflag:s10], $0x50  }
0x44: {  	[sflag:s10] =	ssyncset.done $0x0  }
0x45: {  	s31 =	sadd.s32 s20, s8;
	[sflag:s10] =	ssyncadd.s32 $0xFFFFFFB0  }
0x46: {  	[tilespmem:s11], [sflag:$0x3] =	stream.linear.gather [hbm4b:s31+s3], $0x50, $0x38;
	[tilespmem:$0x5100] =	vst v63  }
0x47: {  	_ =	swait.ge [sflag:s10], $0x50  }
0x48: {  	[sflag:s10] =	ssyncset.done $0x0  }
0x49: {  	[sflag:s10] =	ssyncadd.s32 $0xFFFFFFB0  }
0x4a: {  	[tilespmem:s13], [sflag:$0x1] =	stream.indirect.gather [hbm4b:s1+s12], $0x80, s3, s12, $0xb8;
	[tilespmem:$0x5100] =	vst v63  }
0x4b: {  	_ = 	snop  }
0x4c: {  	[tilespmem:s14], [sflag:$0x2] =	stream.indirect.gather [hbm4b:s4+s12], $0x80, s11, s12, $0xb8;
	[tilespmem:$0x5100] =	vst v63  }
0x4d: {  	_ =	swait.ge [sflag:s15], $0x2800  }
0x4e: {  	[sflag:s15] =	ssyncset.done $0x0  }
0x4f: {  	[sflag:s15] =	ssyncadd.s32 $0xFFFFD800  }
0x50: {  	_ =	swait.ge [sflag:s16], $0x2800  }
0x51: {  	[sflag:s16] =	ssyncset.done $0x0  }
0x52: {  	[sflag:s16] =	ssyncadd.s32 $0xFFFFD800  }
0x53: {  	[hbm4b:s19+s3] =	stream.linear.scatter [tilespmem:s13], [sflag:$0x3], $0x2800, $0x38;
	[tilespmem:$0x5100] =	vst v63  }
0x54: {  	s17 =	sadd.s32 $0x1, s17;
	_ =	swait.ge [sflag:s10], $0x2800  }
0x55: {  	p0 =	sne.s32 s17, s5;
	[sflag:s10] =	ssyncset.done $0x0  }
.Ltmp1:
0x56: {  	[sflag:s10] =	ssyncadd.s32 $0xFFFFD800;
	(pc) =	sbr.rel @p0 .LBB2_1-.Ltmp1, $4  }
0x57: {  	[hbm4b:s18+s3] =	stream.linear.scatter [tilespmem:s14], [sflag:$0x3], $0x2800, $0x38;
	[tilespmem:$0x5100] =	vst v63  }
0x58: {  	_ =	swait.ge [sflag:s10], $0x2800  }
0x59: {  	[sflag:s10] =	ssyncset.done $0x0  }
0x5a: {  	[sflag:s10] =	ssyncadd.s32 $0xFFFFD800  }
0x5b: {  	_ =	sfence.sel $0x180000  }
0x5c: {  	[bflag:$0x0] =	sbarrier.arrive $0xFFFF  }
0x5d: {  	p0 =	sne.s32 s2, $0x0;
	_ =	strace $0x90000047  }
0x5e: {  	s0 =	sadd.s32 @!p0 $0x100000, s0;
	[bflag:$0x2] =	sbarrier.arrive $0xFFFF  }
0x5f: {  	[sflag:s0] =	ssyncadd.tile.s32 @!p0 $0x1;
	_ =	shalt  }
.Lfunc_end2:
_tile_overlayer_lowered:
.L_overlay_start_2:
0x60: {  	(tag) =	ssettag $0x2  }
0x61: {  	s0 =	rddreg [dreg:$0x0];
	s2 =	stileid.u32  }
0x62: {  	s1 =	rddreg [dreg:$0x1];
	p0 =	sne.s32 s2, $0x0  }
0x63: {  	s3 =	rddreg [dreg:$0x2];
	[bflag:$0x3] =	sbarrier.arrive $0xFFFF;
	s2 =	simm.s32 @!p0 $0x1C03  }
0x64: {  	[timem:s3], [sflag:s2] =	dma.local @!p0 [hbm:s0], s1  }
0x65: {  	s0 =	simm.s32 @!p0 $0x3  }
0x66: {  	_ =	swait.ge @!p0 [sflag:s0], s1  }
0x67: {  	s1 =	ssub.s32 @!p0 $0x0, s1;
	[sflag:s0] =	ssyncset.done @!p0 $0x0  }
0x68: {  	[sflag:s0] =	ssyncadd.s32 @!p0 s1  }
0x69: {  	[bflag:$0x3] =	sbarrier.arrive $0xFFFF  }
0x6a: {  	_ =	shalt  }

// kernel: kernel.16.cloned.1.call-start
scs
__scs_entry_jumppad:
0x0: {  	(pc) =	sbr.rel $0x88, $3  }
0x1: {  	(tag) =	ssettag $0x0;
	lr =	simm.s32 $0x1  }
0x2: {  	[smem:$0x3F84] =	sst lr;
	_ =	strace $0xD0000000  }
0x3: {  	_ = 	snop  }
0x4: {  	_ = 	snop  }
0x5: {  	_ = 	snop  }
0x6: {  	_ = 	snop  }
0x7: {  	_ = 	snop  }
__scs_overlays_trampoline_lowered:
0x8: {  	[smem:$0x3F93] =	sst s0  }
0x9: {  	[smem:$0x3F94] =	sst s1  }
0xa: {  	[smem:$0x3F95] =	sst s2  }
0xb: {  	[smem:$0x3F96] =	sst s3  }
0xc: {  	[smem:$0x3F97] =	sst s4  }
0xd: {  	[smem:$0x3F98] =	sst s5  }
0xe: {  	[smem:$0x3F99] =	sst s6  }
0xf: {  	[smem:$0x3F9A] =	sst s7  }
0x10: {  	[smem:$0x3F9B] =	sst s8  }
0x11: {  	[smem:$0x3F9C] =	sst s9;
	s0 =	simm.s32 @!p0 $0x0  }
0x12: {  	s1 =	sld [smem:$0x3F82];
	s0 =	simm.s32 @p0 $0x1  }
0x13: {  	[smem:$0x3F9D] =	sst s0;
	s0 =	simm.s32 @!p1 $0x0  }
0x14: {  	s2 =	sld [smem:$0x3F81];
	s0 =	simm.s32 @p1 $0x1  }
0x15: {  	[smem:$0x3F9E] =	sst s0;
	s0 =	simm.s32 @!p2 $0x0  }
0x16: {  	s3 =	sld [smem:$0x3FDB];
	s0 =	simm.s32 @p2 $0x1  }
0x17: {  	s4 =	simm.s32 $0x1BF5;
	[smem:$0x3FA0] =	sst s0  }
0x18: {  	s0 =	sld [smem:$0x3F83];
	_ =	swait.ge [sflag:s4], $0x0  }
0x19: {  	s7 =	sld [smem:$0x3F84]  }
0x1a: {  	s8 =	sadd.s32 $0xFFFFE003, lr  }
0x1b: {  	s9 =	sadd.s32 $0xFFFFFEF7, lr;
	s5 =	simm.s32 $0xFFFFFFFF;
	p2 =	slt.u32 s8, $0xFFFFF086  }
0x1c: {  	p1 =	slt.u32 s9, $0xF7A;
	s5 =	simm.s32 @!p2 $0x0  }
0x1d: {  	s5 =	simm.s32 @p1 $0x1;
	p0 =	seq.s32 s7, s2  }
0x1e: {  	s7 =	smul.u32 @!p0 $0xF7A, s2;
	p2 =	seq.s32 @!p0 s5, $0x0  }
0x1f: {  	s9 =	smul.u32 $0xF7A, s1;
	s8 =	simm.s32 @!p0 $0x1BF5;
	p2 =	por !p2, p0  }
0x20: {  	[sflag:s8] =	ssyncset.s32 @!p0 $0xFFFFF086;
	s6 =	sadd.s32 @!p0 s3, s7;
	s7 =	simm.s32 @!p0 $0x108  }
0x21: {  	s3 =	sadd.s32 s3, s9;
	s6 =	sadd.s32 @!p0 $0x88, s6;
	s7 =	simm.s32 @p2 $0x1082  }
0x22: {  	[simem:s7], [sflag:s8] =	dma.local @!p0 [hbm:s6], $0xF7A  }
0x23: {  	s9 =	sor.u32 $0xD0000000, s2;
	s6 =	simm.s32 $0x108;
	_ =	swait.ge @!p0 [sflag:s8], $0x0  }
0x24: {  	s3 =	sadd.s32 $0x88, s3;
	s6 =	simm.s32 @!p1 $0x1082;
	[sflag:s4] =	ssyncset.s32 $0xFFFFF086  }
0x25: {  	[simem:s6], [sflag:s4] =	dma.local [hbm:s3], $0xF7A  }
0x26: {  	[smem:$0x3F84] =	sst s1;
	(tag) =	ssettag s2;
	_ =	strace s9  }
0x27: {  	s1 =	sld [smem:$0x3F94]  }
0x28: {  	s2 =	sld [smem:$0x3F95]  }
0x29: {  	s4 =	sld [smem:$0x3F97]  }
0x2a: {  	p0 =	seq.s32 s5, $0x0;
	s5 =	sld [smem:$0x3F98]  }
0x2b: {  	s6 =	sld [smem:$0x3F99]  }
0x2c: {  	s7 =	sld [smem:$0x3F9A]  }
0x2d: {  	s3 =	simm.s32 $0x108;
	s8 =	sld [smem:$0x3F9B]  }
0x2e: {  	s3 =	simm.s32 @!p0 $0x1082;
	s9 =	sld [smem:$0x3F9C]  }
0x2f: {  	lr =	sadd.s32 s0, s3;
	s0 =	sld [smem:$0x3F93]  }
0x30: {  	s3 =	sld [smem:$0x3F96]  }
0x31: {  	[smem:$0x3F9F] =	sst s10  }
0x32: {  	s10 =	sld [smem:$0x3F9D];
	_ =	sdelay $0x3  }
0x33: {  	p0 =	seq.s32 s10, $0x1;
	s10 =	sld [smem:$0x3F9F];
	_ =	sdelay $0x3  }
0x34: {  	[smem:$0x3F9F] =	sst s10  }
0x35: {  	s10 =	sld [smem:$0x3F9E];
	_ =	sdelay $0x3  }
0x36: {  	p1 =	seq.s32 s10, $0x1;
	s10 =	sld [smem:$0x3F9F];
	_ =	sdelay $0x3  }
0x37: {  	[smem:$0x3F9F] =	sst s10  }
0x38: {  	s10 =	sld [smem:$0x3FA0]  }
0x39: {  	_ = 	snop;
	(pc) =	sbr.ind lr, $3  }
0x3a: {  	_ = 	snop  }
0x3b: {  	_ = 	snop  }
0x3c: {  	p2 =	seq.s32 s10, $0x1;
	s10 =	sld [smem:$0x3F9F]  }
0x3d: {  	_ =	shalt  }
0x3e: {  	_ =	shalt  }
0x3f: {  	_ =	shalt  }
0x40: {  	_ =	shalt  }
0x41: {  	_ =	shalt  }
0x42: {  	_ =	shalt  }
0x43: {  	_ =	shalt  }
0x44: {  	_ =	shalt  }
0x45: {  	_ =	shalt  }
0x46: {  	_ =	shalt  }
0x47: {  	_ =	shalt  }
0x48: {  	_ =	shalt  }
0x49: {  	_ =	shalt  }
0x4a: {  	_ =	shalt  }
0x4b: {  	_ =	shalt  }
0x4c: {  	_ =	shalt  }
0x4d: {  	_ =	shalt  }
0x4e: {  	_ =	shalt  }
0x4f: {  	_ =	shalt  }
0x50: {  	_ =	shalt  }
0x51: {  	_ =	shalt  }
0x52: {  	_ =	shalt  }
0x53: {  	_ =	shalt  }
0x54: {  	_ =	shalt  }
0x55: {  	_ =	shalt  }
0x56: {  	_ =	shalt  }
0x57: {  	_ =	shalt  }
0x58: {  	_ =	shalt  }
0x59: {  	_ =	shalt  }
0x5a: {  	_ =	shalt  }
0x5b: {  	_ =	shalt  }
0x5c: {  	_ =	shalt  }
0x5d: {  	_ =	shalt  }
0x5e: {  	_ =	shalt  }
0x5f: {  	_ =	shalt  }
0x60: {  	_ =	shalt  }
0x61: {  	_ =	shalt  }
0x62: {  	_ =	shalt  }
0x63: {  	_ =	shalt  }
0x64: {  	_ =	shalt  }
0x65: {  	_ =	shalt  }
0x66: {  	_ =	shalt  }
0x67: {  	_ =	shalt  }
0x68: {  	_ =	shalt  }
0x69: {  	_ =	shalt  }
0x6a: {  	_ =	shalt  }
0x6b: {  	_ =	shalt  }
0x6c: {  	_ =	shalt  }
0x6d: {  	_ =	shalt  }
0x6e: {  	_ =	shalt  }
0x6f: {  	_ =	shalt  }
0x70: {  	_ =	shalt  }
0x71: {  	_ =	shalt  }
0x72: {  	_ =	shalt  }
0x73: {  	_ =	shalt  }
0x74: {  	_ =	shalt  }
0x75: {  	_ =	shalt  }
0x76: {  	_ =	shalt  }
0x77: {  	_ =	shalt  }
0x78: {  	_ =	shalt  }
0x79: {  	_ =	shalt  }
0x7a: {  	_ =	shalt  }
0x7b: {  	_ =	shalt  }
0x7c: {  	_ =	shalt  }
0x7d: {  	_ =	shalt  }
0x7e: {  	_ =	shalt  }
0x7f: {  	_ =	shalt  }
0x80: {  	_ =	shalt  }
0x81: {  	_ =	shalt  }
0x82: {  	_ =	shalt  }
0x83: {  	_ =	shalt  }
0x84: {  	_ =	shalt  }
0x85: {  	_ =	shalt  }
0x86: {  	_ =	shalt  }
0x87: {  	_ =	shalt  }
.Lfunc_end0:
.L_simem_size_0:
called_computation.1_lowered:
.L_overlay_start_0:
0x88: {  	s2 =	sld [smem:$0x3FD9]  }
0x89: {  	s3 =	sld [smem:$0x3FFE];
	_ =	sdelay $0x1  }
0x8a: {  	s1 =	srdreg.scid  }
0x8b: {  	s0 =	sand.u32 $0x1, s1  }
0x8c: {  	s14 =	sshll.u32 s0, $0xA;
	s2 =	sadd.s32 s3, s2  }
0x8d: {  	s2 =	sadd.s32 s2, s14  }
0x8e: {  	[smem:$0x3FAB] =	sst s2  }
0x8f: {  	_ = 	snop  }
0x90: {  	s2 =	sld [smem:$0x3FD0];
	_ =	sdelay $0x2  }
0x91: {  	s15 =	simm.s32 $0xA;
	s4 =	simm.s32 $0x10  }
0x92: {  	[smem:s4], [sflag:s15] =	dma.local [hbm:s2], $0x1  }
0x93: {  	_ =	swait.eq [sflag:s15], $0x1  }
0x94: {  	[sflag:s15] =	ssyncset.done $0x0  }
0x95: {  	s16 =	sld [smem:$0x10];
	[sflag:s15] =	ssyncadd.s32 $0xFFFFFFFF  }
0x96: {  	s17 =	sld [smem:$0x11];
	(tm) =	ssettm $0x1  }
0x97: {  	s18 =	sld [smem:$0x3FFB];
	_ =	sdelay $0x3  }
0x98: {  	_ =	strace s18  }
0x99: {  	s4 =	sld [smem:$0x3FFC];
	_ =	sdelay $0x3  }
0x9a: {  	_ =	strace s4  }
0x9b: {  	s4 =	sld [smem:$0x3FFD];
	_ =	sdelay $0x3  }
0x9c: {  	_ =	strace s4  }
0x9d: {  	_ =	strace $0x8FFFFFFF  }
0x9e: {  	s19 =	sld [smem:$0x3FDB];
	_ =	sdelay $0x1  }
0x9f: {  	s5 =	simm.s32 $_scs_section_size  }
0xa0: {  	s6 =	simm.s32 $_size__tile_overlayer_lowered;
	s7 =	simm.s32 $_tile_overlayer_lowered  }
0xa1: {  	s22 =	simm.s32 $0x1BFF;
	s21 =	sshll.u32 s7, $0x1;
	s4 =	sadd.s32 s5, s19  }
0xa2: {  	s8 =	simm.s32 $0x0;
	s20 =	sshll.u32 s6, $0x1;
	s6 =	sadd.s32 s21, s4  }
0xa3: {  	[timem:s8], [sflag:s22] =	dma.local [hbm:s6], s20  }
0xa4: {  	_ =	swait.ge [sflag:s22], s20  }
0xa5: {  	s5 =	ssub.s32 $0x0, s20;
	[sflag:s22] =	ssyncset.done $0x0  }
0xa6: {  	[sflag:s22] =	ssyncadd.s32 s5;
	_ =	sdelay $0x1  }
0xa7: {  	s23 =	simm.s32 $0x1B8B  }
0xa8: {  	_ =	swait.ge [sflag:s23], $0x1  }
0xa9: {  	[sflag:s23] =	ssyncset.done $0x0  }
0xaa: {  	s25 =	simm.s32 $0x1B8E;
	s24 =	sld [smem:$0x3FFE];
	[sflag:s23] =	ssyncadd.s32 $0xFFFFFFFF  }
0xab: {  	s26 =	simm.s32 $execute0_lowered;
	[smem:$0x3FD2] =	sst s25  }
0xac: {  	s6 =	sshll.u32 s26, $0x1;
	_ =	strace $0x80000049;
	[dreg:$0x1] =	wrdreg $0xFFFFFFFF  }
0xad: {  	s28 =	simm.s32 $_size_execute0_lowered;
	s4 =	sadd.s32 s4, s6;
	[dreg:$0x0] =	wrdreg $0x0  }
0xae: {  	s6 =	sshll.u32 s28, $0x1;
	[dreg:$0x2] =	wrdreg s4  }
0xaf: {  	[dreg:$0x3] =	wrdreg s6  }
0xb0: {  	[dreg:$0x4] =	wrdreg $0xC0  }
0xb1: {  	_ =	task [dreg:s8], $0x5FFFF  }
0xb2: {  	[dreg:$0x1] =	wrdreg $0xFFFFFFFF  }
0xb3: {  	[dreg:$0x0] =	wrdreg $0x60  }
0xb4: {  	[dreg:$0x2] =	wrdreg s24  }
0xb5: {  	[dreg:$0x3] =	wrdreg s16  }
0xb6: {  	[dreg:$0x4] =	wrdreg s17  }
0xb7: {  	[dreg:$0x5] =	wrdreg $0x51000  }
0xb8: {  	[dreg:$0x6] =	wrdreg $0x191000  }
0xb9: {  	[dreg:$0x7] =	wrdreg $0x9  }
0xba: {  	_ =	task.clear_ibuf [dreg:s8], $0x8FFFF;
	_ =	strace $0x90000049  }
0xbb: {  	s29 =	simm.s32 $0x9;
	_ =	strace $0x8000004B  }
0xbc: {  	_ =	swait.ge [sflag:s29], $0x1  }
0xbd: {  	[sflag:s29] =	ssyncadd.s32 $0xFFFFFFFF  }
0xbe: {  	_ =	strace $0x9000004B  }
0xbf: {  	_ =	sfence  }
0xc0: {  	s30 =	sld [smem:$0x0];
	_ =	sdelay $0x2  }
0xc1: {  	s31 =	sshll.u32 s1, $0xD;
	s1 =	sshrl.u32 s1, $0x2  }
0xc2: {  	s3 =	sand.u32 $0x4000, s31;
	s1 =	sadd.s32 s1, s30  }
0xc3: {  	s0 =	sor.u32 s3, s0;
	s1 =	sshll.u32 s1, $0x11  }
0xc4: {  	s0 =	sor.u32 s1, s0  }
0xc5: {  	s0 =	sadd.s32 $0x8F2B, s0  }
0xc6: {  	[sflag:s0] =	ssyncadd.remote.s32 $0x1  }
0xc7: {  	_ =	sfence.sel $0xFFFF  }
0xc8: {  	[dreg:$0x0] =	wrdreg $0xFFFFFFFF;
	(pc) =	sbr.abs _section_cstart, $3  }
0xc9: {  	[dreg:$0x1] =	wrdreg $0xFFFFFFFF  }
0xca: {  	_ =	task.clear_ibuf [dreg:s8], $0x2FFFF;
	_ =	strace $0x9FFFFFFF  }
0xcb: {  	(tm) =	ssettm $0x7FFFFFFF  }
tec
execute0_lowered:
.L_overlay_start_1:
0x0: {  	(tag) =	ssettag $0x1  }
0x1: {  	s7 =	rddreg [dreg:$0x0]  }
0x2: {  	s1 =	rddreg [dreg:$0x1];
	s0 =	stileid.u32  }
0x3: {  	s9 =	rddreg [dreg:$0x2];
	s6 =	smul.u32 $0x4E20, s0  }
0x4: {  	s2 =	srdreg.scid;
	s11 =	smul.u32 $0x4E200, s0  }
0x5: {  	s3 =	rddreg [dreg:$0x3];
	s12 =	smul.u32 $0x14000, s0  }
0x6: {  	s4 =	rddreg [dreg:$0x4];
	s5 =	simm.s32 $0x0;
	s25 =	smul.u32 $0x50000, s0  }
0x7: {  	s19 =	simm.s32 $0x100;
	s20 =	simm.s32 $0x2900;
	s15 =	smul.u32 $0xA000, s0  }
0x8: {  	s21 =	simm.s32 $0x50;
	s8 =	sand.u32 $0x1, s2;
	s29 =	smul.u32 $0x2800, s0  }
0x9: {  	s22 =	simm.s32 $0x0;
	s2 =	rddreg [dreg:$0x5];
	s10 =	smul.u32 $0x2710, s8  }
0xa: {  	[smem:$0x7FF] =	sst s5;
	s30 =	sshll.u32 s0, $0x6;
	s24 =	smul.u32 $0x140000, s8  }
0xb: {  	_ =	strace $0x8000004A;
	s13 =	ssub.s32 $0x2, s8;
	s16 =	smul.u32 $0x28000, s8  }
0xc: {  	s8 =	smul.u32 $0x27100, s8;
	s11 =	sadd.s32 s11, s7;
	s26 =	sshrl.u32 s13, $0x1  }
0xd: {  	s28 =	sshrl.u32 s25, $0x2;
	s15 =	sshrl.u32 s15, $0x2;
	s6 =	sadd.s32 s10, s6  }
0xe: {  	s10 =	sadd.s32 s12, s24;
	s13 =	ssub.s32 s13, s26;
	s17 =	sadd.s32 s28, s3  }
0xf: {  	s12 =	sadd.s32 s29, s16;
	s18 =	sadd.s32 s15, s4;
	s31 =	sadd.s32 s8, s11  }
0x10: {  	s16 =	simm.s32 $0x1;
	s6 =	sshrl.u32 s6, $0x3;
	s10 =	sshrl.u32 s10, $0x3  }
0x11: {  	s12 =	sshrl.u32 s12, $0x3;
	s11 =	smax.u32 s13, $0x1;
	s15 =	sshrl.u32 s17, $0x3  }
0x12: {  	s17 =	sshrl.u32 s18, $0x3;
	s18 =	simm.s32 $0x80;
	s14 =	sadd.s32 s6, s7  }
0x13: {  	s10 =	sadd.s32 s10, s7;
	s9 =	sadd.s32 s9, s12;
	s12 =	sadd.s32 $0xEF2200, s31  }
0x14: {  	s6 =	sadd.s32 $0x1B200, s7;
	s8 =	sadd.s32 $0x1DA00, s10;
	s10 =	sadd.s32 $0xA10200, s31  }
0x15: {  	s7 =	sor.u32 $0x1C01, s30;
	s13 =	sadd.s32 $0xA06400, s14;
	s14 =	sadd.s32 $0x7600, s14  }
.LBB2_1:
0x16: {  	[spmem:s15], [sflag:s7] =	dma.local [hbm:s6], $0x2800  }
0x17: {  	_ =	swait.ge [sflag:s16], $0x2800  }
0x18: {  	[sflag:s16] =	ssyncset.done $0x0  }
0x19: {  	[sflag:s16] =	ssyncadd.s32 $0xFFFFD800  }
0x1a: {  	[spmem:s17], [sflag:s7] =	dma.local [hbm:s1], $0x500  }
0x1b: {  	_ =	swait.ge [sflag:s16], $0x500  }
0x1c: {  	[sflag:s16] =	ssyncset.done $0x0  }
0x1d: {  	[sflag:s16] =	ssyncadd.s32 $0xFFFFFB00  }
0x1e: {  	s23 =	sadd.s32 $0x0, s14;
	[bflag:$0x0] =	sbarrier.arrive $0xFFFF  }
0x1f: {  	[tilespmem:s5], [sflag:$0x1] =	stream.linear.gather [hbm4b:s23+s5], $0x50, $0x38;
	[tilespmem:$0x1B900] =	vst v63  }
0x20: {  	_ =	swait.ge [sflag:s16], $0x50  }
0x21: {  	[sflag:s16] =	ssyncset.done $0x0  }
0x22: {  	s31 =	sadd.s32 $0x0, s13;
	[sflag:s16] =	ssyncadd.s32 $0xFFFFFFB0  }
0x23: {  	[tilespmem:s18], [sflag:$0x1] =	stream.linear.gather [hbm4b:s31+s5], $0x50, $0x38;
	[tilespmem:$0x1B900] =	vst v63  }
0x24: {  	_ =	swait.ge [sflag:s16], $0x50  }
0x25: {  	[sflag:s16] =	ssyncset.done $0x0  }
0x26: {  	[sflag:s16] =	ssyncadd.s32 $0xFFFFFFB0  }
0x27: {  	[tilespmem:s19], [sflag:$0x1] =	stream.linear.gather [hbm4b:s10+s5], $0x2800, $0x38;
	[tilespmem:$0x1B900] =	vst v63  }
0x28: {  	_ =	swait.ge [sflag:s16], $0x2800  }
0x29: {  	[sflag:s16] =	ssyncset.done $0x0  }
0x2a: {  	[sflag:s16] =	ssyncadd.s32 $0xFFFFD800  }
0x2b: {  	[tilespmem:s20], [sflag:$0x1] =	stream.linear.gather [hbm4b:s12+s5], $0x2800, $0x38;
	[tilespmem:$0x1B900] =	vst v63  }
0x2c: {  	_ =	swait.ge [sflag:s16], $0x2800  }
0x2d: {  	[sflag:s16] =	ssyncset.done $0x0  }
0x2e: {  	[sflag:s16] =	ssyncadd.s32 $0xFFFFD800  }
0x2f: {  	[spmem:s3] =	stream.indirect.scatter.add.f32 [tilespmem:s19], [sflag:$0x1], $0x80, s5, s21, $0xb8;
	[tilespmem:$0x1B900] =	vst v63  }
0x30: {  	_ =	swait.ge [sflag:s16], $0x2800  }
0x31: {  	[sflag:s16] =	ssyncset.done $0x0  }
0x32: {  	[sflag:s16] =	ssyncadd.s32 $0xFFFFD800  }
0x33: {  	[spmem:s4] =	stream.indirect.scatter.add.f32 [tilespmem:s20], [sflag:$0x1], $0x80, s18, s21, $0xb8;
	[tilespmem:$0x1B900] =	vst v63  }
0x34: {  	s25 =	simm.s32 $0xA;
	s26 =	simm.s32 $0x14;
	_ =	swait.ge [sflag:s16], $0x2800  }
0x35: {  	s24 =	sadd.s32 $0x500, s10;
	s23 =	sadd.s32 $0x500, s12;
	[sflag:s16] =	ssyncset.done $0x0  }
.LBB2_2:
0x36: {  	s28 =	sadd.s32 s25, s14  }
0x37: {  	[sflag:s16] =	ssyncadd.s32 $0xFFFFD800;
	s29 =	smov.u32 s26;
	s30 =	sadd.s32 $0xA, s26  }
0x38: {  	[tilespmem:s5], [sflag:$0x1] =	stream.linear.gather [hbm4b:s28+s5], $0x50, $0x38;
	[tilespmem:$0x1B900] =	vst v63  }
0x39: {  	p0 =	sne.s32 s26, $0x4D8;
	_ =	swait.ge [sflag:s16], $0x50  }
0x3a: {  	[sflag:s16] =	ssyncset.done $0x0  }
0x3b: {  	s26 =	sadd.s32 s25, s13;
	s25 =	smov.u32 s29;
	[sflag:s16] =	ssyncadd.s32 $0xFFFFFFB0  }
0x3c: {  	[tilespmem:s18], [sflag:$0x1] =	stream.linear.gather [hbm4b:s26+s5], $0x50, $0x38;
	[tilespmem:$0x1B900] =	vst v63  }
0x3d: {  	_ =	swait.ge [sflag:s16], $0x50  }
0x3e: {  	[sflag:s16] =	ssyncset.done $0x0  }
0x3f: {  	[sflag:s16] =	ssyncadd.s32 $0xFFFFFFB0  }
0x40: {  	[tilespmem:s19], [sflag:$0x1] =	stream.linear.gather [hbm4b:s24+s5], $0x2800, $0x38;
	[tilespmem:$0x1B900] =	vst v63  }
0x41: {  	_ =	swait.ge [sflag:s16], $0x2800  }
0x42: {  	[sflag:s16] =	ssyncset.done $0x0  }
0x43: {  	[sflag:s16] =	ssyncadd.s32 $0xFFFFD800  }
0x44: {  	[tilespmem:s20], [sflag:$0x1] =	stream.linear.gather [hbm4b:s23+s5], $0x2800, $0x38;
	[tilespmem:$0x1B900] =	vst v63  }
0x45: {  	_ =	swait.ge [sflag:s16], $0x2800  }
0x46: {  	[sflag:s16] =	ssyncset.done $0x0  }
0x47: {  	[sflag:s16] =	ssyncadd.s32 $0xFFFFD800  }
0x48: {  	[spmem:s3] =	stream.indirect.scatter.add.f32 [tilespmem:s19], [sflag:$0x1], $0x80, s5, s21, $0xb8;
	[tilespmem:$0x1B900] =	vst v63  }
0x49: {  	_ =	swait.ge [sflag:s16], $0x2800  }
.Ltmp0:
0x4a: {  	[sflag:s16] =	ssyncset.done $0x0;
	(pc) =	sbr.rel @p0 .LBB2_2-.Ltmp0, $4  }
0x4b: {  	[sflag:s16] =	ssyncadd.s32 $0xFFFFD800  }
0x4c: {  	[spmem:s4] =	stream.indirect.scatter.add.f32 [tilespmem:s20], [sflag:$0x1], $0x80, s18, s21, $0xb8;
	[tilespmem:$0x1B900] =	vst v63  }
0x4d: {  	s26 =	smov.u32 s30;
	_ =	swait.ge [sflag:s16], $0x2800  }
0x4e: {  	s24 =	sadd.s32 $0x500, s24;
	s23 =	sadd.s32 $0x500, s23;
	[sflag:s16] =	ssyncset.done $0x0  }
0x4f: {  	s26 =	sadd.s32 s25, s14;
	[sflag:s16] =	ssyncadd.s32 $0xFFFFD800  }
0x50: {  	[tilespmem:s5], [sflag:$0x1] =	stream.linear.gather [hbm4b:s26+s5], $0x50, $0x38;
	[tilespmem:$0x1B900] =	vst v63  }
0x51: {  	_ =	swait.ge [sflag:s16], $0x50  }
0x52: {  	[sflag:s16] =	ssyncset.done $0x0  }
0x53: {  	s31 =	sadd.s32 s25, s13;
	[sflag:s16] =	ssyncadd.s32 $0xFFFFFFB0  }
0x54: {  	[tilespmem:s18], [sflag:$0x1] =	stream.linear.gather [hbm4b:s31+s5], $0x50, $0x38;
	[tilespmem:$0x1B900] =	vst v63  }
0x55: {  	_ =	swait.ge [sflag:s16], $0x50  }
0x56: {  	[sflag:s16] =	ssyncset.done $0x0  }
0x57: {  	[sflag:s16] =	ssyncadd.s32 $0xFFFFFFB0  }
0x58: {  	[tilespmem:s19], [sflag:$0x1] =	stream.linear.gather [hbm4b:s24+s5], $0x2800, $0x38;
	[tilespmem:$0x1B900] =	vst v63  }
0x59: {  	_ =	swait.ge [sflag:s16], $0x2800  }
0x5a: {  	[sflag:s16] =	ssyncset.done $0x0  }
0x5b: {  	[sflag:s16] =	ssyncadd.s32 $0xFFFFD800  }
0x5c: {  	[tilespmem:s20], [sflag:$0x1] =	stream.linear.gather [hbm4b:s23+s5], $0x2800, $0x38;
	[tilespmem:$0x1B900] =	vst v63  }
0x5d: {  	_ =	swait.ge [sflag:s16], $0x2800  }
0x5e: {  	[sflag:s16] =	ssyncset.done $0x0  }
0x5f: {  	[sflag:s16] =	ssyncadd.s32 $0xFFFFD800  }
0x60: {  	[spmem:s3] =	stream.indirect.scatter.add.f32 [tilespmem:s19], [sflag:$0x1], $0x80, s5, s21, $0xb8;
	[tilespmem:$0x1B900] =	vst v63  }
0x61: {  	_ =	swait.ge [sflag:s16], $0x2800  }
0x62: {  	[sflag:s16] =	ssyncset.done $0x0  }
0x63: {  	[sflag:s16] =	ssyncadd.s32 $0xFFFFD800  }
0x64: {  	[spmem:s4] =	stream.indirect.scatter.add.f32 [tilespmem:s20], [sflag:$0x1], $0x80, s18, s21, $0xb8;
	[tilespmem:$0x1B900] =	vst v63  }
0x65: {  	_ =	swait.ge [sflag:s16], $0x2800  }
0x66: {  	[sflag:s16] =	ssyncset.done $0x0  }
0x67: {  	[sflag:s16] =	ssyncadd.s32 $0xFFFFD800  }
0x68: {  	[bflag:$0x0] =	sbarrier.arrive $0xFFFF  }
0x69: {  	[hbm:s8], [sflag:s7] =	dma.local [spmem:s15], $0x2800  }
0x6a: {  	s22 =	sadd.s32 $0x1, s22;
	_ =	swait.ge [sflag:s16], $0x2800  }
0x6b: {  	p0 =	sne.s32 s22, s11;
	[sflag:s16] =	ssyncset.done $0x0  }
.Ltmp1:
0x6c: {  	[sflag:s16] =	ssyncadd.s32 $0xFFFFD800;
	(pc) =	sbr.rel @p0 .LBB2_1-.Ltmp1, $4  }
0x6d: {  	[hbm:s9], [sflag:s7] =	dma.local [spmem:s17], $0x500  }
0x6e: {  	_ =	swait.ge [sflag:s16], $0x500  }
0x6f: {  	[sflag:s16] =	ssyncset.done $0x0  }
0x70: {  	[sflag:s16] =	ssyncadd.s32 $0xFFFFFB00  }
0x71: {  	_ =	sfence.sel $0x180000  }
0x72: {  	[bflag:$0x0] =	sbarrier.arrive $0xFFFF  }
0x73: {  	p0 =	sne.s32 s0, $0x0;
	_ =	strace $0x9000004A  }
0x74: {  	s0 =	sadd.s32 @!p0 $0x100000, s2;
	[bflag:$0x2] =	sbarrier.arrive $0xFFFF  }
0x75: {  	[sflag:s0] =	ssyncadd.tile.s32 @!p0 $0x1;
	_ =	shalt  }
.Lfunc_end2:
_tile_overlayer_lowered:
.L_overlay_start_2:
0x76: {  	(tag) =	ssettag $0x2  }
0x77: {  	s0 =	rddreg [dreg:$0x0];
	s2 =	stileid.u32  }
0x78: {  	s1 =	rddreg [dreg:$0x1];
	p0 =	sne.s32 s2, $0x0  }
0x79: {  	s3 =	rddreg [dreg:$0x2];
	[bflag:$0x3] =	sbarrier.arrive $0xFFFF;
	s2 =	simm.s32 @!p0 $0x1C01  }
0x7a: {  	[timem:s3], [sflag:s2] =	dma.local @!p0 [hbm:s0], s1  }
0x7b: {  	s0 =	simm.s32 @!p0 $0x1  }
0x7c: {  	_ =	swait.ge @!p0 [sflag:s0], s1  }
0x7d: {  	s1 =	ssub.s32 @!p0 $0x0, s1;
	[sflag:s0] =	ssyncset.done @!p0 $0x0  }
0x7e: {  	[sflag:s0] =	ssyncadd.s32 @!p0 s1  }
0x7f: {  	[bflag:$0x3] =	sbarrier.arrive $0xFFFF  }
0x80: {  	_ =	shalt  }

// kernel: kernel.19.cloned.1.call-start
scs
__scs_entry_jumppad:
0x0: {  	(pc) =	sbr.rel $0x88, $3  }
0x1: {  	(tag) =	ssettag $0x0;
	lr =	simm.s32 $0x1  }
0x2: {  	[smem:$0x3F84] =	sst lr;
	_ =	strace $0xD0000000  }
0x3: {  	_ = 	snop  }
0x4: {  	_ = 	snop  }
0x5: {  	_ = 	snop  }
0x6: {  	_ = 	snop  }
0x7: {  	_ = 	snop  }
__scs_overlays_trampoline_lowered:
0x8: {  	[smem:$0x3F93] =	sst s0  }
0x9: {  	[smem:$0x3F94] =	sst s1  }
0xa: {  	[smem:$0x3F95] =	sst s2  }
0xb: {  	[smem:$0x3F96] =	sst s3  }
0xc: {  	[smem:$0x3F97] =	sst s4  }
0xd: {  	[smem:$0x3F98] =	sst s5  }
0xe: {  	[smem:$0x3F99] =	sst s6  }
0xf: {  	[smem:$0x3F9A] =	sst s7  }
0x10: {  	[smem:$0x3F9B] =	sst s8  }
0x11: {  	[smem:$0x3F9C] =	sst s9;
	s0 =	simm.s32 @!p0 $0x0  }
0x12: {  	s1 =	sld [smem:$0x3F82];
	s0 =	simm.s32 @p0 $0x1  }
0x13: {  	[smem:$0x3F9D] =	sst s0;
	s0 =	simm.s32 @!p1 $0x0  }
0x14: {  	s2 =	sld [smem:$0x3F81];
	s0 =	simm.s32 @p1 $0x1  }
0x15: {  	[smem:$0x3F9E] =	sst s0;
	s0 =	simm.s32 @!p2 $0x0  }
0x16: {  	s3 =	sld [smem:$0x3FDB];
	s0 =	simm.s32 @p2 $0x1  }
0x17: {  	s4 =	simm.s32 $0x1BF5;
	[smem:$0x3FA0] =	sst s0  }
0x18: {  	s0 =	sld [smem:$0x3F83];
	_ =	swait.ge [sflag:s4], $0x0  }
0x19: {  	s7 =	sld [smem:$0x3F84]  }
0x1a: {  	s8 =	sadd.s32 $0xFFFFE003, lr  }
0x1b: {  	s9 =	sadd.s32 $0xFFFFFEF7, lr;
	s5 =	simm.s32 $0xFFFFFFFF;
	p2 =	slt.u32 s8, $0xFFFFF086  }
0x1c: {  	p1 =	slt.u32 s9, $0xF7A;
	s5 =	simm.s32 @!p2 $0x0  }
0x1d: {  	s5 =	simm.s32 @p1 $0x1;
	p0 =	seq.s32 s7, s2  }
0x1e: {  	s7 =	smul.u32 @!p0 $0xF7A, s2;
	p2 =	seq.s32 @!p0 s5, $0x0  }
0x1f: {  	s9 =	smul.u32 $0xF7A, s1;
	s8 =	simm.s32 @!p0 $0x1BF5;
	p2 =	por !p2, p0  }
0x20: {  	[sflag:s8] =	ssyncset.s32 @!p0 $0xFFFFF086;
	s6 =	sadd.s32 @!p0 s3, s7;
	s7 =	simm.s32 @!p0 $0x108  }
0x21: {  	s3 =	sadd.s32 s3, s9;
	s6 =	sadd.s32 @!p0 $0x88, s6;
	s7 =	simm.s32 @p2 $0x1082  }
0x22: {  	[simem:s7], [sflag:s8] =	dma.local @!p0 [hbm:s6], $0xF7A  }
0x23: {  	s9 =	sor.u32 $0xD0000000, s2;
	s6 =	simm.s32 $0x108;
	_ =	swait.ge @!p0 [sflag:s8], $0x0  }
0x24: {  	s3 =	sadd.s32 $0x88, s3;
	s6 =	simm.s32 @!p1 $0x1082;
	[sflag:s4] =	ssyncset.s32 $0xFFFFF086  }
0x25: {  	[simem:s6], [sflag:s4] =	dma.local [hbm:s3], $0xF7A  }
0x26: {  	[smem:$0x3F84] =	sst s1;
	(tag) =	ssettag s2;
	_ =	strace s9  }
0x27: {  	s1 =	sld [smem:$0x3F94]  }
0x28: {  	s2 =	sld [smem:$0x3F95]  }
0x29: {  	s4 =	sld [smem:$0x3F97]  }
0x2a: {  	p0 =	seq.s32 s5, $0x0;
	s5 =	sld [smem:$0x3F98]  }
0x2b: {  	s6 =	sld [smem:$0x3F99]  }
0x2c: {  	s7 =	sld [smem:$0x3F9A]  }
0x2d: {  	s3 =	simm.s32 $0x108;
	s8 =	sld [smem:$0x3F9B]  }
0x2e: {  	s3 =	simm.s32 @!p0 $0x1082;
	s9 =	sld [smem:$0x3F9C]  }
0x2f: {  	lr =	sadd.s32 s0, s3;
	s0 =	sld [smem:$0x3F93]  }
0x30: {  	s3 =	sld [smem:$0x3F96]  }
0x31: {  	[smem:$0x3F9F] =	sst s10  }
0x32: {  	s10 =	sld [smem:$0x3F9D];
	_ =	sdelay $0x3  }
0x33: {  	p0 =	seq.s32 s10, $0x1;
	s10 =	sld [smem:$0x3F9F];
	_ =	sdelay $0x3  }
0x34: {  	[smem:$0x3F9F] =	sst s10  }
0x35: {  	s10 =	sld [smem:$0x3F9E];
	_ =	sdelay $0x3  }
0x36: {  	p1 =	seq.s32 s10, $0x1;
	s10 =	sld [smem:$0x3F9F];
	_ =	sdelay $0x3  }
0x37: {  	[smem:$0x3F9F] =	sst s10  }
0x38: {  	s10 =	sld [smem:$0x3FA0]  }
0x39: {  	_ = 	snop;
	(pc) =	sbr.ind lr, $3  }
0x3a: {  	_ = 	snop  }
0x3b: {  	_ = 	snop  }
0x3c: {  	p2 =	seq.s32 s10, $0x1;
	s10 =	sld [smem:$0x3F9F]  }
0x3d: {  	_ =	shalt  }
0x3e: {  	_ =	shalt  }
0x3f: {  	_ =	shalt  }
0x40: {  	_ =	shalt  }
0x41: {  	_ =	shalt  }
0x42: {  	_ =	shalt  }
0x43: {  	_ =	shalt  }
0x44: {  	_ =	shalt  }
0x45: {  	_ =	shalt  }
0x46: {  	_ =	shalt  }
0x47: {  	_ =	shalt  }
0x48: {  	_ =	shalt  }
0x49: {  	_ =	shalt  }
0x4a: {  	_ =	shalt  }
0x4b: {  	_ =	shalt  }
0x4c: {  	_ =	shalt  }
0x4d: {  	_ =	shalt  }
0x4e: {  	_ =	shalt  }
0x4f: {  	_ =	shalt  }
0x50: {  	_ =	shalt  }
0x51: {  	_ =	shalt  }
0x52: {  	_ =	shalt  }
0x53: {  	_ =	shalt  }
0x54: {  	_ =	shalt  }
0x55: {  	_ =	shalt  }
0x56: {  	_ =	shalt  }
0x57: {  	_ =	shalt  }
0x58: {  	_ =	shalt  }
0x59: {  	_ =	shalt  }
0x5a: {  	_ =	shalt  }
0x5b: {  	_ =	shalt  }
0x5c: {  	_ =	shalt  }
0x5d: {  	_ =	shalt  }
0x5e: {  	_ =	shalt  }
0x5f: {  	_ =	shalt  }
0x60: {  	_ =	shalt  }
0x61: {  	_ =	shalt  }
0x62: {  	_ =	shalt  }
0x63: {  	_ =	shalt  }
0x64: {  	_ =	shalt  }
0x65: {  	_ =	shalt  }
0x66: {  	_ =	shalt  }
0x67: {  	_ =	shalt  }
0x68: {  	_ =	shalt  }
0x69: {  	_ =	shalt  }
0x6a: {  	_ =	shalt  }
0x6b: {  	_ =	shalt  }
0x6c: {  	_ =	shalt  }
0x6d: {  	_ =	shalt  }
0x6e: {  	_ =	shalt  }
0x6f: {  	_ =	shalt  }
0x70: {  	_ =	shalt  }
0x71: {  	_ =	shalt  }
0x72: {  	_ =	shalt  }
0x73: {  	_ =	shalt  }
0x74: {  	_ =	shalt  }
0x75: {  	_ =	shalt  }
0x76: {  	_ =	shalt  }
0x77: {  	_ =	shalt  }
0x78: {  	_ =	shalt  }
0x79: {  	_ =	shalt  }
0x7a: {  	_ =	shalt  }
0x7b: {  	_ =	shalt  }
0x7c: {  	_ =	shalt  }
0x7d: {  	_ =	shalt  }
0x7e: {  	_ =	shalt  }
0x7f: {  	_ =	shalt  }
0x80: {  	_ =	shalt  }
0x81: {  	_ =	shalt  }
0x82: {  	_ =	shalt  }
0x83: {  	_ =	shalt  }
0x84: {  	_ =	shalt  }
0x85: {  	_ =	shalt  }
0x86: {  	_ =	shalt  }
0x87: {  	_ =	shalt  }
.Lfunc_end0:
.L_simem_size_0:
called_computation.2_lowered:
.L_overlay_start_0:
0x88: {  	s2 =	sld [smem:$0x3FD9]  }
0x89: {  	s3 =	sld [smem:$0x3FFE];
	_ =	sdelay $0x1  }
0x8a: {  	s1 =	srdreg.scid  }
0x8b: {  	s0 =	sand.u32 $0x1, s1  }
0x8c: {  	s14 =	sshll.u32 s0, $0xA;
	s2 =	sadd.s32 s3, s2  }
0x8d: {  	s2 =	sadd.s32 s2, s14  }
0x8e: {  	[smem:$0x3FAB] =	sst s2  }
0x8f: {  	_ = 	snop  }
0x90: {  	s2 =	sld [smem:$0x3FD0];
	_ =	sdelay $0x2  }
0x91: {  	s15 =	simm.s32 $0xA;
	s4 =	simm.s32 $0x10  }
0x92: {  	[smem:s4], [sflag:s15] =	dma.local [hbm:s2], $0x1  }
0x93: {  	_ =	swait.eq [sflag:s15], $0x1  }
0x94: {  	[sflag:s15] =	ssyncset.done $0x0  }
0x95: {  	[sflag:s15] =	ssyncadd.s32 $0xFFFFFFFF  }
0x96: {  	s16 =	sld [smem:$0x11];
	(tm) =	ssettm $0x1  }
0x97: {  	s17 =	sld [smem:$0x3FFB];
	_ =	sdelay $0x3  }
0x98: {  	_ =	strace s17  }
0x99: {  	s3 =	sld [smem:$0x3FFC];
	_ =	sdelay $0x3  }
0x9a: {  	_ =	strace s3  }
0x9b: {  	s3 =	sld [smem:$0x3FFD];
	_ =	sdelay $0x3  }
0x9c: {  	_ =	strace s3  }
0x9d: {  	_ =	strace $0x8FFFFFFF  }
0x9e: {  	s18 =	sld [smem:$0x3FDB];
	_ =	sdelay $0x1  }
0x9f: {  	s19 =	simm.s32 $_scs_section_size  }
0xa0: {  	s5 =	simm.s32 $_size__tile_overlayer_lowered;
	s6 =	simm.s32 $_tile_overlayer_lowered  }
0xa1: {  	s22 =	simm.s32 $0x1BFF;
	s21 =	sshll.u32 s6, $0x1;
	s3 =	sadd.s32 s19, s18  }
0xa2: {  	s7 =	simm.s32 $0x0;
	s20 =	sshll.u32 s5, $0x1;
	s5 =	sadd.s32 s21, s3  }
0xa3: {  	[timem:s7], [sflag:s22] =	dma.local [hbm:s5], s20  }
0xa4: {  	_ =	swait.ge [sflag:s22], s20  }
0xa5: {  	s4 =	ssub.s32 $0x0, s20;
	[sflag:s22] =	ssyncset.done $0x0  }
0xa6: {  	[sflag:s22] =	ssyncadd.s32 s4;
	_ =	sdelay $0x1  }
0xa7: {  	s23 =	simm.s32 $0x1B8B  }
0xa8: {  	_ =	swait.ge [sflag:s23], $0x1  }
0xa9: {  	[sflag:s23] =	ssyncset.done $0x0  }
0xaa: {  	s25 =	simm.s32 $0x1B8E;
	s24 =	sld [smem:$0x3FFE];
	[sflag:s23] =	ssyncadd.s32 $0xFFFFFFFF  }
0xab: {  	s26 =	simm.s32 $execute0_lowered;
	[smem:$0x3FD2] =	sst s25  }
0xac: {  	s5 =	sshll.u32 s26, $0x1;
	_ =	strace $0x8000004C;
	[dreg:$0x1] =	wrdreg $0xFFFFFFFF  }
0xad: {  	s28 =	simm.s32 $_size_execute0_lowered;
	s3 =	sadd.s32 s3, s5;
	[dreg:$0x0] =	wrdreg $0x0  }
0xae: {  	s5 =	sshll.u32 s28, $0x1;
	[dreg:$0x2] =	wrdreg s3  }
0xaf: {  	[dreg:$0x3] =	wrdreg s5  }
0xb0: {  	[dreg:$0x4] =	wrdreg $0xC0  }
0xb1: {  	_ =	task [dreg:s7], $0x5FFFF  }
0xb2: {  	[dreg:$0x1] =	wrdreg $0xFFFFFFFF  }
0xb3: {  	[dreg:$0x0] =	wrdreg $0x60  }
0xb4: {  	[dreg:$0x2] =	wrdreg s16  }
0xb5: {  	[dreg:$0x3] =	wrdreg s24  }
0xb6: {  	[dreg:$0x4] =	wrdreg $0x9  }
0xb7: {  	_ =	task.clear_ibuf [dreg:s7], $0x5FFFF;
	_ =	strace $0x9000004C  }
0xb8: {  	s29 =	simm.s32 $0x9;
	_ =	strace $0x8000004E  }
0xb9: {  	_ =	swait.ge [sflag:s29], $0x1  }
0xba: {  	[sflag:s29] =	ssyncadd.s32 $0xFFFFFFFF  }
0xbb: {  	_ =	strace $0x9000004E  }
0xbc: {  	_ =	sfence  }
0xbd: {  	s30 =	sld [smem:$0x0];
	_ =	sdelay $0x2  }
0xbe: {  	s31 =	sshll.u32 s1, $0xD;
	s1 =	sshrl.u32 s1, $0x2  }
0xbf: {  	s3 =	sand.u32 $0x4000, s31;
	s1 =	sadd.s32 s1, s30  }
0xc0: {  	s0 =	sor.u32 s3, s0;
	s1 =	sshll.u32 s1, $0x11  }
0xc1: {  	s0 =	sor.u32 s1, s0  }
0xc2: {  	s0 =	sadd.s32 $0x8F2B, s0  }
0xc3: {  	[sflag:s0] =	ssyncadd.remote.s32 $0x1  }
0xc4: {  	_ =	sfence.sel $0xFFFF  }
0xc5: {  	[dreg:$0x0] =	wrdreg $0xFFFFFFFF;
	(pc) =	sbr.abs _section_cstart, $3  }
0xc6: {  	[dreg:$0x1] =	wrdreg $0xFFFFFFFF  }
0xc7: {  	_ =	task.clear_ibuf [dreg:s7], $0x2FFFF;
	_ =	strace $0x9FFFFFFF  }
0xc8: {  	(tm) =	ssettm $0x7FFFFFFF  }
0xc9: {  	_ =	shalt  }
tec
execute0_lowered:
.L_overlay_start_1:
0x0: {  	(tag) =	ssettag $0x1  }
0x1: {  	s1 =	rddreg [dreg:$0x0]  }
0x2: {  	s5 =	rddreg [dreg:$0x1]  }
0x3: {  	s0 =	rddreg [dreg:$0x2];
	s3 =	simm.s32 $0x0;
	s4 =	srdreg.scid  }
0x4: {  	s2 =	stileid.u32;
	s11 =	simm.s32 $0x80;
	s12 =	simm.s32 $0x50  }
0x5: {  	s13 =	simm.s32 $0x100;
	s14 =	simm.s32 $0x2900;
	s15 =	simm.s32 $0x1  }
0x6: {  	s16 =	simm.s32 $0x2;
	s17 =	simm.s32 $0x0;
	s7 =	smul.u32 $0x4E20, s2  }
0x7: {  	[smem:$0x7FF] =	sst s3;
	s6 =	sand.u32 $0x1, s4;
	s9 =	smul.u32 $0x4E200, s2  }
0x8: {  	s4 =	sadd.s32 $0x1DA00, s5;
	s8 =	smul.u32 $0x2710, s6;
	s10 =	ssub.s32 $0x2, s6  }
0x9: {  	_ =	strace $0x8000004D;
	s6 =	smul.u32 $0x27100, s6;
	s29 =	sshrl.u32 s10, $0x1  }
0xa: {  	s9 =	sadd.s32 s9, s5;
	s7 =	sadd.s32 s8, s7;
	s8 =	ssub.s32 s10, s29  }
0xb: {  	s31 =	sadd.s32 s6, s9;
	s10 =	simm.s32 $0x3;
	s7 =	sshrl.u32 s7, $0x3  }
0xc: {  	s6 =	sadd.s32 $0x44C00, s31;
	s30 =	sadd.s32 s7, s5;
	s5 =	smax.u32 s8, $0x1  }
0xd: {  	s7 =	sadd.s32 $0xA10200, s31;
	s8 =	sadd.s32 $0x7600, s30;
	s9 =	sadd.s32 $0x11400, s30  }
.LBB2_1:
0xe: {  	s18 =	sadd.s32 $0x0, s9  }
0xf: {  	[tilespmem:s3], [sflag:$0x3] =	stream.linear.gather [hbm4b:s18+s3], $0x50, $0x38;
	[tilespmem:$0x5100] =	vst v63  }
0x10: {  	_ =	swait.ge [sflag:s10], $0x50  }
0x11: {  	[sflag:s10] =	ssyncset.done $0x0  }
0x12: {  	s31 =	sadd.s32 $0x0, s8;
	[sflag:s10] =	ssyncadd.s32 $0xFFFFFFB0  }
0x13: {  	[tilespmem:s11], [sflag:$0x3] =	stream.linear.gather [hbm4b:s31+s3], $0x50, $0x38;
	[tilespmem:$0x5100] =	vst v63  }
0x14: {  	_ =	swait.ge [sflag:s10], $0x50  }
0x15: {  	[sflag:s10] =	ssyncset.done $0x0  }
0x16: {  	[sflag:s10] =	ssyncadd.s32 $0xFFFFFFB0  }
0x17: {  	[tilespmem:s13], [sflag:$0x1] =	stream.indirect.gather [hbm4b:s1+s12], $0x80, s3, s12, $0xb8;
	[tilespmem:$0x5100] =	vst v63  }
0x18: {  	_ = 	snop  }
0x19: {  	[tilespmem:s14], [sflag:$0x2] =	stream.indirect.gather [hbm4b:s4+s12], $0x80, s11, s12, $0xb8;
	[tilespmem:$0x5100] =	vst v63  }
0x1a: {  	_ =	swait.ge [sflag:s15], $0x2800  }
0x1b: {  	[sflag:s15] =	ssyncset.done $0x0  }
0x1c: {  	[sflag:s15] =	ssyncadd.s32 $0xFFFFD800  }
0x1d: {  	_ =	swait.ge [sflag:s16], $0x2800  }
0x1e: {  	[sflag:s16] =	ssyncset.done $0x0  }
0x1f: {  	[sflag:s16] =	ssyncadd.s32 $0xFFFFD800  }
0x20: {  	[hbm4b:s6+s3] =	stream.linear.scatter [tilespmem:s13], [sflag:$0x3], $0x2800, $0x38;
	[tilespmem:$0x5100] =	vst v63  }
0x21: {  	_ =	swait.ge [sflag:s10], $0x2800  }
0x22: {  	[sflag:s10] =	ssyncset.done $0x0  }
0x23: {  	[sflag:s10] =	ssyncadd.s32 $0xFFFFD800  }
0x24: {  	[hbm4b:s7+s3] =	stream.linear.scatter [tilespmem:s14], [sflag:$0x3], $0x2800, $0x38;
	[tilespmem:$0x5100] =	vst v63  }
0x25: {  	s20 =	simm.s32 $0xA;
	s21 =	simm.s32 $0x14;
	_ =	swait.ge [sflag:s10], $0x2800  }
0x26: {  	s19 =	sadd.s32 $0x500, s6;
	s18 =	sadd.s32 $0x500, s7;
	[sflag:s10] =	ssyncset.done $0x0  }
.LBB2_2:
0x27: {  	s22 =	sadd.s32 s20, s9  }
0x28: {  	[sflag:s10] =	ssyncadd.s32 $0xFFFFD800;
	s23 =	smov.u32 s21;
	s24 =	sadd.s32 $0xA, s21  }
0x29: {  	[tilespmem:s3], [sflag:$0x3] =	stream.linear.gather [hbm4b:s22+s3], $0x50, $0x38;
	[tilespmem:$0x5100] =	vst v63  }
0x2a: {  	p0 =	sne.s32 s21, $0x4D8;
	_ =	swait.ge [sflag:s10], $0x50  }
0x2b: {  	[sflag:s10] =	ssyncset.done $0x0  }
0x2c: {  	s21 =	sadd.s32 s20, s8;
	s20 =	smov.u32 s23;
	[sflag:s10] =	ssyncadd.s32 $0xFFFFFFB0  }
0x2d: {  	[tilespmem:s11], [sflag:$0x3] =	stream.linear.gather [hbm4b:s21+s3], $0x50, $0x38;
	[tilespmem:$0x5100] =	vst v63  }
0x2e: {  	_ =	swait.ge [sflag:s10], $0x50  }
0x2f: {  	[sflag:s10] =	ssyncset.done $0x0  }
0x30: {  	[sflag:s10] =	ssyncadd.s32 $0xFFFFFFB0  }
0x31: {  	[tilespmem:s13], [sflag:$0x1] =	stream.indirect.gather [hbm4b:s1+s12], $0x80, s3, s12, $0xb8;
	[tilespmem:$0x5100] =	vst v63  }
0x32: {  	_ = 	snop  }
0x33: {  	[tilespmem:s14], [sflag:$0x2] =	stream.indirect.gather [hbm4b:s4+s12], $0x80, s11, s12, $0xb8;
	[tilespmem:$0x5100] =	vst v63  }
0x34: {  	_ =	swait.ge [sflag:s15], $0x2800  }
0x35: {  	[sflag:s15] =	ssyncset.done $0x0  }
0x36: {  	[sflag:s15] =	ssyncadd.s32 $0xFFFFD800  }
0x37: {  	_ =	swait.ge [sflag:s16], $0x2800  }
0x38: {  	[sflag:s16] =	ssyncset.done $0x0  }
0x39: {  	[sflag:s16] =	ssyncadd.s32 $0xFFFFD800  }
0x3a: {  	[hbm4b:s19+s3] =	stream.linear.scatter [tilespmem:s13], [sflag:$0x3], $0x2800, $0x38;
	[tilespmem:$0x5100] =	vst v63  }
0x3b: {  	_ =	swait.ge [sflag:s10], $0x2800  }
.Ltmp0:
0x3c: {  	[sflag:s10] =	ssyncset.done $0x0;
	(pc) =	sbr.rel @p0 .LBB2_2-.Ltmp0, $4  }
0x3d: {  	[sflag:s10] =	ssyncadd.s32 $0xFFFFD800  }
0x3e: {  	[hbm4b:s18+s3] =	stream.linear.scatter [tilespmem:s14], [sflag:$0x3], $0x2800, $0x38;
	[tilespmem:$0x5100] =	vst v63  }
0x3f: {  	s21 =	smov.u32 s24;
	_ =	swait.ge [sflag:s10], $0x2800  }
0x40: {  	s19 =	sadd.s32 $0x500, s19;
	s18 =	sadd.s32 $0x500, s18;
	[sflag:s10] =	ssyncset.done $0x0  }
0x41: {  	s21 =	sadd.s32 s20, s9;
	[sflag:s10] =	ssyncadd.s32 $0xFFFFD800  }
0x42: {  	[tilespmem:s3], [sflag:$0x3] =	stream.linear.gather [hbm4b:s21+s3], $0x50, $0x38;
	[tilespmem:$0x5100] =	vst v63  }
0x43: {  	_ =	swait.ge [sflag:s10], $0x50  }
0x44: {  	[sflag:s10] =	ssyncset.done $0x0  }
0x45: {  	s31 =	sadd.s32 s20, s8;
	[sflag:s10] =	ssyncadd.s32 $0xFFFFFFB0  }
0x46: {  	[tilespmem:s11], [sflag:$0x3] =	stream.linear.gather [hbm4b:s31+s3], $0x50, $0x38;
	[tilespmem:$0x5100] =	vst v63  }
0x47: {  	_ =	swait.ge [sflag:s10], $0x50  }
0x48: {  	[sflag:s10] =	ssyncset.done $0x0  }
0x49: {  	[sflag:s10] =	ssyncadd.s32 $0xFFFFFFB0  }
0x4a: {  	[tilespmem:s13], [sflag:$0x1] =	stream.indirect.gather [hbm4b:s1+s12], $0x80, s3, s12, $0xb8;
	[tilespmem:$0x5100] =	vst v63  }
0x4b: {  	_ = 	snop  }
0x4c: {  	[tilespmem:s14], [sflag:$0x2] =	stream.indirect.gather [hbm4b:s4+s12], $0x80, s11, s12, $0xb8;
	[tilespmem:$0x5100] =	vst v63  }
0x4d: {  	_ =	swait.ge [sflag:s15], $0x2800  }
0x4e: {  	[sflag:s15] =	ssyncset.done $0x0  }
0x4f: {  	[sflag:s15] =	ssyncadd.s32 $0xFFFFD800  }
0x50: {  	_ =	swait.ge [sflag:s16], $0x2800  }
0x51: {  	[sflag:s16] =	ssyncset.done $0x0  }
0x52: {  	[sflag:s16] =	ssyncadd.s32 $0xFFFFD800  }
0x53: {  	[hbm4b:s19+s3] =	stream.linear.scatter [tilespmem:s13], [sflag:$0x3], $0x2800, $0x38;
	[tilespmem:$0x5100] =	vst v63  }
0x54: {  	s17 =	sadd.s32 $0x1, s17;
	_ =	swait.ge [sflag:s10], $0x2800  }
0x55: {  	p0 =	sne.s32 s17, s5;
	[sflag:s10] =	ssyncset.done $0x0  }
.Ltmp1:
0x56: {  	[sflag:s10] =	ssyncadd.s32 $0xFFFFD800;
	(pc) =	sbr.rel @p0 .LBB2_1-.Ltmp1, $4  }
0x57: {  	[hbm4b:s18+s3] =	stream.linear.scatter [tilespmem:s14], [sflag:$0x3], $0x2800, $0x38;
	[tilespmem:$0x5100] =	vst v63  }
0x58: {  	_ =	swait.ge [sflag:s10], $0x2800  }
0x59: {  	[sflag:s10] =	ssyncset.done $0x0  }
0x5a: {  	[sflag:s10] =	ssyncadd.s32 $0xFFFFD800  }
0x5b: {  	_ =	sfence.sel $0x180000  }
0x5c: {  	[bflag:$0x0] =	sbarrier.arrive $0xFFFF  }
0x5d: {  	p0 =	sne.s32 s2, $0x0;
	_ =	strace $0x9000004D  }
0x5e: {  	s0 =	sadd.s32 @!p0 $0x100000, s0;
	[bflag:$0x2] =	sbarrier.arrive $0xFFFF  }
0x5f: {  	[sflag:s0] =	ssyncadd.tile.s32 @!p0 $0x1;
	_ =	shalt  }
.Lfunc_end2:
_tile_overlayer_lowered:
.L_overlay_start_2:
0x60: {  	(tag) =	ssettag $0x2  }
0x61: {  	s0 =	rddreg [dreg:$0x0];
	s2 =	stileid.u32  }
0x62: {  	s1 =	rddreg [dreg:$0x1];
	p0 =	sne.s32 s2, $0x0  }
0x63: {  	s3 =	rddreg [dreg:$0x2];
	[bflag:$0x3] =	sbarrier.arrive $0xFFFF;
	s2 =	simm.s32 @!p0 $0x1C03  }
0x64: {  	[timem:s3], [sflag:s2] =	dma.local @!p0 [hbm:s0], s1  }
0x65: {  	s0 =	simm.s32 @!p0 $0x3  }
0x66: {  	_ =	swait.ge @!p0 [sflag:s0], s1  }
0x67: {  	s1 =	ssub.s32 @!p0 $0x0, s1;
	[sflag:s0] =	ssyncset.done @!p0 $0x0  }
0x68: {  	[sflag:s0] =	ssyncadd.s32 @!p0 s1  }
0x69: {  	[bflag:$0x3] =	sbarrier.arrive $0xFFFF  }
0x6a: {  	_ =	shalt  }

// kernel: kernel.22.cloned.1.call-start
scs
__scs_entry_jumppad:
0x0: {  	(pc) =	sbr.rel $0x88, $3  }
0x1: {  	(tag) =	ssettag $0x0;
	lr =	simm.s32 $0x1  }
0x2: {  	[smem:$0x3F84] =	sst lr;
	_ =	strace $0xD0000000  }
0x3: {  	_ = 	snop  }
0x4: {  	_ = 	snop  }
0x5: {  	_ = 	snop  }
0x6: {  	_ = 	snop  }
0x7: {  	_ = 	snop  }
__scs_overlays_trampoline_lowered:
0x8: {  	[smem:$0x3F93] =	sst s0  }
0x9: {  	[smem:$0x3F94] =	sst s1  }
0xa: {  	[smem:$0x3F95] =	sst s2  }
0xb: {  	[smem:$0x3F96] =	sst s3  }
0xc: {  	[smem:$0x3F97] =	sst s4  }
0xd: {  	[smem:$0x3F98] =	sst s5  }
0xe: {  	[smem:$0x3F99] =	sst s6  }
0xf: {  	[smem:$0x3F9A] =	sst s7  }
0x10: {  	[smem:$0x3F9B] =	sst s8  }
0x11: {  	[smem:$0x3F9C] =	sst s9;
	s0 =	simm.s32 @!p0 $0x0  }
0x12: {  	s1 =	sld [smem:$0x3F82];
	s0 =	simm.s32 @p0 $0x1  }
0x13: {  	[smem:$0x3F9D] =	sst s0;
	s0 =	simm.s32 @!p1 $0x0  }
0x14: {  	s2 =	sld [smem:$0x3F81];
	s0 =	simm.s32 @p1 $0x1  }
0x15: {  	[smem:$0x3F9E] =	sst s0;
	s0 =	simm.s32 @!p2 $0x0  }
0x16: {  	s3 =	sld [smem:$0x3FDB];
	s0 =	simm.s32 @p2 $0x1  }
0x17: {  	s4 =	simm.s32 $0x1BF5;
	[smem:$0x3FA0] =	sst s0  }
0x18: {  	s0 =	sld [smem:$0x3F83];
	_ =	swait.ge [sflag:s4], $0x0  }
0x19: {  	s7 =	sld [smem:$0x3F84]  }
0x1a: {  	s8 =	sadd.s32 $0xFFFFE003, lr  }
0x1b: {  	s9 =	sadd.s32 $0xFFFFFEF7, lr;
	s5 =	simm.s32 $0xFFFFFFFF;
	p2 =	slt.u32 s8, $0xFFFFF086  }
0x1c: {  	p1 =	slt.u32 s9, $0xF7A;
	s5 =	simm.s32 @!p2 $0x0  }
0x1d: {  	s5 =	simm.s32 @p1 $0x1;
	p0 =	seq.s32 s7, s2  }
0x1e: {  	s7 =	smul.u32 @!p0 $0xF7A, s2;
	p2 =	seq.s32 @!p0 s5, $0x0  }
0x1f: {  	s9 =	smul.u32 $0xF7A, s1;
	s8 =	simm.s32 @!p0 $0x1BF5;
	p2 =	por !p2, p0  }
0x20: {  	[sflag:s8] =	ssyncset.s32 @!p0 $0xFFFFF086;
	s6 =	sadd.s32 @!p0 s3, s7;
	s7 =	simm.s32 @!p0 $0x108  }
0x21: {  	s3 =	sadd.s32 s3, s9;
	s6 =	sadd.s32 @!p0 $0x88, s6;
	s7 =	simm.s32 @p2 $0x1082  }
0x22: {  	[simem:s7], [sflag:s8] =	dma.local @!p0 [hbm:s6], $0xF7A  }
0x23: {  	s9 =	sor.u32 $0xD0000000, s2;
	s6 =	simm.s32 $0x108;
	_ =	swait.ge @!p0 [sflag:s8], $0x0  }
0x24: {  	s3 =	sadd.s32 $0x88, s3;
	s6 =	simm.s32 @!p1 $0x1082;
	[sflag:s4] =	ssyncset.s32 $0xFFFFF086  }
0x25: {  	[simem:s6], [sflag:s4] =	dma.local [hbm:s3], $0xF7A  }
0x26: {  	[smem:$0x3F84] =	sst s1;
	(tag) =	ssettag s2;
	_ =	strace s9  }
0x27: {  	s1 =	sld [smem:$0x3F94]  }
0x28: {  	s2 =	sld [smem:$0x3F95]  }
0x29: {  	s4 =	sld [smem:$0x3F97]  }
0x2a: {  	p0 =	seq.s32 s5, $0x0;
	s5 =	sld [smem:$0x3F98]  }
0x2b: {  	s6 =	sld [smem:$0x3F99]  }
0x2c: {  	s7 =	sld [smem:$0x3F9A]  }
0x2d: {  	s3 =	simm.s32 $0x108;
	s8 =	sld [smem:$0x3F9B]  }
0x2e: {  	s3 =	simm.s32 @!p0 $0x1082;
	s9 =	sld [smem:$0x3F9C]  }
0x2f: {  	lr =	sadd.s32 s0, s3;
	s0 =	sld [smem:$0x3F93]  }
0x30: {  	s3 =	sld [smem:$0x3F96]  }
0x31: {  	[smem:$0x3F9F] =	sst s10  }
0x32: {  	s10 =	sld [smem:$0x3F9D];
	_ =	sdelay $0x3  }
0x33: {  	p0 =	seq.s32 s10, $0x1;
	s10 =	sld [smem:$0x3F9F];
	_ =	sdelay $0x3  }
0x34: {  	[smem:$0x3F9F] =	sst s10  }
0x35: {  	s10 =	sld [smem:$0x3F9E];
	_ =	sdelay $0x3  }
0x36: {  	p1 =	seq.s32 s10, $0x1;
	s10 =	sld [smem:$0x3F9F];
	_ =	sdelay $0x3  }
0x37: {  	[smem:$0x3F9F] =	sst s10  }
0x38: {  	s10 =	sld [smem:$0x3FA0]  }
0x39: {  	_ = 	snop;
	(pc) =	sbr.ind lr, $3  }
0x3a: {  	_ = 	snop  }
0x3b: {  	_ = 	snop  }
0x3c: {  	p2 =	seq.s32 s10, $0x1;
	s10 =	sld [smem:$0x3F9F]  }
0x3d: {  	_ =	shalt  }
0x3e: {  	_ =	shalt  }
0x3f: {  	_ =	shalt  }
0x40: {  	_ =	shalt  }
0x41: {  	_ =	shalt  }
0x42: {  	_ =	shalt  }
0x43: {  	_ =	shalt  }
0x44: {  	_ =	shalt  }
0x45: {  	_ =	shalt  }
0x46: {  	_ =	shalt  }
0x47: {  	_ =	shalt  }
0x48: {  	_ =	shalt  }
0x49: {  	_ =	shalt  }
0x4a: {  	_ =	shalt  }
0x4b: {  	_ =	shalt  }
0x4c: {  	_ =	shalt  }
0x4d: {  	_ =	shalt  }
0x4e: {  	_ =	shalt  }
0x4f: {  	_ =	shalt  }
0x50: {  	_ =	shalt  }
0x51: {  	_ =	shalt  }
0x52: {  	_ =	shalt  }
0x53: {  	_ =	shalt  }
0x54: {  	_ =	shalt  }
0x55: {  	_ =	shalt  }
0x56: {  	_ =	shalt  }
0x57: {  	_ =	shalt  }
0x58: {  	_ =	shalt  }
0x59: {  	_ =	shalt  }
0x5a: {  	_ =	shalt  }
0x5b: {  	_ =	shalt  }
0x5c: {  	_ =	shalt  }
0x5d: {  	_ =	shalt  }
0x5e: {  	_ =	shalt  }
0x5f: {  	_ =	shalt  }
0x60: {  	_ =	shalt  }
0x61: {  	_ =	shalt  }
0x62: {  	_ =	shalt  }
0x63: {  	_ =	shalt  }
0x64: {  	_ =	shalt  }
0x65: {  	_ =	shalt  }
0x66: {  	_ =	shalt  }
0x67: {  	_ =	shalt  }
0x68: {  	_ =	shalt  }
0x69: {  	_ =	shalt  }
0x6a: {  	_ =	shalt  }
0x6b: {  	_ =	shalt  }
0x6c: {  	_ =	shalt  }
0x6d: {  	_ =	shalt  }
0x6e: {  	_ =	shalt  }
0x6f: {  	_ =	shalt  }
0x70: {  	_ =	shalt  }
0x71: {  	_ =	shalt  }
0x72: {  	_ =	shalt  }
0x73: {  	_ =	shalt  }
0x74: {  	_ =	shalt  }
0x75: {  	_ =	shalt  }
0x76: {  	_ =	shalt  }
0x77: {  	_ =	shalt  }
0x78: {  	_ =	shalt  }
0x79: {  	_ =	shalt  }
0x7a: {  	_ =	shalt  }
0x7b: {  	_ =	shalt  }
0x7c: {  	_ =	shalt  }
0x7d: {  	_ =	shalt  }
0x7e: {  	_ =	shalt  }
0x7f: {  	_ =	shalt  }
0x80: {  	_ =	shalt  }
0x81: {  	_ =	shalt  }
0x82: {  	_ =	shalt  }
0x83: {  	_ =	shalt  }
0x84: {  	_ =	shalt  }
0x85: {  	_ =	shalt  }
0x86: {  	_ =	shalt  }
0x87: {  	_ =	shalt  }
.Lfunc_end0:
.L_simem_size_0:
called_computation.3_lowered:
.L_overlay_start_0:
0x88: {  	s2 =	sld [smem:$0x3FD9]  }
0x89: {  	s3 =	sld [smem:$0x3FFE];
	_ =	sdelay $0x1  }
0x8a: {  	s1 =	srdreg.scid  }
0x8b: {  	s0 =	sand.u32 $0x1, s1  }
0x8c: {  	s14 =	sshll.u32 s0, $0xA;
	s2 =	sadd.s32 s3, s2  }
0x8d: {  	s2 =	sadd.s32 s2, s14  }
0x8e: {  	[smem:$0x3FAB] =	sst s2  }
0x8f: {  	_ = 	snop  }
0x90: {  	s2 =	sld [smem:$0x3FD0];
	_ =	sdelay $0x2  }
0x91: {  	s15 =	simm.s32 $0xA;
	s4 =	simm.s32 $0x10  }
0x92: {  	[smem:s4], [sflag:s15] =	dma.local [hbm:s2], $0x1  }
0x93: {  	_ =	swait.eq [sflag:s15], $0x1  }
0x94: {  	[sflag:s15] =	ssyncset.done $0x0  }
0x95: {  	s16 =	sld [smem:$0x10];
	[sflag:s15] =	ssyncadd.s32 $0xFFFFFFFF  }
0x96: {  	s17 =	sld [smem:$0x11];
	(tm) =	ssettm $0x1  }
0x97: {  	s18 =	sld [smem:$0x3FFB];
	_ =	sdelay $0x3  }
0x98: {  	_ =	strace s18  }
0x99: {  	s4 =	sld [smem:$0x3FFC];
	_ =	sdelay $0x3  }
0x9a: {  	_ =	strace s4  }
0x9b: {  	s4 =	sld [smem:$0x3FFD];
	_ =	sdelay $0x3  }
0x9c: {  	_ =	strace s4  }
0x9d: {  	_ =	strace $0x8FFFFFFF  }
0x9e: {  	s19 =	sld [smem:$0x3FDB];
	_ =	sdelay $0x1  }
0x9f: {  	s5 =	simm.s32 $_scs_section_size  }
0xa0: {  	s6 =	simm.s32 $_size__tile_overlayer_lowered;
	s7 =	simm.s32 $_tile_overlayer_lowered  }
0xa1: {  	s22 =	simm.s32 $0x1BFF;
	s21 =	sshll.u32 s7, $0x1;
	s4 =	sadd.s32 s5, s19  }
0xa2: {  	s8 =	simm.s32 $0x0;
	s20 =	sshll.u32 s6, $0x1;
	s6 =	sadd.s32 s21, s4  }
0xa3: {  	[timem:s8], [sflag:s22] =	dma.local [hbm:s6], s20  }
0xa4: {  	_ =	swait.ge [sflag:s22], s20  }
0xa5: {  	s5 =	ssub.s32 $0x0, s20;
	[sflag:s22] =	ssyncset.done $0x0  }
0xa6: {  	[sflag:s22] =	ssyncadd.s32 s5;
	_ =	sdelay $0x1  }
0xa7: {  	s23 =	simm.s32 $0x1B8B  }
0xa8: {  	_ =	swait.ge [sflag:s23], $0x1  }
0xa9: {  	[sflag:s23] =	ssyncset.done $0x0  }
0xaa: {  	s25 =	simm.s32 $0x1B8E;
	s24 =	sld [smem:$0x3FFE];
	[sflag:s23] =	ssyncadd.s32 $0xFFFFFFFF  }
0xab: {  	s26 =	simm.s32 $execute0_lowered;
	[smem:$0x3FD2] =	sst s25  }
0xac: {  	s6 =	sshll.u32 s26, $0x1;
	_ =	strace $0x8000004F;
	[dreg:$0x1] =	wrdreg $0xFFFFFFFF  }
0xad: {  	s28 =	simm.s32 $_size_execute0_lowered;
	s4 =	sadd.s32 s4, s6;
	[dreg:$0x0] =	wrdreg $0x0  }
0xae: {  	s6 =	sshll.u32 s28, $0x1;
	[dreg:$0x2] =	wrdreg s4  }
0xaf: {  	[dreg:$0x3] =	wrdreg s6  }
0xb0: {  	[dreg:$0x4] =	wrdreg $0xC0  }
0xb1: {  	_ =	task [dreg:s8], $0x5FFFF  }
0xb2: {  	[dreg:$0x1] =	wrdreg $0xFFFFFFFF  }
0xb3: {  	[dreg:$0x0] =	wrdreg $0x60  }
0xb4: {  	[dreg:$0x2] =	wrdreg s24  }
0xb5: {  	[dreg:$0x3] =	wrdreg s16  }
0xb6: {  	[dreg:$0x4] =	wrdreg s17  }
0xb7: {  	[dreg:$0x5] =	wrdreg $0x51000  }
0xb8: {  	[dreg:$0x6] =	wrdreg $0x191000  }
0xb9: {  	[dreg:$0x7] =	wrdreg $0x9  }
0xba: {  	_ =	task.clear_ibuf [dreg:s8], $0x8FFFF;
	_ =	strace $0x9000004F  }
0xbb: {  	s29 =	simm.s32 $0x9;
	_ =	strace $0x80000051  }
0xbc: {  	_ =	swait.ge [sflag:s29], $0x1  }
0xbd: {  	[sflag:s29] =	ssyncadd.s32 $0xFFFFFFFF  }
0xbe: {  	_ =	strace $0x90000051  }
0xbf: {  	_ =	sfence  }
0xc0: {  	s30 =	sld [smem:$0x0];
	_ =	sdelay $0x2  }
0xc1: {  	s31 =	sshll.u32 s1, $0xD;
	s1 =	sshrl.u32 s1, $0x2  }
0xc2: {  	s3 =	sand.u32 $0x4000, s31;
	s1 =	sadd.s32 s1, s30  }
0xc3: {  	s0 =	sor.u32 s3, s0;
	s1 =	sshll.u32 s1, $0x11  }
0xc4: {  	s0 =	sor.u32 s1, s0  }
0xc5: {  	s0 =	sadd.s32 $0x8F2B, s0  }
0xc6: {  	[sflag:s0] =	ssyncadd.remote.s32 $0x1  }
0xc7: {  	_ =	sfence.sel $0xFFFF  }
0xc8: {  	[dreg:$0x0] =	wrdreg $0xFFFFFFFF;
	(pc) =	sbr.abs _section_cstart, $3  }
0xc9: {  	[dreg:$0x1] =	wrdreg $0xFFFFFFFF  }
0xca: {  	_ =	task.clear_ibuf [dreg:s8], $0x2FFFF;
	_ =	strace $0x9FFFFFFF  }
0xcb: {  	(tm) =	ssettm $0x7FFFFFFF  }
tec
execute0_lowered:
.L_overlay_start_1:
0x0: {  	(tag) =	ssettag $0x1  }
0x1: {  	s7 =	rddreg [dreg:$0x0]  }
0x2: {  	s1 =	rddreg [dreg:$0x1];
	s0 =	stileid.u32  }
0x3: {  	s9 =	rddreg [dreg:$0x2];
	s6 =	smul.u32 $0x4E20, s0  }
0x4: {  	s2 =	srdreg.scid;
	s11 =	smul.u32 $0x4E200, s0  }
0x5: {  	s3 =	rddreg [dreg:$0x3];
	s12 =	smul.u32 $0x14000, s0  }
0x6: {  	s4 =	rddreg [dreg:$0x4];
	s5 =	simm.s32 $0x0;
	s25 =	smul.u32 $0x50000, s0  }
0x7: {  	s19 =	simm.s32 $0x100;
	s20 =	simm.s32 $0x2900;
	s15 =	smul.u32 $0xA000, s0  }
0x8: {  	s21 =	simm.s32 $0x50;
	s8 =	sand.u32 $0x1, s2;
	s29 =	smul.u32 $0x2800, s0  }
0x9: {  	s22 =	simm.s32 $0x0;
	s2 =	rddreg [dreg:$0x5];
	s10 =	smul.u32 $0x2710, s8  }
0xa: {  	[smem:$0x7FF] =	sst s5;
	s30 =	sshll.u32 s0, $0x6;
	s24 =	smul.u32 $0x140000, s8  }
0xb: {  	_ =	strace $0x80000050;
	s13 =	ssub.s32 $0x2, s8;
	s16 =	smul.u32 $0x28000, s8  }
0xc: {  	s8 =	smul.u32 $0x27100, s8;
	s11 =	sadd.s32 s11, s7;
	s26 =	sshrl.u32 s13, $0x1  }
0xd: {  	s28 =	sshrl.u32 s25, $0x2;
	s15 =	sshrl.u32 s15, $0x2;
	s6 =	sadd.s32 s10, s6  }
0xe: {  	s10 =	sadd.s32 s12, s24;
	s13 =	ssub.s32 s13, s26;
	s17 =	sadd.s32 s28, s3  }
0xf: {  	s12 =	sadd.s32 s29, s16;
	s18 =	sadd.s32 s15, s4;
	s31 =	sadd.s32 s8, s11  }
0x10: {  	s16 =	simm.s32 $0x1;
	s6 =	sshrl.u32 s6, $0x3;
	s10 =	sshrl.u32 s10, $0x3  }
0x11: {  	s12 =	sshrl.u32 s12, $0x3;
	s11 =	smax.u32 s13, $0x1;
	s15 =	sshrl.u32 s17, $0x3  }
0x12: {  	s17 =	sshrl.u32 s18, $0x3;
	s14 =	sadd.s32 s6, s7;
	s6 =	sadd.s32 $0x1B200, s7  }
0x13: {  	s10 =	sadd.s32 s10, s7;
	s9 =	sadd.s32 s9, s12;
	s12 =	sadd.s32 $0x13D4200, s31  }
0x14: {  	s18 =	simm.s32 $0x80;
	s8 =	sadd.s32 $0xA10200, s10;
	s10 =	sadd.s32 $0xEF2200, s31  }
0x15: {  	s7 =	sor.u32 $0x1C01, s30;
	s13 =	sadd.s32 $0xA06400, s14;
	s14 =	sadd.s32 $0x7600, s14  }
.LBB2_1:
0x16: {  	[spmem:s15], [sflag:s7] =	dma.local [hbm:s6], $0x2800  }
0x17: {  	_ =	swait.ge [sflag:s16], $0x2800  }
0x18: {  	[sflag:s16] =	ssyncset.done $0x0  }
0x19: {  	[sflag:s16] =	ssyncadd.s32 $0xFFFFD800  }
0x1a: {  	[spmem:s17], [sflag:s7] =	dma.local [hbm:s1], $0x500  }
0x1b: {  	_ =	swait.ge [sflag:s16], $0x500  }
0x1c: {  	[sflag:s16] =	ssyncset.done $0x0  }
0x1d: {  	[sflag:s16] =	ssyncadd.s32 $0xFFFFFB00  }
0x1e: {  	s23 =	sadd.s32 $0x0, s14;
	[bflag:$0x0] =	sbarrier.arrive $0xFFFF  }
0x1f: {  	[tilespmem:s5], [sflag:$0x1] =	stream.linear.gather [hbm4b:s23+s5], $0x50, $0x38;
	[tilespmem:$0x1B900] =	vst v63  }
0x20: {  	_ =	swait.ge [sflag:s16], $0x50  }
0x21: {  	[sflag:s16] =	ssyncset.done $0x0  }
0x22: {  	s31 =	sadd.s32 $0x0, s13;
	[sflag:s16] =	ssyncadd.s32 $0xFFFFFFB0  }
0x23: {  	[tilespmem:s18], [sflag:$0x1] =	stream.linear.gather [hbm4b:s31+s5], $0x50, $0x38;
	[tilespmem:$0x1B900] =	vst v63  }
0x24: {  	_ =	swait.ge [sflag:s16], $0x50  }
0x25: {  	[sflag:s16] =	ssyncset.done $0x0  }
0x26: {  	[sflag:s16] =	ssyncadd.s32 $0xFFFFFFB0  }
0x27: {  	[tilespmem:s19], [sflag:$0x1] =	stream.linear.gather [hbm4b:s10+s5], $0x2800, $0x38;
	[tilespmem:$0x1B900] =	vst v63  }
0x28: {  	_ =	swait.ge [sflag:s16], $0x2800  }
0x29: {  	[sflag:s16] =	ssyncset.done $0x0  }
0x2a: {  	[sflag:s16] =	ssyncadd.s32 $0xFFFFD800  }
0x2b: {  	[tilespmem:s20], [sflag:$0x1] =	stream.linear.gather [hbm4b:s12+s5], $0x2800, $0x38;
	[tilespmem:$0x1B900] =	vst v63  }
0x2c: {  	_ =	swait.ge [sflag:s16], $0x2800  }
0x2d: {  	[sflag:s16] =	ssyncset.done $0x0  }
0x2e: {  	[sflag:s16] =	ssyncadd.s32 $0xFFFFD800  }
0x2f: {  	[spmem:s3] =	stream.indirect.scatter.add.f32 [tilespmem:s19], [sflag:$0x1], $0x80, s5, s21, $0xb8;
	[tilespmem:$0x1B900] =	vst v63  }
0x30: {  	_ =	swait.ge [sflag:s16], $0x2800  }
0x31: {  	[sflag:s16] =	ssyncset.done $0x0  }
0x32: {  	[sflag:s16] =	ssyncadd.s32 $0xFFFFD800  }
0x33: {  	[spmem:s4] =	stream.indirect.scatter.add.f32 [tilespmem:s20], [sflag:$0x1], $0x80, s18, s21, $0xb8;
	[tilespmem:$0x1B900] =	vst v63  }
0x34: {  	s25 =	simm.s32 $0xA;
	s26 =	simm.s32 $0x14;
	_ =	swait.ge [sflag:s16], $0x2800  }
0x35: {  	s24 =	sadd.s32 $0x500, s10;
	s23 =	sadd.s32 $0x500, s12;
	[sflag:s16] =	ssyncset.done $0x0  }
.LBB2_2:
0x36: {  	s28 =	sadd.s32 s25, s14  }
0x37: {  	[sflag:s16] =	ssyncadd.s32 $0xFFFFD800;
	s29 =	smov.u32 s26;
	s30 =	sadd.s32 $0xA, s26  }
0x38: {  	[tilespmem:s5], [sflag:$0x1] =	stream.linear.gather [hbm4b:s28+s5], $0x50, $0x38;
	[tilespmem:$0x1B900] =	vst v63  }
0x39: {  	p0 =	sne.s32 s26, $0x4D8;
	_ =	swait.ge [sflag:s16], $0x50  }
0x3a: {  	[sflag:s16] =	ssyncset.done $0x0  }
0x3b: {  	s26 =	sadd.s32 s25, s13;
	s25 =	smov.u32 s29;
	[sflag:s16] =	ssyncadd.s32 $0xFFFFFFB0  }
0x3c: {  	[tilespmem:s18], [sflag:$0x1] =	stream.linear.gather [hbm4b:s26+s5], $0x50, $0x38;
	[tilespmem:$0x1B900] =	vst v63  }
0x3d: {  	_ =	swait.ge [sflag:s16], $0x50  }
0x3e: {  	[sflag:s16] =	ssyncset.done $0x0  }
0x3f: {  	[sflag:s16] =	ssyncadd.s32 $0xFFFFFFB0  }
0x40: {  	[tilespmem:s19], [sflag:$0x1] =	stream.linear.gather [hbm4b:s24+s5], $0x2800, $0x38;
	[tilespmem:$0x1B900] =	vst v63  }
0x41: {  	_ =	swait.ge [sflag:s16], $0x2800  }
0x42: {  	[sflag:s16] =	ssyncset.done $0x0  }
0x43: {  	[sflag:s16] =	ssyncadd.s32 $0xFFFFD800  }
0x44: {  	[tilespmem:s20], [sflag:$0x1] =	stream.linear.gather [hbm4b:s23+s5], $0x2800, $0x38;
	[tilespmem:$0x1B900] =	vst v63  }
0x45: {  	_ =	swait.ge [sflag:s16], $0x2800  }
0x46: {  	[sflag:s16] =	ssyncset.done $0x0  }
0x47: {  	[sflag:s16] =	ssyncadd.s32 $0xFFFFD800  }
0x48: {  	[spmem:s3] =	stream.indirect.scatter.add.f32 [tilespmem:s19], [sflag:$0x1], $0x80, s5, s21, $0xb8;
	[tilespmem:$0x1B900] =	vst v63  }
0x49: {  	_ =	swait.ge [sflag:s16], $0x2800  }
.Ltmp0:
0x4a: {  	[sflag:s16] =	ssyncset.done $0x0;
	(pc) =	sbr.rel @p0 .LBB2_2-.Ltmp0, $4  }
0x4b: {  	[sflag:s16] =	ssyncadd.s32 $0xFFFFD800  }
0x4c: {  	[spmem:s4] =	stream.indirect.scatter.add.f32 [tilespmem:s20], [sflag:$0x1], $0x80, s18, s21, $0xb8;
	[tilespmem:$0x1B900] =	vst v63  }
0x4d: {  	s26 =	smov.u32 s30;
	_ =	swait.ge [sflag:s16], $0x2800  }
0x4e: {  	s24 =	sadd.s32 $0x500, s24;
	s23 =	sadd.s32 $0x500, s23;
	[sflag:s16] =	ssyncset.done $0x0  }
0x4f: {  	s26 =	sadd.s32 s25, s14;
	[sflag:s16] =	ssyncadd.s32 $0xFFFFD800  }
0x50: {  	[tilespmem:s5], [sflag:$0x1] =	stream.linear.gather [hbm4b:s26+s5], $0x50, $0x38;
	[tilespmem:$0x1B900] =	vst v63  }
0x51: {  	_ =	swait.ge [sflag:s16], $0x50  }
0x52: {  	[sflag:s16] =	ssyncset.done $0x0  }
0x53: {  	s31 =	sadd.s32 s25, s13;
	[sflag:s16] =	ssyncadd.s32 $0xFFFFFFB0  }
0x54: {  	[tilespmem:s18], [sflag:$0x1] =	stream.linear.gather [hbm4b:s31+s5], $0x50, $0x38;
	[tilespmem:$0x1B900] =	vst v63  }
0x55: {  	_ =	swait.ge [sflag:s16], $0x50  }
0x56: {  	[sflag:s16] =	ssyncset.done $0x0  }
0x57: {  	[sflag:s16] =	ssyncadd.s32 $0xFFFFFFB0  }
0x58: {  	[tilespmem:s19], [sflag:$0x1] =	stream.linear.gather [hbm4b:s24+s5], $0x2800, $0x38;
	[tilespmem:$0x1B900] =	vst v63  }
0x59: {  	_ =	swait.ge [sflag:s16], $0x2800  }
0x5a: {  	[sflag:s16] =	ssyncset.done $0x0  }
0x5b: {  	[sflag:s16] =	ssyncadd.s32 $0xFFFFD800  }
0x5c: {  	[tilespmem:s20], [sflag:$0x1] =	stream.linear.gather [hbm4b:s23+s5], $0x2800, $0x38;
	[tilespmem:$0x1B900] =	vst v63  }
0x5d: {  	_ =	swait.ge [sflag:s16], $0x2800  }
0x5e: {  	[sflag:s16] =	ssyncset.done $0x0  }
0x5f: {  	[sflag:s16] =	ssyncadd.s32 $0xFFFFD800  }
0x60: {  	[spmem:s3] =	stream.indirect.scatter.add.f32 [tilespmem:s19], [sflag:$0x1], $0x80, s5, s21, $0xb8;
	[tilespmem:$0x1B900] =	vst v63  }
0x61: {  	_ =	swait.ge [sflag:s16], $0x2800  }
0x62: {  	[sflag:s16] =	ssyncset.done $0x0  }
0x63: {  	[sflag:s16] =	ssyncadd.s32 $0xFFFFD800  }
0x64: {  	[spmem:s4] =	stream.indirect.scatter.add.f32 [tilespmem:s20], [sflag:$0x1], $0x80, s18, s21, $0xb8;
	[tilespmem:$0x1B900] =	vst v63  }
0x65: {  	_ =	swait.ge [sflag:s16], $0x2800  }
0x66: {  	[sflag:s16] =	ssyncset.done $0x0  }
0x67: {  	[sflag:s16] =	ssyncadd.s32 $0xFFFFD800  }
0x68: {  	[bflag:$0x0] =	sbarrier.arrive $0xFFFF  }
0x69: {  	[hbm:s8], [sflag:s7] =	dma.local [spmem:s15], $0x2800  }
0x6a: {  	s22 =	sadd.s32 $0x1, s22;
	_ =	swait.ge [sflag:s16], $0x2800  }
0x6b: {  	p0 =	sne.s32 s22, s11;
	[sflag:s16] =	ssyncset.done $0x0  }
.Ltmp1:
0x6c: {  	[sflag:s16] =	ssyncadd.s32 $0xFFFFD800;
	(pc) =	sbr.rel @p0 .LBB2_1-.Ltmp1, $4  }
0x6d: {  	[hbm:s9], [sflag:s7] =	dma.local [spmem:s17], $0x500  }
0x6e: {  	_ =	swait.ge [sflag:s16], $0x500  }
0x6f: {  	[sflag:s16] =	ssyncset.done $0x0  }
0x70: {  	[sflag:s16] =	ssyncadd.s32 $0xFFFFFB00  }
0x71: {  	_ =	sfence.sel $0x180000  }
0x72: {  	[bflag:$0x0] =	sbarrier.arrive $0xFFFF  }
0x73: {  	p0 =	sne.s32 s0, $0x0;
	_ =	strace $0x90000050  }
0x74: {  	s0 =	sadd.s32 @!p0 $0x100000, s2;
	[bflag:$0x2] =	sbarrier.arrive $0xFFFF  }
0x75: {  	[sflag:s0] =	ssyncadd.tile.s32 @!p0 $0x1;
	_ =	shalt  }
.Lfunc_end2:
_tile_overlayer_lowered:
.L_overlay_start_2:
0x76: {  	(tag) =	ssettag $0x2  }
0x77: {  	s0 =	rddreg [dreg:$0x0];
	s2 =	stileid.u32  }
0x78: {  	s1 =	rddreg [dreg:$0x1];
	p0 =	sne.s32 s2, $0x0  }
0x79: {  	s3 =	rddreg [dreg:$0x2];
	[bflag:$0x3] =	sbarrier.arrive $0xFFFF;
	s2 =	simm.s32 @!p0 $0x1C01  }
0x7a: {  	[timem:s3], [sflag:s2] =	dma.local @!p0 [hbm:s0], s1  }
0x7b: {  	s0 =	simm.s32 @!p0 $0x1  }
0x7c: {  	_ =	swait.ge @!p0 [sflag:s0], s1  }
0x7d: {  	s1 =	ssub.s32 @!p0 $0x0, s1;
	[sflag:s0] =	ssyncset.done @!p0 $0x0  }
0x7e: {  	[sflag:s0] =	ssyncadd.s32 @!p0 s1  }
0x7f: {  	[bflag:$0x3] =	sbarrier.arrive $0xFFFF  }
0x80: {  	_ =	shalt  }

// kernel: kernel.25.cloned.1.call-start
scs
__scs_entry_jumppad:
0x0: {  	(pc) =	sbr.rel $0x88, $3  }
0x1: {  	(tag) =	ssettag $0x0;
	lr =	simm.s32 $0x1  }
0x2: {  	[smem:$0x3F84] =	sst lr;
	_ =	strace $0xD0000000  }
0x3: {  	_ = 	snop  }
0x4: {  	_ = 	snop  }
0x5: {  	_ = 	snop  }
0x6: {  	_ = 	snop  }
0x7: {  	_ = 	snop  }
__scs_overlays_trampoline_lowered:
0x8: {  	[smem:$0x3F93] =	sst s0  }
0x9: {  	[smem:$0x3F94] =	sst s1  }
0xa: {  	[smem:$0x3F95] =	sst s2  }
0xb: {  	[smem:$0x3F96] =	sst s3  }
0xc: {  	[smem:$0x3F97] =	sst s4  }
0xd: {  	[smem:$0x3F98] =	sst s5  }
0xe: {  	[smem:$0x3F99] =	sst s6  }
0xf: {  	[smem:$0x3F9A] =	sst s7  }
0x10: {  	[smem:$0x3F9B] =	sst s8  }
0x11: {  	[smem:$0x3F9C] =	sst s9;
	s0 =	simm.s32 @!p0 $0x0  }
0x12: {  	s1 =	sld [smem:$0x3F82];
	s0 =	simm.s32 @p0 $0x1  }
0x13: {  	[smem:$0x3F9D] =	sst s0;
	s0 =	simm.s32 @!p1 $0x0  }
0x14: {  	s2 =	sld [smem:$0x3F81];
	s0 =	simm.s32 @p1 $0x1  }
0x15: {  	[smem:$0x3F9E] =	sst s0;
	s0 =	simm.s32 @!p2 $0x0  }
0x16: {  	s3 =	sld [smem:$0x3FDB];
	s0 =	simm.s32 @p2 $0x1  }
0x17: {  	s4 =	simm.s32 $0x1BF5;
	[smem:$0x3FA0] =	sst s0  }
0x18: {  	s0 =	sld [smem:$0x3F83];
	_ =	swait.ge [sflag:s4], $0x0  }
0x19: {  	s7 =	sld [smem:$0x3F84]  }
0x1a: {  	s8 =	sadd.s32 $0xFFFFE003, lr  }
0x1b: {  	s9 =	sadd.s32 $0xFFFFFEF7, lr;
	s5 =	simm.s32 $0xFFFFFFFF;
	p2 =	slt.u32 s8, $0xFFFFF086  }
0x1c: {  	p1 =	slt.u32 s9, $0xF7A;
	s5 =	simm.s32 @!p2 $0x0  }
0x1d: {  	s5 =	simm.s32 @p1 $0x1;
	p0 =	seq.s32 s7, s2  }
0x1e: {  	s7 =	smul.u32 @!p0 $0xF7A, s2;
	p2 =	seq.s32 @!p0 s5, $0x0  }
0x1f: {  	s9 =	smul.u32 $0xF7A, s1;
	s8 =	simm.s32 @!p0 $0x1BF5;
	p2 =	por !p2, p0  }
0x20: {  	[sflag:s8] =	ssyncset.s32 @!p0 $0xFFFFF086;
	s6 =	sadd.s32 @!p0 s3, s7;
	s7 =	simm.s32 @!p0 $0x108  }
0x21: {  	s3 =	sadd.s32 s3, s9;
	s6 =	sadd.s32 @!p0 $0x88, s6;
	s7 =	simm.s32 @p2 $0x1082  }
0x22: {  	[simem:s7], [sflag:s8] =	dma.local @!p0 [hbm:s6], $0xF7A  }
0x23: {  	s9 =	sor.u32 $0xD0000000, s2;
	s6 =	simm.s32 $0x108;
	_ =	swait.ge @!p0 [sflag:s8], $0x0  }
0x24: {  	s3 =	sadd.s32 $0x88, s3;
	s6 =	simm.s32 @!p1 $0x1082;
	[sflag:s4] =	ssyncset.s32 $0xFFFFF086  }
0x25: {  	[simem:s6], [sflag:s4] =	dma.local [hbm:s3], $0xF7A  }
0x26: {  	[smem:$0x3F84] =	sst s1;
	(tag) =	ssettag s2;
	_ =	strace s9  }
0x27: {  	s1 =	sld [smem:$0x3F94]  }
0x28: {  	s2 =	sld [smem:$0x3F95]  }
0x29: {  	s4 =	sld [smem:$0x3F97]  }
0x2a: {  	p0 =	seq.s32 s5, $0x0;
	s5 =	sld [smem:$0x3F98]  }
0x2b: {  	s6 =	sld [smem:$0x3F99]  }
0x2c: {  	s7 =	sld [smem:$0x3F9A]  }
0x2d: {  	s3 =	simm.s32 $0x108;
	s8 =	sld [smem:$0x3F9B]  }
0x2e: {  	s3 =	simm.s32 @!p0 $0x1082;
	s9 =	sld [smem:$0x3F9C]  }
0x2f: {  	lr =	sadd.s32 s0, s3;
	s0 =	sld [smem:$0x3F93]  }
0x30: {  	s3 =	sld [smem:$0x3F96]  }
0x31: {  	[smem:$0x3F9F] =	sst s10  }
0x32: {  	s10 =	sld [smem:$0x3F9D];
	_ =	sdelay $0x3  }
0x33: {  	p0 =	seq.s32 s10, $0x1;
	s10 =	sld [smem:$0x3F9F];
	_ =	sdelay $0x3  }
0x34: {  	[smem:$0x3F9F] =	sst s10  }
0x35: {  	s10 =	sld [smem:$0x3F9E];
	_ =	sdelay $0x3  }
0x36: {  	p1 =	seq.s32 s10, $0x1;
	s10 =	sld [smem:$0x3F9F];
	_ =	sdelay $0x3  }
0x37: {  	[smem:$0x3F9F] =	sst s10  }
0x38: {  	s10 =	sld [smem:$0x3FA0]  }
0x39: {  	_ = 	snop;
	(pc) =	sbr.ind lr, $3  }
0x3a: {  	_ = 	snop  }
0x3b: {  	_ = 	snop  }
0x3c: {  	p2 =	seq.s32 s10, $0x1;
	s10 =	sld [smem:$0x3F9F]  }
0x3d: {  	_ =	shalt  }
0x3e: {  	_ =	shalt  }
0x3f: {  	_ =	shalt  }
0x40: {  	_ =	shalt  }
0x41: {  	_ =	shalt  }
0x42: {  	_ =	shalt  }
0x43: {  	_ =	shalt  }
0x44: {  	_ =	shalt  }
0x45: {  	_ =	shalt  }
0x46: {  	_ =	shalt  }
0x47: {  	_ =	shalt  }
0x48: {  	_ =	shalt  }
0x49: {  	_ =	shalt  }
0x4a: {  	_ =	shalt  }
0x4b: {  	_ =	shalt  }
0x4c: {  	_ =	shalt  }
0x4d: {  	_ =	shalt  }
0x4e: {  	_ =	shalt  }
0x4f: {  	_ =	shalt  }
0x50: {  	_ =	shalt  }
0x51: {  	_ =	shalt  }
0x52: {  	_ =	shalt  }
0x53: {  	_ =	shalt  }
0x54: {  	_ =	shalt  }
0x55: {  	_ =	shalt  }
0x56: {  	_ =	shalt  }
0x57: {  	_ =	shalt  }
0x58: {  	_ =	shalt  }
0x59: {  	_ =	shalt  }
0x5a: {  	_ =	shalt  }
0x5b: {  	_ =	shalt  }
0x5c: {  	_ =	shalt  }
0x5d: {  	_ =	shalt  }
0x5e: {  	_ =	shalt  }
0x5f: {  	_ =	shalt  }
0x60: {  	_ =	shalt  }
0x61: {  	_ =	shalt  }
0x62: {  	_ =	shalt  }
0x63: {  	_ =	shalt  }
0x64: {  	_ =	shalt  }
0x65: {  	_ =	shalt  }
0x66: {  	_ =	shalt  }
0x67: {  	_ =	shalt  }
0x68: {  	_ =	shalt  }
0x69: {  	_ =	shalt  }
0x6a: {  	_ =	shalt  }
0x6b: {  	_ =	shalt  }
0x6c: {  	_ =	shalt  }
0x6d: {  	_ =	shalt  }
0x6e: {  	_ =	shalt  }
0x6f: {  	_ =	shalt  }
0x70: {  	_ =	shalt  }
0x71: {  	_ =	shalt  }
0x72: {  	_ =	shalt  }
0x73: {  	_ =	shalt  }
0x74: {  	_ =	shalt  }
0x75: {  	_ =	shalt  }
0x76: {  	_ =	shalt  }
0x77: {  	_ =	shalt  }
0x78: {  	_ =	shalt  }
0x79: {  	_ =	shalt  }
0x7a: {  	_ =	shalt  }
0x7b: {  	_ =	shalt  }
0x7c: {  	_ =	shalt  }
0x7d: {  	_ =	shalt  }
0x7e: {  	_ =	shalt  }
0x7f: {  	_ =	shalt  }
0x80: {  	_ =	shalt  }
0x81: {  	_ =	shalt  }
0x82: {  	_ =	shalt  }
0x83: {  	_ =	shalt  }
0x84: {  	_ =	shalt  }
0x85: {  	_ =	shalt  }
0x86: {  	_ =	shalt  }
0x87: {  	_ =	shalt  }
.Lfunc_end0:
.L_simem_size_0:
called_computation.4_lowered:
.L_overlay_start_0:
0x88: {  	s2 =	sld [smem:$0x3FD9]  }
0x89: {  	s3 =	sld [smem:$0x3FFE];
	_ =	sdelay $0x1  }
0x8a: {  	s1 =	srdreg.scid  }
0x8b: {  	s0 =	sand.u32 $0x1, s1  }
0x8c: {  	s14 =	sshll.u32 s0, $0xA;
	s2 =	sadd.s32 s3, s2  }
0x8d: {  	s2 =	sadd.s32 s2, s14  }
0x8e: {  	[smem:$0x3FAB] =	sst s2  }
0x8f: {  	_ = 	snop  }
0x90: {  	s2 =	sld [smem:$0x3FD0];
	_ =	sdelay $0x2  }
0x91: {  	s15 =	simm.s32 $0xA;
	s4 =	simm.s32 $0x10  }
0x92: {  	[smem:s4], [sflag:s15] =	dma.local [hbm:s2], $0x1  }
0x93: {  	_ =	swait.eq [sflag:s15], $0x1  }
0x94: {  	[sflag:s15] =	ssyncset.done $0x0  }
0x95: {  	[sflag:s15] =	ssyncadd.s32 $0xFFFFFFFF  }
0x96: {  	s16 =	sld [smem:$0x12];
	(tm) =	ssettm $0x1  }
0x97: {  	s17 =	sld [smem:$0x3FFB];
	_ =	sdelay $0x3  }
0x98: {  	_ =	strace s17  }
0x99: {  	s3 =	sld [smem:$0x3FFC];
	_ =	sdelay $0x3  }
0x9a: {  	_ =	strace s3  }
0x9b: {  	s3 =	sld [smem:$0x3FFD];
	_ =	sdelay $0x3  }
0x9c: {  	_ =	strace s3  }
0x9d: {  	_ =	strace $0x8FFFFFFF  }
0x9e: {  	s18 =	sld [smem:$0x3FDB];
	_ =	sdelay $0x1  }
0x9f: {  	s19 =	simm.s32 $_scs_section_size  }
0xa0: {  	s5 =	simm.s32 $_size__tile_overlayer_lowered;
	s6 =	simm.s32 $_tile_overlayer_lowered  }
0xa1: {  	s22 =	simm.s32 $0x1BFF;
	s21 =	sshll.u32 s6, $0x1;
	s3 =	sadd.s32 s19, s18  }
0xa2: {  	s7 =	simm.s32 $0x0;
	s20 =	sshll.u32 s5, $0x1;
	s5 =	sadd.s32 s21, s3  }
0xa3: {  	[timem:s7], [sflag:s22] =	dma.local [hbm:s5], s20  }
0xa4: {  	_ =	swait.ge [sflag:s22], s20  }
0xa5: {  	s4 =	ssub.s32 $0x0, s20;
	[sflag:s22] =	ssyncset.done $0x0  }
0xa6: {  	[sflag:s22] =	ssyncadd.s32 s4;
	_ =	sdelay $0x1  }
0xa7: {  	s23 =	simm.s32 $0x1B8B  }
0xa8: {  	_ =	swait.ge [sflag:s23], $0x1  }
0xa9: {  	[sflag:s23] =	ssyncset.done $0x0  }
0xaa: {  	s25 =	simm.s32 $0x1B8E;
	s24 =	sld [smem:$0x3FFE];
	[sflag:s23] =	ssyncadd.s32 $0xFFFFFFFF  }
0xab: {  	s26 =	simm.s32 $execute0_lowered;
	[smem:$0x3FD2] =	sst s25  }
0xac: {  	s5 =	sshll.u32 s26, $0x1;
	_ =	strace $0x80000052;
	[dreg:$0x1] =	wrdreg $0xFFFFFFFF  }
0xad: {  	s28 =	simm.s32 $_size_execute0_lowered;
	s3 =	sadd.s32 s3, s5;
	[dreg:$0x0] =	wrdreg $0x0  }
0xae: {  	s5 =	sshll.u32 s28, $0x1;
	[dreg:$0x2] =	wrdreg s3  }
0xaf: {  	[dreg:$0x3] =	wrdreg s5  }
0xb0: {  	[dreg:$0x4] =	wrdreg $0xC0  }
0xb1: {  	_ =	task [dreg:s7], $0x5FFFF  }
0xb2: {  	[dreg:$0x1] =	wrdreg $0xFFFFFFFF  }
0xb3: {  	[dreg:$0x0] =	wrdreg $0x60  }
0xb4: {  	[dreg:$0x2] =	wrdreg s16  }
0xb5: {  	[dreg:$0x3] =	wrdreg s24  }
0xb6: {  	[dreg:$0x4] =	wrdreg $0x9  }
0xb7: {  	_ =	task.clear_ibuf [dreg:s7], $0x5FFFF;
	_ =	strace $0x90000052  }
0xb8: {  	s29 =	simm.s32 $0x9;
	_ =	strace $0x80000054  }
0xb9: {  	_ =	swait.ge [sflag:s29], $0x1  }
0xba: {  	[sflag:s29] =	ssyncadd.s32 $0xFFFFFFFF  }
0xbb: {  	_ =	strace $0x90000054  }
0xbc: {  	_ =	sfence  }
0xbd: {  	s30 =	sld [smem:$0x0];
	_ =	sdelay $0x2  }
0xbe: {  	s31 =	sshll.u32 s1, $0xD;
	s1 =	sshrl.u32 s1, $0x2  }
0xbf: {  	s3 =	sand.u32 $0x4000, s31;
	s1 =	sadd.s32 s1, s30  }
0xc0: {  	s0 =	sor.u32 s3, s0;
	s1 =	sshll.u32 s1, $0x11  }
0xc1: {  	s0 =	sor.u32 s1, s0  }
0xc2: {  	s0 =	sadd.s32 $0x8F2B, s0  }
0xc3: {  	[sflag:s0] =	ssyncadd.remote.s32 $0x1  }
0xc4: {  	_ =	sfence.sel $0xFFFF  }
0xc5: {  	[dreg:$0x0] =	wrdreg $0xFFFFFFFF;
	(pc) =	sbr.abs _section_cstart, $3  }
0xc6: {  	[dreg:$0x1] =	wrdreg $0xFFFFFFFF  }
0xc7: {  	_ =	task.clear_ibuf [dreg:s7], $0x2FFFF;
	_ =	strace $0x9FFFFFFF  }
0xc8: {  	(tm) =	ssettm $0x7FFFFFFF  }
0xc9: {  	_ =	shalt  }
tec
execute0_lowered:
.L_overlay_start_1:
0x0: {  	(tag) =	ssettag $0x1  }
0x1: {  	s2 =	rddreg [dreg:$0x0];
	s1 =	srdreg.scid  }
0x2: {  	s0 =	stileid.u32;
	s4 =	rddreg [dreg:$0x1];
	s3 =	simm.s32 $0x0  }
0x3: {  	s10 =	simm.s32 $0x1;
	s11 =	simm.s32 $0x0;
	s6 =	smul.u32 $0x4E20, s0  }
0x4: {  	s5 =	sand.u32 $0x1, s1;
	s1 =	rddreg [dreg:$0x2];
	s8 =	smul.u32 $0x4E200, s0  }
0x5: {  	[smem:$0x7FF] =	sst s3;
	s7 =	smul.u32 $0x2710, s5;
	s9 =	ssub.s32 $0x2, s5  }
0x6: {  	_ =	strace $0x80000053;
	s5 =	smul.u32 $0x27100, s5;
	s31 =	sshrl.u32 s9, $0x1  }
0x7: {  	s30 =	sadd.s32 s8, s4;
	s6 =	sadd.s32 s7, s6;
	s8 =	ssub.s32 s9, s31  }
0x8: {  	s5 =	sadd.s32 s5, s30;
	s7 =	simm.s32 $0x2;
	s6 =	sshrl.u32 s6, $0x3  }
0x9: {  	s9 =	simm.s32 $0x80;
	s5 =	sadd.s32 $0x1B200, s5;
	s6 =	sadd.s32 s6, s4  }
0xa: {  	s4 =	smax.u32 s8, $0x1;
	s8 =	simm.s32 $0x50;
	s6 =	sadd.s32 $0x11400, s6  }
.LBB2_1:
0xb: {  	s12 =	sadd.s32 $0x0, s6  }
0xc: {  	[tilespmem:s3], [sflag:$0x2] =	stream.linear.gather [hbm4b:s12+s3], $0x50, $0x38;
	[tilespmem:$0x2880] =	vst v63  }
0xd: {  	_ =	swait.ge [sflag:s7], $0x50  }
0xe: {  	[sflag:s7] =	ssyncset.done $0x0  }
0xf: {  	[sflag:s7] =	ssyncadd.s32 $0xFFFFFFB0  }
0x10: {  	[tilespmem:s9], [sflag:$0x1] =	stream.indirect.gather [hbm4b:s2+s8], $0x80, s3, s8, $0xb8;
	[tilespmem:$0x2880] =	vst v63  }
0x11: {  	_ =	swait.ge [sflag:s10], $0x2800  }
0x12: {  	[sflag:s10] =	ssyncset.done $0x0  }
0x13: {  	[sflag:s10] =	ssyncadd.s32 $0xFFFFD800  }
0x14: {  	[hbm4b:s5+s3] =	stream.linear.scatter [tilespmem:s9], [sflag:$0x2], $0x2800, $0x38;
	[tilespmem:$0x2880] =	vst v63  }
0x15: {  	s13 =	simm.s32 $0xA;
	_ =	swait.ge [sflag:s7], $0x2800  }
0x16: {  	s14 =	simm.s32 $0x14;
	s12 =	sadd.s32 $0x500, s5;
	[sflag:s7] =	ssyncset.done $0x0  }
.LBB2_2:
0x17: {  	s15 =	sadd.s32 s13, s6  }
0x18: {  	[sflag:s7] =	ssyncadd.s32 $0xFFFFD800;
	s13 =	smov.u32 s14;
	s16 =	sadd.s32 $0xA, s14  }
0x19: {  	[tilespmem:s3], [sflag:$0x2] =	stream.linear.gather [hbm4b:s15+s3], $0x50, $0x38;
	[tilespmem:$0x2880] =	vst v63  }
0x1a: {  	p0 =	sne.s32 s14, $0x4D8;
	_ =	swait.ge [sflag:s7], $0x50  }
0x1b: {  	[sflag:s7] =	ssyncset.done $0x0  }
0x1c: {  	[sflag:s7] =	ssyncadd.s32 $0xFFFFFFB0  }
0x1d: {  	[tilespmem:s9], [sflag:$0x1] =	stream.indirect.gather [hbm4b:s2+s8], $0x80, s3, s8, $0xb8;
	[tilespmem:$0x2880] =	vst v63  }
0x1e: {  	_ =	swait.ge [sflag:s10], $0x2800  }
.Ltmp0:
0x1f: {  	[sflag:s10] =	ssyncset.done $0x0;
	(pc) =	sbr.rel @p0 .LBB2_2-.Ltmp0, $4  }
0x20: {  	[sflag:s10] =	ssyncadd.s32 $0xFFFFD800  }
0x21: {  	[hbm4b:s12+s3] =	stream.linear.scatter [tilespmem:s9], [sflag:$0x2], $0x2800, $0x38;
	[tilespmem:$0x2880] =	vst v63  }
0x22: {  	_ =	swait.ge [sflag:s7], $0x2800  }
0x23: {  	s14 =	smov.u32 s16;
	s12 =	sadd.s32 $0x500, s12;
	[sflag:s7] =	ssyncset.done $0x0  }
0x24: {  	s13 =	sadd.s32 s13, s6;
	[sflag:s7] =	ssyncadd.s32 $0xFFFFD800  }
0x25: {  	[tilespmem:s3], [sflag:$0x2] =	stream.linear.gather [hbm4b:s13+s3], $0x50, $0x38;
	[tilespmem:$0x2880] =	vst v63  }
0x26: {  	_ =	swait.ge [sflag:s7], $0x50  }
0x27: {  	[sflag:s7] =	ssyncset.done $0x0  }
0x28: {  	[sflag:s7] =	ssyncadd.s32 $0xFFFFFFB0  }
0x29: {  	[tilespmem:s9], [sflag:$0x1] =	stream.indirect.gather [hbm4b:s2+s8], $0x80, s3, s8, $0xb8;
	[tilespmem:$0x2880] =	vst v63  }
0x2a: {  	s11 =	sadd.s32 $0x1, s11;
	_ =	swait.ge [sflag:s10], $0x2800  }
0x2b: {  	p0 =	sne.s32 s11, s4;
	[sflag:s10] =	ssyncset.done $0x0  }
.Ltmp1:
0x2c: {  	[sflag:s10] =	ssyncadd.s32 $0xFFFFD800;
	(pc) =	sbr.rel @p0 .LBB2_1-.Ltmp1, $4  }
0x2d: {  	[hbm4b:s12+s3] =	stream.linear.scatter [tilespmem:s9], [sflag:$0x2], $0x2800, $0x38;
	[tilespmem:$0x2880] =	vst v63  }
0x2e: {  	_ =	swait.ge [sflag:s7], $0x2800  }
0x2f: {  	[sflag:s7] =	ssyncset.done $0x0  }
0x30: {  	[sflag:s7] =	ssyncadd.s32 $0xFFFFD800  }
0x31: {  	_ =	sfence.sel $0x180000  }
0x32: {  	[bflag:$0x0] =	sbarrier.arrive $0xFFFF  }
0x33: {  	p0 =	sne.s32 s0, $0x0;
	_ =	strace $0x90000053  }
0x34: {  	s0 =	sadd.s32 @!p0 $0x100000, s1;
	[bflag:$0x2] =	sbarrier.arrive $0xFFFF  }
0x35: {  	[sflag:s0] =	ssyncadd.tile.s32 @!p0 $0x1;
	_ =	shalt  }
.Lfunc_end2:
_tile_overlayer_lowered:
.L_overlay_start_2:
0x36: {  	(tag) =	ssettag $0x2  }
0x37: {  	s0 =	rddreg [dreg:$0x0];
	s2 =	stileid.u32  }
0x38: {  	s1 =	rddreg [dreg:$0x1];
	p0 =	sne.s32 s2, $0x0  }
0x39: {  	s3 =	rddreg [dreg:$0x2];
	[bflag:$0x3] =	sbarrier.arrive $0xFFFF;
	s2 =	simm.s32 @!p0 $0x1C02  }
0x3a: {  	[timem:s3], [sflag:s2] =	dma.local @!p0 [hbm:s0], s1  }
0x3b: {  	s0 =	simm.s32 @!p0 $0x2  }
0x3c: {  	_ =	swait.ge @!p0 [sflag:s0], s1  }
0x3d: {  	s1 =	ssub.s32 @!p0 $0x0, s1;
	[sflag:s0] =	ssyncset.done @!p0 $0x0  }
0x3e: {  	[sflag:s0] =	ssyncadd.s32 @!p0 s1  }
0x3f: {  	[bflag:$0x3] =	sbarrier.arrive $0xFFFF  }
0x40: {  	_ =	shalt  }

</sc_bundles>
